<compile_context>
chip_gen: v7x
topology: tpu7x:2x2x1
jax: 0.10.2.dev20260603
libtpu: 0.0.44.dev20260713+nightly
codegen_flags: <defaults>
</compile_context>

<pallas_src>
import functools

import jax
import jax.numpy as jnp
from jax import lax
from jax.experimental import pallas as pl
from jax.experimental.pallas import tpu as pltpu
from jax.experimental.pallas import tpu_sc as plsc

_P = 1024
_K = 64
_EPS = 1e-5
_HIGH = lax.Precision.HIGHEST
_D = 128
_PT = 128
_GT = 32
_BIGF = 3.0e38


def _fma_sq(a, c):
    p = a * a
    t = a * 4097.0
    ah = t - (t - a)
    al = a - ah
    e = ((ah * ah - p) + 2.0 * (ah * al)) + al * al
    s = p + c
    bv = s - p
    t2 = (p - (s - bv)) + (c - bv)
    return s + (t2 + e)


def _fps_body(xyz_ref, cpx_ref, cpy_ref, cpz_ref):
    X = xyz_ref[0]
    Y = xyz_ref[1]
    Z = xyz_ref[2]
    B, N = X.shape
    iota_n = lax.broadcasted_iota(jnp.int32, (B, N), 1)
    iota_p = lax.broadcasted_iota(jnp.int32, (B, _P), 1)

    def body(i, st):
        dist, far, cpx, cpy, cpz = st
        sel = iota_n == far
        cx = jnp.sum(jnp.where(sel, X, 0.0), axis=1, keepdims=True)
        cy = jnp.sum(jnp.where(sel, Y, 0.0), axis=1, keepdims=True)
        cz = jnp.sum(jnp.where(sel, Z, 0.0), axis=1, keepdims=True)
        col = iota_p == i
        cpx = jnp.where(col, cx, cpx)
        cpy = jnp.where(col, cy, cpy)
        cpz = jnp.where(col, cz, cpz)
        dx = X - cx
        dy = Y - cy
        dz = Z - cz
        d = _fma_sq(dz, _fma_sq(dy, dx * dx))
        dist = jnp.minimum(dist, d)
        m = jnp.max(dist, axis=1, keepdims=True)
        far = jnp.max(jnp.where(dist == m, iota_n, -1), axis=1, keepdims=True)
        return dist, far, cpx, cpy, cpz

    st0 = (
        jnp.full((B, N), 1e10, jnp.float32),
        jnp.zeros((B, 1), jnp.int32),
        jnp.zeros((B, _P), jnp.float32),
        jnp.zeros((B, _P), jnp.float32),
        jnp.zeros((B, _P), jnp.float32),
    )
    _, _, cpx, cpy, cpz = lax.fori_loop(0, _P, body, st0)
    cpx_ref[...] = cpx
    cpy_ref[...] = cpy
    cpz_ref[...] = cpz


def _run_fps(pos):
    B, N, _ = pos.shape
    pos_s = jnp.transpose(pos, (2, 0, 1))
    out = jax.ShapeDtypeStruct((B, _P), jnp.float32)
    cpx, cpy, cpz = pl.pallas_call(
        _fps_body,
        out_shape=[out, out, out],
    )(pos_s)
    return jnp.stack([cpx, cpy, cpz], axis=-1)


def _knn_body(posr_ref, cen_ref, out_ref):
    b = pl.program_id(0)
    N = posr_ref.shape[2]
    px = posr_ref[0, 0:1, :]
    py = posr_ref[0, 1:2, :]
    pz = posr_ref[0, 2:3, :]
    cx = cen_ref[0, :, 0:1]
    cy = cen_ref[0, :, 1:2]
    cz = cen_ref[0, :, 2:3]
    dot = jnp.dot(cen_ref[0], posr_ref[0],
                  preferred_element_type=jnp.float32)
    cn = (cx * cx + cy * cy) + cz * cz
    pn = (px * px + py * py) + pz * pz
    d = (-2.0 * dot + cn) + pn
    iota = lax.broadcasted_iota(jnp.int32, (1, N), 1)
    base = b * N
    for j in range(_K):
        m = jnp.min(d, axis=1, keepdims=True)
        idx = jnp.min(jnp.where(d == m, iota, N), axis=1, keepdims=True)
        out_ref[0, :, pl.ds(j, 1)] = idx + base
        d = jnp.where(iota == idx, _BIGF, d)


def _run_knn(pos, center_pos):
    B, N, _ = pos.shape
    pos_r = jnp.transpose(pos, (0, 2, 1))
    grid = (B, _P // _PT)
    idx = pl.pallas_call(
        _knn_body,
        grid=grid,
        in_specs=[
            pl.BlockSpec((1, 3, N), lambda b, t: (b, 0, 0)),
            pl.BlockSpec((1, _PT, 3), lambda b, t: (b, t, 0)),
        ],
        out_specs=pl.BlockSpec((1, _PT, _K), lambda b, t: (b, t, 0)),
        out_shape=jax.ShapeDtypeStruct((B, _P, _K), jnp.int32),
    )(pos_r, center_pos)
    return idx.reshape(B * _P * _K)


def _run_gather(table, idxf):
    M = idxf.shape[0]
    info = plsc.get_sparse_core_info()
    nw = info.num_cores * info.num_subcores
    mw = M // nw
    ch = 128
    mesh = plsc.VectorSubcoreMesh(core_axis_name="c", subcore_axis_name="s")

    @functools.partial(
        pl.kernel,
        out_type=jax.ShapeDtypeStruct((M, _D), jnp.float32),
        mesh=mesh,
        scratch_types=[
            pltpu.VMEM((ch,), jnp.int32),
            pltpu.VMEM((ch, _D), jnp.float32),
            pltpu.SemaphoreType.DMA,
        ],
    )
    def gath(table_hbm, idx_hbm, out_hbm, idx_v, rows_v, sem):
        wid = lax.axis_index("s") * info.num_cores + lax.axis_index("c")
        base = wid * mw

        def body(i, carry):
            off = base + i * ch
            pltpu.sync_copy(idx_hbm.at[pl.ds(off, ch)], idx_v)
            pltpu.async_copy(table_hbm.at[idx_v], rows_v, sem).wait()
            pltpu.sync_copy(rows_v, out_hbm.at[pl.ds(off, ch)])
            return carry

        lax.fori_loop(0, mw // ch, body, 0)

    return gath(table, idxf)


def _full_spec(shape):
    nd = len(shape)
    return pl.BlockSpec(shape, lambda i, _nd=nd: (0,) * _nd)


def _x2_tile(g_ref, c_ref, w1f_ref, w1rf_ref, c1f_ref):
    g2 = g_ref[...].reshape(_GT * _K, _D)
    h1 = jnp.dot(g2, w1f_ref[...], preferred_element_type=jnp.float32,
                 precision=_HIGH)
    cc = jnp.dot(c_ref[...], w1rf_ref[...], preferred_element_type=jnp.float32,
                 precision=_HIGH)
    h3 = h1.reshape(_GT, _K, 64) + (c1f_ref[...] - cc)[:, None, :]
    return jnp.maximum(h3, 0.0).reshape(_GT * _K, 64)


def _acc_stats(sum_ref, ss_ref, h):
    @pl.when(pl.program_id(0) == 0)
    def _():
        sum_ref[...] = jnp.zeros_like(sum_ref)
        ss_ref[...] = jnp.zeros_like(ss_ref)

    sum_ref[...] += jnp.sum(h, axis=0, keepdims=True)
    ss_ref[...] += jnp.sum(h * h, axis=0, keepdims=True)


def _p1_body(g_ref, c_ref, w1p_ref, w1r_ref, b1_ref, sum_ref, ss_ref):
    g2 = g_ref[...].reshape(_GT * _K, _D)
    h1 = jnp.dot(g2, w1p_ref[...], preferred_element_type=jnp.float32,
                 precision=_HIGH)
    cc = jnp.dot(c_ref[...], w1r_ref[...], preferred_element_type=jnp.float32,
                 precision=_HIGH)
    h3 = h1.reshape(_GT, _K, 64) + (b1_ref[...] - cc)[:, None, :]
    _acc_stats(sum_ref, ss_ref, h3.reshape(_GT * _K, 64))


def _p2_body(g_ref, c_ref, w1f_ref, w1rf_ref, c1f_ref, w2t_ref, b2_ref,
             sum_ref, ss_ref):
    x2 = _x2_tile(g_ref, c_ref, w1f_ref, w1rf_ref, c1f_ref)
    h2 = jnp.dot(x2, w2t_ref[...], preferred_element_type=jnp.float32,
                 precision=_HIGH) + b2_ref[...]
    _acc_stats(sum_ref, ss_ref, h2)


def _p3_body(g_ref, c_ref, w1f_ref, w1rf_ref, c1f_ref, w2f_ref, c2f_ref,
             w3t_ref, b3_ref, sum_ref, ss_ref):
    x2 = _x2_tile(g_ref, c_ref, w1f_ref, w1rf_ref, c1f_ref)
    x3 = jnp.maximum(
        jnp.dot(x2, w2f_ref[...], preferred_element_type=jnp.float32,
                precision=_HIGH) + c2f_ref[...], 0.0)
    h3 = jnp.dot(x3, w3t_ref[...], preferred_element_type=jnp.float32,
                 precision=_HIGH) + b3_ref[...]
    _acc_stats(sum_ref, ss_ref, h3)


def _p4_body(g_ref, c_ref, w1f_ref, w1rf_ref, c1f_ref, w2f_ref, c2f_ref,
             w3f_ref, c3f_ref, out_ref):
    x2 = _x2_tile(g_ref, c_ref, w1f_ref, w1rf_ref, c1f_ref)
    x3 = jnp.maximum(
        jnp.dot(x2, w2f_ref[...], preferred_element_type=jnp.float32,
                precision=_HIGH) + c2f_ref[...], 0.0)
    y = jnp.maximum(
        jnp.dot(x3, w3f_ref[...], preferred_element_type=jnp.float32,
                precision=_HIGH) + c3f_ref[...], 0.0)
    out_ref[...] = jnp.max(y.reshape(_GT, _K, 128), axis=1)


def _run_pass(body, g3, cpos8, weights, out_ch, final=False):
    BP = g3.shape[0]
    grid = (BP // _GT,)
    in_specs = [
        pl.BlockSpec((_GT, _K, _D), lambda i: (i, 0, 0)),
        pl.BlockSpec((_GT, 8), lambda i: (i, 0)),
    ] + [_full_spec(w.shape) for w in weights]
    if final:
        out_specs = pl.BlockSpec((_GT, out_ch), lambda i: (i, 0))
        out_shape = jax.ShapeDtypeStruct((BP, out_ch), jnp.float32)
    else:
        out_specs = [pl.BlockSpec((1, out_ch), lambda i: (0, 0))] * 2
        out_shape = [jax.ShapeDtypeStruct((1, out_ch), jnp.float32)] * 2
    return pl.pallas_call(
        body, grid=grid, in_specs=in_specs,
        out_specs=out_specs, out_shape=out_shape,
    )(g3, cpos8, *weights)


def _fold(sum_v, ss_v, m_tot, b, g, be):
    mu = sum_v.reshape(-1) / m_tot
    var = ss_v.reshape(-1) / m_tot - mu * mu
    s = g / jnp.sqrt(var + _EPS)
    c = (b - mu) * s + be
    return s, c.reshape(1, -1)


def kernel(pos, feat, W1, b1, g1, be1, W2, b2, g2, be2, W3, b3, g3, be3):
    B, N, _ = pos.shape
    Df = feat.shape[-1]
    BP = B * _P
    M = BP * _K
    m_tot = jnp.float32(M)

    center_pos = _run_fps(pos)

    idxf = _run_knn(pos, center_pos)

    table = jnp.concatenate(
        [feat.reshape(B * N, Df), pos.reshape(B * N, 3),
         jnp.zeros((B * N, _D - Df - 3), jnp.float32)], axis=1)
    g_rows = _run_gather(table, idxf)
    g3d = g_rows.reshape(BP, _K, _D)

    cpos8 = jnp.concatenate(
        [center_pos.reshape(BP, 3), jnp.zeros((BP, 5), jnp.float32)], axis=1)

    w1p = jnp.zeros((_D, 64), jnp.float32)
    w1p = w1p.at[0:Df].set(W1[:, 3:].T).at[Df:Df + 3].set(W1[:, :3].T)
    w1r = jnp.zeros((8, 64), jnp.float32).at[0:3].set(W1[:, :3].T)
    w2t = W2.T
    w3t = W3.T
    b1r = b1.reshape(1, 64)
    b2r = b2.reshape(1, 64)
    b3r = b3.reshape(1, 128)

    sum1, ss1 = _run_pass(_p1_body, g3d, cpos8, [w1p, w1r, b1r], 64)
    s1, c1f = _fold(sum1, ss1, m_tot, b1, g1, be1)
    w1f = w1p * s1[None, :]
    w1rf = w1r * s1[None, :]

    sum2, ss2 = _run_pass(_p2_body, g3d, cpos8, [w1f, w1rf, c1f, w2t, b2r], 64)
    s2, c2f = _fold(sum2, ss2, m_tot, b2, g2, be2)
    w2f = w2t * s2[None, :]

    sum3, ss3 = _run_pass(_p3_body, g3d, cpos8,
                          [w1f, w1rf, c1f, w2f, c2f, w3t, b3r], 128)
    s3, c3f = _fold(sum3, ss3, m_tot, b3, g3, be3)
    w3f = w3t * s3[None, :]

    feat_res = _run_pass(_p4_body, g3d, cpos8,
                         [w1f, w1rf, c1f, w2f, c2f, w3f, c3f], 128,
                         final=True)
    return center_pos, feat_res.reshape(B, _P, 128)

# --- scband reference (transcript-rebuilt; emitter-appended) ---
"""Pipeline reference for scband-transition-down-72129680769552 (READ-ONLY COPY).

The authoritative reference and input builder live on the scoring server;
editing this copy changes nothing except your own understanding.
"""

import jax, jax.numpy as jnp
import numpy as np

N_POINTS = 1024
K_NEIGH = 64
EPS = 1e-5


def fps(pos, n_points):
    B, N, _ = pos.shape
    def body(i, carry):
        centroids, dist, farthest = carry
        centroids = centroids.at[:, i].set(farthest)
        cpos = jnp.take_along_axis(pos, farthest[:, None, None].astype(jnp.int32), axis=1)
        d = jnp.sum((pos - cpos) ** 2, axis=-1)
        dist = jnp.minimum(dist, d)
        farthest = jnp.argmax(dist, axis=-1).astype(jnp.int32)
        return centroids, dist, farthest
    centroids0 = jnp.zeros((B, n_points), dtype=jnp.int32)
    dist0 = jnp.full((B, N), 1e10, dtype=pos.dtype)
    far0 = jnp.zeros((B,), dtype=jnp.int32)
    centroids, _, _ = jax.lax.fori_loop(0, n_points, body, (centroids0, dist0, far0))
    return centroids


def square_distance(src, dst):
    d = -2.0 * jnp.einsum('bnc,bmc->bnm', src, dst)
    d = d + jnp.sum(src ** 2, -1)[:, :, None]
    d = d + jnp.sum(dst ** 2, -1)[:, None, :]
    return d


def conv_bn_relu(h, W, b, g, be):
    # 1x1 Conv2d == linear over channel dim; BatchNorm2d in training mode (batch stats)
    h = jnp.einsum('bpkc,oc->bpko', h, W) + b
    mu = jnp.mean(h, axis=(0, 1, 2), keepdims=True)
    var = jnp.var(h, axis=(0, 1, 2), keepdims=True)
    h = (h - mu) / jnp.sqrt(var + EPS) * g + be
    return jax.nn.relu(h)


def setup_inputs(seed: int = 0) -> dict:
    key = jax.random.key(seed)
    ks = jax.random.split(key, 16)
    B, N, Df = 16, 4096, 64
    sizes = [67, 64, 64, 128]
    inp = {
        'pos': jax.random.normal(ks[0], (B, N, 3), dtype=jnp.float32),
        'feat': jax.random.normal(ks[1], (B, N, Df), dtype=jnp.float32),
    }
    j = 2
    for li in range(1, len(sizes)):
        cin, cout = sizes[li - 1], sizes[li]
        inp[f'W{li}'] = jax.random.normal(ks[j], (cout, cin), dtype=jnp.float32) * (1.0 / np.sqrt(cin)); j += 1
        inp[f'b{li}'] = jnp.zeros((cout,), dtype=jnp.float32)
        inp[f'g{li}'] = jnp.ones((cout,), dtype=jnp.float32)
        inp[f'be{li}'] = jnp.zeros((cout,), dtype=jnp.float32)
    return inp


def reference(pos, feat, W1, b1, g1, be1, W2, b2, g2, be2, W3, b3, g3, be3):
    centroids = fps(pos, N_POINTS)                       # (B, P) int32
    center_pos = jnp.take_along_axis(pos, centroids[:, :, None], axis=1)   # (B, P, 3)
    sqrdists = square_distance(center_pos, pos)          # (B, P, N)
    group_idx = jnp.argsort(sqrdists, axis=-1)[:, :, :K_NEIGH]             # (B, P, k)
    grouped_pos = jax.vmap(lambda p, gi: p[gi])(pos, group_idx)            # (B, P, k, 3)
    grouped_feat = jax.vmap(lambda f, gi: f[gi])(feat, group_idx)          # (B, P, k, Df)
    rel = grouped_pos - center_pos[:, :, None, :]
    h = jnp.concatenate([rel, grouped_feat], axis=-1)    # (B, P, k, 67)
    h = conv_bn_relu(h, W1, b1, g1, be1)
    h = conv_bn_relu(h, W2, b2, g2, be2)
    h = conv_bn_relu(h, W3, b3, g3, be3)
    feat_res = jnp.max(h, axis=2)                        # (B, P, 128)  max over k neighbors
    return center_pos, feat_res

if __name__ == "__main__":
    import jax
    _d = setup_inputs()
    print(jax.jit(kernel)(*tuple(_d.values())))

</pallas_src>

<mosaic_0001>
#map = affine_map<(d0, d1) -> (0, 0)>
#map1 = affine_map<(d0, d1) -> (0)>
module attributes {stable_mosaic.version = 14 : i64} {
  func.func @gath(%arg0: i32, %arg1: i32, %arg2: memref<65536x128xf32, #tpu.memory_space<hbm>>, %arg3: memref<1048576xi32, #tpu.memory_space<hbm>>, %arg4: memref<1048576x128xf32, #tpu.memory_space<hbm>>, %arg5: memref<128xi32, #tpu.memory_space<vmem>>, %arg6: memref<128x128xf32, #tpu.memory_space<vmem>>, %arg7: memref<!tpu.dma_semaphore, #tpu.memory_space<semaphore_mem>>) attributes {dimension_semantics = [#tpu.dimension_semantics<core_parallel>, #tpu.dimension_semantics<subcore_parallel>], iteration_bounds = array<i64: 2, 16>, scalar_prefetch = 0 : i64, scratch_operands = 3 : i64, tpu.core_type = #tpu.core_type<sc_vector_subcore>, window_params = [{transform_indices = #map}, {transform_indices = #map1}, {transform_indices = #map}]} {
    %mul3A = arith.constant 2 : i32
    %mul3A_0 = arith.muli %arg1, %mul3A : i32
    %add3A = arith.addi %mul3A_0, %arg0 : i32
    %mul3A_1 = arith.constant 32768 : i32
    %mul3A_2 = arith.muli %add3A, %mul3A_1 : i32
    %scan3A = arith.constant 0 : i32
    %scan3A_3 = arith.constant 0 : i32
    %scan3A_4 = arith.constant 256 : i32
    %scan3A_5 = arith.addi %scan3A_3, %scan3A_4 : i32
    %scan3A_6 = arith.constant 1 : i32
    scf.for %scan3A_8 = %scan3A_3 to %scan3A_5 step %scan3A_6  : i32 {
      %mul3A_9 = arith.constant 128 : i32
      %mul3A_10 = arith.muli %scan3A_8, %mul3A_9 : i32
      %add3A_11 = arith.addi %mul3A_2, %mul3A_10 : i32
      "tpu.region"() ({
        %run_scoped3A = tpu.sem_alloc : memref<!tpu.dma_semaphore, #tpu.memory_space<semaphore_mem>>
        %dma_start3A_16 = tpu.memref_slice %arg3[%add3A_11] : memref<1048576xi32, #tpu.memory_space<hbm>> -> memref<128xi32, #tpu.memory_space<hbm>>
        %dma_start3A_17 = tpu.memref_slice %arg3[%add3A_11] : memref<1048576xi32, #tpu.memory_space<hbm>> -> memref<128xi32, #tpu.memory_space<hbm>>
        tpu.enqueue_dma source(%dma_start3A_17 : memref<128xi32, #tpu.memory_space<hbm>>) target(%arg5 : memref<128xi32, #tpu.memory_space<vmem>>) target_semaphore(%run_scoped3A : memref<!tpu.dma_semaphore, #tpu.memory_space<semaphore_mem>>)
        %dma_wait3A_18 = tpu.memref_slice %arg3[%add3A_11] : memref<1048576xi32, #tpu.memory_space<hbm>> -> memref<128xi32, #tpu.memory_space<hbm>>
        %dma_wait3A_19 = tpu.memref_slice %arg3[%add3A_11] : memref<1048576xi32, #tpu.memory_space<hbm>> -> memref<128xi32, #tpu.memory_space<hbm>>
        tpu.wait_dma2 semaphore(%run_scoped3A : memref<!tpu.dma_semaphore, #tpu.memory_space<semaphore_mem>>) src(%dma_wait3A_19 : memref<128xi32, #tpu.memory_space<hbm>>) dst(%arg5 : memref<128xi32, #tpu.memory_space<vmem>>)
        tpu.yield
      }) : () -> ()
      %dma_start3A = arith.constant 0 : i32
      %dma_start3A_12 = arith.constant 0 : i32
      %dma_start3A_13 = tpu.memref_slice %arg2[%dma_start3A, %dma_start3A_12] : memref<65536x128xf32, #tpu.memory_space<hbm>> -> memref<65536x128xf32, #tpu.memory_space<hbm>>
      tpu.enqueue_indirect_dma source(%dma_start3A_13 : memref<65536x128xf32, #tpu.memory_space<hbm>>) target(%arg6 : memref<128x128xf32, #tpu.memory_space<vmem>>) offsets(%arg5 : memref<128xi32, #tpu.memory_space<vmem>>) semaphore(%arg7 : memref<!tpu.dma_semaphore, #tpu.memory_space<semaphore_mem>>)
      %dma_wait3A = arith.constant 0 : i32
      %dma_wait3A_14 = arith.constant 0 : i32
      %dma_wait3A_15 = tpu.memref_slice %arg2[%dma_wait3A, %dma_wait3A_14] : memref<65536x128xf32, #tpu.memory_space<hbm>> -> memref<65536x128xf32, #tpu.memory_space<hbm>>
      tpu.wait_indirect_dma semaphore(%arg7 : memref<!tpu.dma_semaphore, #tpu.memory_space<semaphore_mem>>) src(%dma_wait3A_15 : memref<65536x128xf32, #tpu.memory_space<hbm>>) dst(%arg6 : memref<128x128xf32, #tpu.memory_space<vmem>>)
      "tpu.region"() ({
        %run_scoped3A = tpu.sem_alloc : memref<!tpu.dma_semaphore, #tpu.memory_space<semaphore_mem>>
        %dma_start3A_16 = arith.constant 0 : i32
        %dma_start3A_17 = tpu.memref_slice %arg4[%add3A_11, %dma_start3A_16] : memref<1048576x128xf32, #tpu.memory_space<hbm>> -> memref<128x128xf32, #tpu.memory_space<hbm>>
        %dma_start3A_18 = arith.constant 0 : i32
        %dma_start3A_19 = tpu.memref_slice %arg4[%add3A_11, %dma_start3A_18] : memref<1048576x128xf32, #tpu.memory_space<hbm>> -> memref<128x128xf32, #tpu.memory_space<hbm>>
        tpu.enqueue_dma source(%arg6 : memref<128x128xf32, #tpu.memory_space<vmem>>) target(%dma_start3A_19 : memref<128x128xf32, #tpu.memory_space<hbm>>) target_semaphore(%run_scoped3A : memref<!tpu.dma_semaphore, #tpu.memory_space<semaphore_mem>>)
        %dma_wait3A_20 = arith.constant 0 : i32
        %dma_wait3A_21 = tpu.memref_slice %arg4[%add3A_11, %dma_wait3A_20] : memref<1048576x128xf32, #tpu.memory_space<hbm>> -> memref<128x128xf32, #tpu.memory_space<hbm>>
        %dma_wait3A_22 = arith.constant 0 : i32
        %dma_wait3A_23 = tpu.memref_slice %arg4[%add3A_11, %dma_wait3A_22] : memref<1048576x128xf32, #tpu.memory_space<hbm>> -> memref<128x128xf32, #tpu.memory_space<hbm>>
        tpu.wait_dma2 semaphore(%run_scoped3A : memref<!tpu.dma_semaphore, #tpu.memory_space<semaphore_mem>>) src(%arg6 : memref<128x128xf32, #tpu.memory_space<vmem>>) dst(%dma_wait3A_23 : memref<128x128xf32, #tpu.memory_space<hbm>>)
        tpu.yield
      }) : () -> ()
    }
    %scan3A_7 = arith.constant 256 : i32
    return
  }
}

module attributes {stable_mosaic.version = 14 : i64} {
  func.func @_fps_body(%arg0: memref<3x16x4096xf32, #tpu.memory_space<vmem>>, %arg1: memref<16x1024xf32, #tpu.memory_space<vmem>>, %arg2: memref<16x1024xf32, #tpu.memory_space<vmem>>, %arg3: memref<16x1024xf32, #tpu.memory_space<vmem>>) attributes {dimension_semantics = [], scalar_prefetch = 0 : i64, scratch_operands = 0 : i64, tpu.core_type = #tpu.core_type<tc>} {
    %get3A = arith.constant 0 : index
    %get3A_0 = arith.constant 0 : index
    %get3A_1 = arith.constant 0 : index
    %get3A_2 = vector.load %arg0[%get3A, %get3A_0, %get3A_1] : memref<3x16x4096xf32, #tpu.memory_space<vmem>>, vector<1x16x4096xf32>
    %get3A_3 = vector.shape_cast %get3A_2 : vector<1x16x4096xf32> to vector<16x4096xf32>
    %get3A_4 = arith.constant 1 : index
    %get3A_5 = arith.constant 0 : index
    %get3A_6 = arith.constant 0 : index
    %get3A_7 = vector.load %arg0[%get3A_4, %get3A_5, %get3A_6] : memref<3x16x4096xf32, #tpu.memory_space<vmem>>, vector<1x16x4096xf32>
    %get3A_8 = vector.shape_cast %get3A_7 : vector<1x16x4096xf32> to vector<16x4096xf32>
    %get3A_9 = arith.constant 2 : index
    %get3A_10 = arith.constant 0 : index
    %get3A_11 = arith.constant 0 : index
    %get3A_12 = vector.load %arg0[%get3A_9, %get3A_10, %get3A_11] : memref<3x16x4096xf32, #tpu.memory_space<vmem>>, vector<1x16x4096xf32>
    %get3A_13 = vector.shape_cast %get3A_12 : vector<1x16x4096xf32> to vector<16x4096xf32>
    %iota3A = tpu.iota {dimensions = array<i32: 1>} : vector<16x4096xi32>
    %iota3A_14 = tpu.iota {dimensions = array<i32: 1>} : vector<16x1024xi32>
    %broadcast_in_dim3A = arith.constant 1.000000e+10 : f32
    %broadcast_in_dim3A_15 = vector.broadcast %broadcast_in_dim3A : f32 to vector<16x4096xf32>
    %broadcast_in_dim3A_16 = arith.constant 0 : i32
    %broadcast_in_dim3A_17 = vector.broadcast %broadcast_in_dim3A_16 : i32 to vector<16x1xi32>
    %broadcast_in_dim3A_18 = arith.constant 0.000000e+00 : f32
    %broadcast_in_dim3A_19 = vector.broadcast %broadcast_in_dim3A_18 : f32 to vector<16x1024xf32>
    %broadcast_in_dim3A_20 = arith.constant 0.000000e+00 : f32
    %broadcast_in_dim3A_21 = vector.broadcast %broadcast_in_dim3A_20 : f32 to vector<16x1024xf32>
    %broadcast_in_dim3A_22 = arith.constant 0.000000e+00 : f32
    %broadcast_in_dim3A_23 = vector.broadcast %broadcast_in_dim3A_22 : f32 to vector<16x1024xf32>
    %scan3A = arith.constant 0 : i32
    %scan3A_24 = arith.constant 1024 : i32
    %scan3A_25 = arith.addi %scan3A, %scan3A_24 : i32
    %scan3A_26 = arith.constant 1 : i32
    %scan3A_27:5 = scf.for %scan3A_37 = %scan3A to %scan3A_25 step %scan3A_26 iter_args(%scan3A_38 = %broadcast_in_dim3A_15, %scan3A_39 = %broadcast_in_dim3A_17, %scan3A_40 = %broadcast_in_dim3A_19, %scan3A_41 = %broadcast_in_dim3A_21, %scan3A_42 = %broadcast_in_dim3A_23) -> (vector<16x4096xf32>, vector<16x1xi32>, vector<16x1024xf32>, vector<16x1024xf32>, vector<16x1024xf32>)  : i32 {
      %eq3A = vector.broadcast %scan3A_39 : vector<16x1xi32> to vector<16x4096xi32>
      %eq3A_43 = arith.cmpi eq, %iota3A, %eq3A : vector<16x4096xi32>
      %jit3A = arith.constant 0.000000e+00 : f32
      %broadcast_in_dim3A_44 = vector.broadcast %jit3A : f32 to vector<16x4096xf32>
      %select_n3A = arith.select %eq3A_43, %get3A_3, %broadcast_in_dim3A_44 : vector<16x4096xi1>, vector<16x4096xf32>
      %reduce_sum3A = arith.constant dense<0.000000e+00> : vector<16xf32>
      %reduce_sum3A_45 = vector.multi_reduction <add>, %select_n3A, %reduce_sum3A [1] : vector<16x4096xf32> to vector<16xf32>
      %broadcast_in_dim3A_46 = vector.shape_cast %reduce_sum3A_45 : vector<16xf32> to vector<16x1xf32>
      %jit3A_47 = arith.constant 0.000000e+00 : f32
      %broadcast_in_dim3A_48 = vector.broadcast %jit3A_47 : f32 to vector<16x4096xf32>
      %select_n3A_49 = arith.select %eq3A_43, %get3A_8, %broadcast_in_dim3A_48 : vector<16x4096xi1>, vector<16x4096xf32>
      %reduce_sum3A_50 = arith.constant dense<0.000000e+00> : vector<16xf32>
      %reduce_sum3A_51 = vector.multi_reduction <add>, %select_n3A_49, %reduce_sum3A_50 [1] : vector<16x4096xf32> to vector<16xf32>
      %broadcast_in_dim3A_52 = vector.shape_cast %reduce_sum3A_51 : vector<16xf32> to vector<16x1xf32>
      %jit3A_53 = arith.constant 0.000000e+00 : f32
      %broadcast_in_dim3A_54 = vector.broadcast %jit3A_53 : f32 to vector<16x4096xf32>
      %select_n3A_55 = arith.select %eq3A_43, %get3A_13, %broadcast_in_dim3A_54 : vector<16x4096xi1>, vector<16x4096xf32>
      %reduce_sum3A_56 = arith.constant dense<0.000000e+00> : vector<16xf32>
      %reduce_sum3A_57 = vector.multi_reduction <add>, %select_n3A_55, %reduce_sum3A_56 [1] : vector<16x4096xf32> to vector<16xf32>
      %broadcast_in_dim3A_58 = vector.shape_cast %reduce_sum3A_57 : vector<16xf32> to vector<16x1xf32>
      %eq3A_59 = vector.broadcast %scan3A_37 : i32 to vector<16x1024xi32>
      %eq3A_60 = arith.cmpi eq, %iota3A_14, %eq3A_59 : vector<16x1024xi32>
      %broadcast_in_dim3A_61 = vector.shape_cast %broadcast_in_dim3A_46 : vector<16x1xf32> to vector<16x1xf32>
      %broadcast_in_dim3A_62 = vector.broadcast %broadcast_in_dim3A_61 : vector<16x1xf32> to vector<16x1024xf32>
      %select_n3A_63 = arith.select %eq3A_60, %broadcast_in_dim3A_62, %scan3A_40 : vector<16x1024xi1>, vector<16x1024xf32>
      %broadcast_in_dim3A_64 = vector.shape_cast %broadcast_in_dim3A_52 : vector<16x1xf32> to vector<16x1xf32>
      %broadcast_in_dim3A_65 = vector.broadcast %broadcast_in_dim3A_64 : vector<16x1xf32> to vector<16x1024xf32>
      %select_n3A_66 = arith.select %eq3A_60, %broadcast_in_dim3A_65, %scan3A_41 : vector<16x1024xi1>, vector<16x1024xf32>
      %broadcast_in_dim3A_67 = vector.shape_cast %broadcast_in_dim3A_58 : vector<16x1xf32> to vector<16x1xf32>
      %broadcast_in_dim3A_68 = vector.broadcast %broadcast_in_dim3A_67 : vector<16x1xf32> to vector<16x1024xf32>
      %select_n3A_69 = arith.select %eq3A_60, %broadcast_in_dim3A_68, %scan3A_42 : vector<16x1024xi1>, vector<16x1024xf32>
      %sub3A = vector.broadcast %broadcast_in_dim3A_46 : vector<16x1xf32> to vector<16x4096xf32>
      %sub3A_70 = arith.subf %get3A_3, %sub3A : vector<16x4096xf32>
      %sub3A_71 = vector.broadcast %broadcast_in_dim3A_52 : vector<16x1xf32> to vector<16x4096xf32>
      %sub3A_72 = arith.subf %get3A_8, %sub3A_71 : vector<16x4096xf32>
      %sub3A_73 = vector.broadcast %broadcast_in_dim3A_58 : vector<16x1xf32> to vector<16x4096xf32>
      %sub3A_74 = arith.subf %get3A_13, %sub3A_73 : vector<16x4096xf32>
      %mul3A = arith.mulf %sub3A_70, %sub3A_70 : vector<16x4096xf32>
      %mul3A_75 = arith.mulf %sub3A_72, %sub3A_72 : vector<16x4096xf32>
      %mul3A_76 = arith.constant 4.097000e+03 : f32
      %mul3A_77 = vector.broadcast %mul3A_76 : f32 to vector<16x4096xf32>
      %mul3A_78 = arith.mulf %sub3A_72, %mul3A_77 : vector<16x4096xf32>
      %sub3A_79 = arith.subf %mul3A_78, %sub3A_72 : vector<16x4096xf32>
      %sub3A_80 = arith.subf %mul3A_78, %sub3A_79 : vector<16x4096xf32>
      %sub3A_81 = arith.subf %sub3A_72, %sub3A_80 : vector<16x4096xf32>
      %mul3A_82 = arith.mulf %sub3A_80, %sub3A_80 : vector<16x4096xf32>
      %sub3A_83 = arith.subf %mul3A_82, %mul3A_75 : vector<16x4096xf32>
      %mul3A_84 = arith.mulf %sub3A_80, %sub3A_81 : vector<16x4096xf32>
      %mul3A_85 = arith.constant 2.000000e+00 : f32
      %mul3A_86 = vector.broadcast %mul3A_85 : f32 to vector<16x4096xf32>
      %mul3A_87 = arith.mulf %mul3A_86, %mul3A_84 : vector<16x4096xf32>
      %add3A = arith.addf %sub3A_83, %mul3A_87 : vector<16x4096xf32>
      %mul3A_88 = arith.mulf %sub3A_81, %sub3A_81 : vector<16x4096xf32>
      %add3A_89 = arith.addf %add3A, %mul3A_88 : vector<16x4096xf32>
      %add3A_90 = arith.addf %mul3A_75, %mul3A : vector<16x4096xf32>
      %sub3A_91 = arith.subf %add3A_90, %mul3A_75 : vector<16x4096xf32>
      %sub3A_92 = arith.subf %add3A_90, %sub3A_91 : vector<16x4096xf32>
      %sub3A_93 = arith.subf %mul3A_75, %sub3A_92 : vector<16x4096xf32>
      %sub3A_94 = arith.subf %mul3A, %sub3A_91 : vector<16x4096xf32>
      %add3A_95 = arith.addf %sub3A_93, %sub3A_94 : vector<16x4096xf32>
      %add3A_96 = arith.addf %add3A_95, %add3A_89 : vector<16x4096xf32>
      %add3A_97 = arith.addf %add3A_90, %add3A_96 : vector<16x4096xf32>
      %mul3A_98 = arith.mulf %sub3A_74, %sub3A_74 : vector<16x4096xf32>
      %mul3A_99 = arith.constant 4.097000e+03 : f32
      %mul3A_100 = vector.broadcast %mul3A_99 : f32 to vector<16x4096xf32>
      %mul3A_101 = arith.mulf %sub3A_74, %mul3A_100 : vector<16x4096xf32>
      %sub3A_102 = arith.subf %mul3A_101, %sub3A_74 : vector<16x4096xf32>
      %sub3A_103 = arith.subf %mul3A_101, %sub3A_102 : vector<16x4096xf32>
      %sub3A_104 = arith.subf %sub3A_74, %sub3A_103 : vector<16x4096xf32>
      %mul3A_105 = arith.mulf %sub3A_103, %sub3A_103 : vector<16x4096xf32>
      %sub3A_106 = arith.subf %mul3A_105, %mul3A_98 : vector<16x4096xf32>
      %mul3A_107 = arith.mulf %sub3A_103, %sub3A_104 : vector<16x4096xf32>
      %mul3A_108 = arith.constant 2.000000e+00 : f32
      %mul3A_109 = vector.broadcast %mul3A_108 : f32 to vector<16x4096xf32>
      %mul3A_110 = arith.mulf %mul3A_109, %mul3A_107 : vector<16x4096xf32>
      %add3A_111 = arith.addf %sub3A_106, %mul3A_110 : vector<16x4096xf32>
      %mul3A_112 = arith.mulf %sub3A_104, %sub3A_104 : vector<16x4096xf32>
      %add3A_113 = arith.addf %add3A_111, %mul3A_112 : vector<16x4096xf32>
      %add3A_114 = arith.addf %mul3A_98, %add3A_97 : vector<16x4096xf32>
      %sub3A_115 = arith.subf %add3A_114, %mul3A_98 : vector<16x4096xf32>
      %sub3A_116 = arith.subf %add3A_114, %sub3A_115 : vector<16x4096xf32>
      %sub3A_117 = arith.subf %mul3A_98, %sub3A_116 : vector<16x4096xf32>
      %sub3A_118 = arith.subf %add3A_97, %sub3A_115 : vector<16x4096xf32>
      %add3A_119 = arith.addf %sub3A_117, %sub3A_118 : vector<16x4096xf32>
      %add3A_120 = arith.addf %add3A_119, %add3A_113 : vector<16x4096xf32>
      %add3A_121 = arith.addf %add3A_114, %add3A_120 : vector<16x4096xf32>
      %min3A = arith.minimumf %scan3A_38, %add3A_121 : vector<16x4096xf32>
      %reduce_max3A = arith.constant dense<0xFF800000> : vector<16xf32>
      %reduce_max3A_122 = vector.multi_reduction <maximumf>, %min3A, %reduce_max3A [1] : vector<16x4096xf32> to vector<16xf32>
      %broadcast_in_dim3A_123 = vector.shape_cast %reduce_max3A_122 : vector<16xf32> to vector<16x1xf32>
      %eq3A_124 = vector.broadcast %broadcast_in_dim3A_123 : vector<16x1xf32> to vector<16x4096xf32>
      %eq3A_125 = arith.cmpf oeq, %min3A, %eq3A_124 : vector<16x4096xf32>
      %jit3A_126 = arith.constant -1 : i32
      %broadcast_in_dim3A_127 = vector.broadcast %jit3A_126 : i32 to vector<16x4096xi32>
      %select_n3A_128 = arith.select %eq3A_125, %iota3A, %broadcast_in_dim3A_127 : vector<16x4096xi1>, vector<16x4096xi32>
      %reduce_max3A_129 = arith.constant dense<-2147483648> : vector<16xi32>
      %reduce_max3A_130 = vector.multi_reduction <maxsi>, %select_n3A_128, %reduce_max3A_129 [1] : vector<16x4096xi32> to vector<16xi32>
      %broadcast_in_dim3A_131 = vector.shape_cast %reduce_max3A_130 : vector<16xi32> to vector<16x1xi32>
      scf.yield %min3A, %broadcast_in_dim3A_131, %select_n3A_63, %select_n3A_66, %select_n3A_69 : vector<16x4096xf32>, vector<16x1xi32>, vector<16x1024xf32>, vector<16x1024xf32>, vector<16x1024xf32>
    }
    %scan3A_28 = arith.constant 1024 : i32
    %swap3A = arith.constant 0 : index
    %swap3A_29 = arith.constant 0 : index
    %swap3A_30 = vector.load %arg1[%swap3A, %swap3A_29] : memref<16x1024xf32, #tpu.memory_space<vmem>>, vector<16x1024xf32>
    tpu.vector_store %arg1[%swap3A, %swap3A_29], %scan3A_27#2 {strides = array<i32>} : memref<16x1024xf32, #tpu.memory_space<vmem>>, vector<16x1024xf32>,
    %swap3A_31 = arith.constant 0 : index
    %swap3A_32 = arith.constant 0 : index
    %swap3A_33 = vector.load %arg2[%swap3A_31, %swap3A_32] : memref<16x1024xf32, #tpu.memory_space<vmem>>, vector<16x1024xf32>
    tpu.vector_store %arg2[%swap3A_31, %swap3A_32], %scan3A_27#3 {strides = array<i32>} : memref<16x1024xf32, #tpu.memory_space<vmem>>, vector<16x1024xf32>,
    %swap3A_34 = arith.constant 0 : index
    %swap3A_35 = arith.constant 0 : index
    %swap3A_36 = vector.load %arg3[%swap3A_34, %swap3A_35] : memref<16x1024xf32, #tpu.memory_space<vmem>>, vector<16x1024xf32>
    tpu.vector_store %arg3[%swap3A_34, %swap3A_35], %scan3A_27#4 {strides = array<i32>} : memref<16x1024xf32, #tpu.memory_space<vmem>>, vector<16x1024xf32>,
    return
  }
}

module attributes {stable_mosaic.version = 14 : i64} {
  func.func @_knn_body(%arg0: i32, %arg1: i32, %arg2: memref<1x3x4096xf32, #tpu.memory_space<vmem>>, %arg3: memref<1x128x3xf32, #tpu.memory_space<vmem>>, %arg4: memref<1x128x64xi32, #tpu.memory_space<vmem>>) attributes {dimension_semantics = [#tpu.dimension_semantics<arbitrary>, #tpu.dimension_semantics<arbitrary>], iteration_bounds = array<i64: 16, 8>, scalar_prefetch = 0 : i64, scratch_operands = 0 : i64, tpu.core_type = #tpu.core_type<tc>, window_params = [{transform_indices = @transform_0, window_bounds = array<i64: 1, 3, 4096>}, {transform_indices = @transform_1, window_bounds = array<i64: 1, 128, 3>}, {transform_indices = @transform_2, window_bounds = array<i64: 1, 128, 64>}]} {
    %get3A = arith.constant 0 : index
    %get3A_0 = arith.constant 0 : index
    %get3A_1 = arith.constant 0 : index
    %get3A_2 = vector.load %arg2[%get3A, %get3A_0, %get3A_1] : memref<1x3x4096xf32, #tpu.memory_space<vmem>>, vector<1x1x4096xf32>
    %get3A_3 = vector.shape_cast %get3A_2 : vector<1x1x4096xf32> to vector<1x4096xf32>
    %get3A_4 = arith.constant 0 : index
    %get3A_5 = arith.constant 1 : index
    %get3A_6 = arith.constant 0 : index
    %get3A_7 = vector.load %arg2[%get3A_4, %get3A_5, %get3A_6] : memref<1x3x4096xf32, #tpu.memory_space<vmem>>, vector<1x1x4096xf32>
    %get3A_8 = vector.shape_cast %get3A_7 : vector<1x1x4096xf32> to vector<1x4096xf32>
    %get3A_9 = arith.constant 0 : index
    %get3A_10 = arith.constant 2 : index
    %get3A_11 = arith.constant 0 : index
    %get3A_12 = vector.load %arg2[%get3A_9, %get3A_10, %get3A_11] : memref<1x3x4096xf32, #tpu.memory_space<vmem>>, vector<1x1x4096xf32>
    %get3A_13 = vector.shape_cast %get3A_12 : vector<1x1x4096xf32> to vector<1x4096xf32>
    %get3A_14 = arith.constant 0 : index
    %get3A_15 = arith.constant 0 : index
    %get3A_16 = arith.constant 0 : index
    %get3A_17 = vector.load %arg3[%get3A_14, %get3A_15, %get3A_16] : memref<1x128x3xf32, #tpu.memory_space<vmem>>, vector<1x128x1xf32>
    %get3A_18 = vector.shape_cast %get3A_17 : vector<1x128x1xf32> to vector<128x1xf32>
    %get3A_19 = arith.constant 0 : index
    %get3A_20 = arith.constant 0 : index
    %get3A_21 = arith.constant 1 : index
    %get3A_22 = vector.load %arg3[%get3A_19, %get3A_20, %get3A_21] : memref<1x128x3xf32, #tpu.memory_space<vmem>>, vector<1x128x1xf32>
    %get3A_23 = vector.shape_cast %get3A_22 : vector<1x128x1xf32> to vector<128x1xf32>
    %get3A_24 = arith.constant 0 : index
    %get3A_25 = arith.constant 0 : index
    %get3A_26 = arith.constant 2 : index
    %get3A_27 = vector.load %arg3[%get3A_24, %get3A_25, %get3A_26] : memref<1x128x3xf32, #tpu.memory_space<vmem>>, vector<1x128x1xf32>
    %get3A_28 = vector.shape_cast %get3A_27 : vector<1x128x1xf32> to vector<128x1xf32>
    %get3A_29 = arith.constant 0 : index
    %get3A_30 = arith.constant 0 : index
    %get3A_31 = arith.constant 0 : index
    %get3A_32 = vector.load %arg3[%get3A_29, %get3A_30, %get3A_31] : memref<1x128x3xf32, #tpu.memory_space<vmem>>, vector<1x128x3xf32>
    %get3A_33 = vector.shape_cast %get3A_32 : vector<1x128x3xf32> to vector<128x3xf32>
    %get3A_34 = arith.constant 0 : index
    %get3A_35 = arith.constant 0 : index
    %get3A_36 = arith.constant 0 : index
    %get3A_37 = vector.load %arg2[%get3A_34, %get3A_35, %get3A_36] : memref<1x3x4096xf32, #tpu.memory_space<vmem>>, vector<1x3x4096xf32>
    %get3A_38 = vector.shape_cast %get3A_37 : vector<1x3x4096xf32> to vector<3x4096xf32>
    %dot_general3A = arith.constant dense<0.000000e+00> : vector<128x4096xf32>
    %dot_general3A_39 = tpu.matmul %get3A_33, %get3A_38, %dot_general3A {dimension_numbers = #tpu.dot_dimension_numbers<[1], [0], [0], [1], [0, 0, 1, 1], [], []>, transpose_lhs_hint = false} : vector<128x3xf32>, vector<3x4096xf32>, vector<128x4096xf32> -> vector<128x4096xf32>
    %mul3A = arith.mulf %get3A_18, %get3A_18 : vector<128x1xf32>
    %mul3A_40 = arith.mulf %get3A_23, %get3A_23 : vector<128x1xf32>
    %add3A = arith.addf %mul3A, %mul3A_40 : vector<128x1xf32>
    %mul3A_41 = arith.mulf %get3A_28, %get3A_28 : vector<128x1xf32>
    %add3A_42 = arith.addf %add3A, %mul3A_41 : vector<128x1xf32>
    %mul3A_43 = arith.mulf %get3A_3, %get3A_3 : vector<1x4096xf32>
    %mul3A_44 = arith.mulf %get3A_8, %get3A_8 : vector<1x4096xf32>
    %add3A_45 = arith.addf %mul3A_43, %mul3A_44 : vector<1x4096xf32>
    %mul3A_46 = arith.mulf %get3A_13, %get3A_13 : vector<1x4096xf32>
    %add3A_47 = arith.addf %add3A_45, %mul3A_46 : vector<1x4096xf32>
    %mul3A_48 = arith.constant -2.000000e+00 : f32
    %mul3A_49 = vector.broadcast %mul3A_48 : f32 to vector<128x4096xf32>
    %mul3A_50 = arith.mulf %mul3A_49, %dot_general3A_39 : vector<128x4096xf32>
    %add3A_51 = vector.broadcast %add3A_42 : vector<128x1xf32> to vector<128x4096xf32>
    %add3A_52 = arith.addf %mul3A_50, %add3A_51 : vector<128x4096xf32>
    %add3A_53 = vector.broadcast %add3A_47 : vector<1x4096xf32> to vector<128x4096xf32>
    %add3A_54 = arith.addf %add3A_52, %add3A_53 : vector<128x4096xf32>
    %iota3A = tpu.iota {dimensions = array<i32: 1>} : vector<1x4096xi32>
    %mul3A_55 = arith.constant 4096 : i32
    %mul3A_56 = arith.muli %arg0, %mul3A_55 : i32
    %reduce_min3A = arith.constant dense<0x7F800000> : vector<128xf32>
    %reduce_min3A_57 = vector.multi_reduction <minimumf>, %add3A_54, %reduce_min3A [1] : vector<128x4096xf32> to vector<128xf32>
    %broadcast_in_dim3A = vector.shape_cast %reduce_min3A_57 : vector<128xf32> to vector<128x1xf32>
    %eq3A = vector.broadcast %broadcast_in_dim3A : vector<128x1xf32> to vector<128x4096xf32>
    %eq3A_58 = arith.cmpf oeq, %add3A_54, %eq3A : vector<128x4096xf32>
    %jit3A = arith.constant 4096 : i32
    %broadcast_in_dim3A_59 = vector.shape_cast %iota3A : vector<1x4096xi32> to vector<1x4096xi32>
    %broadcast_in_dim3A_60 = vector.broadcast %broadcast_in_dim3A_59 : vector<1x4096xi32> to vector<128x4096xi32>
    %broadcast_in_dim3A_61 = vector.broadcast %jit3A : i32 to vector<128x4096xi32>
    %select_n3A = arith.select %eq3A_58, %broadcast_in_dim3A_60, %broadcast_in_dim3A_61 : vector<128x4096xi1>, vector<128x4096xi32>
    %reduce_min3A_62 = arith.constant dense<2147483647> : vector<128xi32>
    %reduce_min3A_63 = vector.multi_reduction <minsi>, %select_n3A, %reduce_min3A_62 [1] : vector<128x4096xi32> to vector<128xi32>
    %broadcast_in_dim3A_64 = vector.shape_cast %reduce_min3A_63 : vector<128xi32> to vector<128x1xi32>
    %add3A_65 = vector.broadcast %mul3A_56 : i32 to vector<128x1xi32>
    %add3A_66 = arith.addi %broadcast_in_dim3A_64, %add3A_65 : vector<128x1xi32>
    %swap3A = arith.constant 0 : index
    %swap3A_67 = arith.constant 0 : index
    %swap3A_68 = arith.constant 0 : index
    %swap3A_69 = vector.load %arg4[%swap3A, %swap3A_67, %swap3A_68] : memref<1x128x64xi32, #tpu.memory_space<vmem>>, vector<1x128x1xi32>
    %swap3A_70 = vector.shape_cast %swap3A_69 : vector<1x128x1xi32> to vector<128x1xi32>
    %swap3A_71 = vector.shape_cast %add3A_66 : vector<128x1xi32> to vector<1x128x1xi32>
    tpu.vector_store %arg4[%swap3A, %swap3A_67, %swap3A_68], %swap3A_71 {strides = array<i32>} : memref<1x128x64xi32, #tpu.memory_space<vmem>>, vector<1x128x1xi32>,
    %eq3A_72 = vector.broadcast %iota3A : vector<1x4096xi32> to vector<128x4096xi32>
    %eq3A_73 = vector.broadcast %broadcast_in_dim3A_64 : vector<128x1xi32> to vector<128x4096xi32>
    %eq3A_74 = arith.cmpi eq, %eq3A_72, %eq3A_73 : vector<128x4096xi32>
    %jit3A_75 = arith.constant 3.000000e+38 : f32
    %broadcast_in_dim3A_76 = vector.broadcast %jit3A_75 : f32 to vector<128x4096xf32>
    %select_n3A_77 = arith.select %eq3A_74, %broadcast_in_dim3A_76, %add3A_54 : vector<128x4096xi1>, vector<128x4096xf32>
    %reduce_min3A_78 = arith.constant dense<0x7F800000> : vector<128xf32>
    %reduce_min3A_79 = vector.multi_reduction <minimumf>, %select_n3A_77, %reduce_min3A_78 [1] : vector<128x4096xf32> to vector<128xf32>
    %broadcast_in_dim3A_80 = vector.shape_cast %reduce_min3A_79 : vector<128xf32> to vector<128x1xf32>
    %eq3A_81 = vector.broadcast %broadcast_in_dim3A_80 : vector<128x1xf32> to vector<128x4096xf32>
    %eq3A_82 = arith.cmpf oeq, %select_n3A_77, %eq3A_81 : vector<128x4096xf32>
    %jit3A_83 = arith.constant 4096 : i32
    %broadcast_in_dim3A_84 = vector.shape_cast %iota3A : vector<1x4096xi32> to vector<1x4096xi32>
    %broadcast_in_dim3A_85 = vector.broadcast %broadcast_in_dim3A_84 : vector<1x4096xi32> to vector<128x4096xi32>
    %broadcast_in_dim3A_86 = vector.broadcast %jit3A_83 : i32 to vector<128x4096xi32>
    %select_n3A_87 = arith.select %eq3A_82, %broadcast_in_dim3A_85, %broadcast_in_dim3A_86 : vector<128x4096xi1>, vector<128x4096xi32>
    %reduce_min3A_88 = arith.constant dense<2147483647> : vector<128xi32>
    %reduce_min3A_89 = vector.multi_reduction <minsi>, %select_n3A_87, %reduce_min3A_88 [1] : vector<128x4096xi32> to vector<128xi32>
    %broadcast_in_dim3A_90 = vector.shape_cast %reduce_min3A_89 : vector<128xi32> to vector<128x1xi32>
    %add3A_91 = vector.broadcast %mul3A_56 : i32 to vector<128x1xi32>
    %add3A_92 = arith.addi %broadcast_in_dim3A_90, %add3A_91 : vector<128x1xi32>
    %swap3A_93 = arith.constant 0 : index
    %swap3A_94 = arith.constant 0 : index
    %swap3A_95 = arith.constant 1 : index
    %swap3A_96 = vector.load %arg4[%swap3A_93, %swap3A_94, %swap3A_95] : memref<1x128x64xi32, #tpu.memory_space<vmem>>, vector<1x128x1xi32>
    %swap3A_97 = vector.shape_cast %swap3A_96 : vector<1x128x1xi32> to vector<128x1xi32>
    %swap3A_98 = vector.shape_cast %add3A_92 : vector<128x1xi32> to vector<1x128x1xi32>
    tpu.vector_store %arg4[%swap3A_93, %swap3A_94, %swap3A_95], %swap3A_98 {strides = array<i32>} : memref<1x128x64xi32, #tpu.memory_space<vmem>>, vector<1x128x1xi32>,
    %eq3A_99 = vector.broadcast %iota3A : vector<1x4096xi32> to vector<128x4096xi32>
    %eq3A_100 = vector.broadcast %broadcast_in_dim3A_90 : vector<128x1xi32> to vector<128x4096xi32>
    %eq3A_101 = arith.cmpi eq, %eq3A_99, %eq3A_100 : vector<128x4096xi32>
    %jit3A_102 = arith.constant 3.000000e+38 : f32
    %broadcast_in_dim3A_103 = vector.broadcast %jit3A_102 : f32 to vector<128x4096xf32>
    %select_n3A_104 = arith.select %eq3A_101, %broadcast_in_dim3A_103, %select_n3A_77 : vector<128x4096xi1>, vector<128x4096xf32>
    %reduce_min3A_105 = arith.constant dense<0x7F800000> : vector<128xf32>
    %reduce_min3A_106 = vector.multi_reduction <minimumf>, %select_n3A_104, %reduce_min3A_105 [1] : vector<128x4096xf32> to vector<128xf32>
    %broadcast_in_dim3A_107 = vector.shape_cast %reduce_min3A_106 : vector<128xf32> to vector<128x1xf32>
    %eq3A_108 = vector.broadcast %broadcast_in_dim3A_107 : vector<128x1xf32> to vector<128x4096xf32>
    %eq3A_109 = arith.cmpf oeq, %select_n3A_104, %eq3A_108 : vector<128x4096xf32>
    %jit3A_110 = arith.constant 4096 : i32
    %broadcast_in_dim3A_111 = vector.shape_cast %iota3A : vector<1x4096xi32> to vector<1x4096xi32>
    %broadcast_in_dim3A_112 = vector.broadcast %broadcast_in_dim3A_111 : vector<1x4096xi32> to vector<128x4096xi32>
    %broadcast_in_dim3A_113 = vector.broadcast %jit3A_110 : i32 to vector<128x4096xi32>
    %select_n3A_114 = arith.select %eq3A_109, %broadcast_in_dim3A_112, %broadcast_in_dim3A_113 : vector<128x4096xi1>, vector<128x4096xi32>
    %reduce_min3A_115 = arith.constant dense<2147483647> : vector<128xi32>
    %reduce_min3A_116 = vector.multi_reduction <minsi>, %select_n3A_114, %reduce_min3A_115 [1] : vector<128x4096xi32> to vector<128xi32>
    %broadcast_in_dim3A_117 = vector.shape_cast %reduce_min3A_116 : vector<128xi32> to vector<128x1xi32>
    %add3A_118 = vector.broadcast %mul3A_56 : i32 to vector<128x1xi32>
    %add3A_119 = arith.addi %broadcast_in_dim3A_117, %add3A_118 : vector<128x1xi32>
    %swap3A_120 = arith.constant 0 : index
    %swap3A_121 = arith.constant 0 : index
    %swap3A_122 = arith.constant 2 : index
    %swap3A_123 = vector.load %arg4[%swap3A_120, %swap3A_121, %swap3A_122] : memref<1x128x64xi32, #tpu.memory_space<vmem>>, vector<1x128x1xi32>
    %swap3A_124 = vector.shape_cast %swap3A_123 : vector<1x128x1xi32> to vector<128x1xi32>
    %swap3A_125 = vector.shape_cast %add3A_119 : vector<128x1xi32> to vector<1x128x1xi32>
    tpu.vector_store %arg4[%swap3A_120, %swap3A_121, %swap3A_122], %swap3A_125 {strides = array<i32>} : memref<1x128x64xi32, #tpu.memory_space<vmem>>, vector<1x128x1xi32>,
    %eq3A_126 = vector.broadcast %iota3A : vector<1x4096xi32> to vector<128x4096xi32>
    %eq3A_127 = vector.broadcast %broadcast_in_dim3A_117 : vector<128x1xi32> to vector<128x4096xi32>
    %eq3A_128 = arith.cmpi eq, %eq3A_126, %eq3A_127 : vector<128x4096xi32>
    %jit3A_129 = arith.constant 3.000000e+38 : f32
    %broadcast_in_dim3A_130 = vector.broadcast %jit3A_129 : f32 to vector<128x4096xf32>
    %select_n3A_131 = arith.select %eq3A_128, %broadcast_in_dim3A_130, %select_n3A_104 : vector<128x4096xi1>, vector<128x4096xf32>
    %reduce_min3A_132 = arith.constant dense<0x7F800000> : vector<128xf32>
    %reduce_min3A_133 = vector.multi_reduction <minimumf>, %select_n3A_131, %reduce_min3A_132 [1] : vector<128x4096xf32> to vector<128xf32>
    %broadcast_in_dim3A_134 = vector.shape_cast %reduce_min3A_133 : vector<128xf32> to vector<128x1xf32>
    %eq3A_135 = vector.broadcast %broadcast_in_dim3A_134 : vector<128x1xf32> to vector<128x4096xf32>
    %eq3A_136 = arith.cmpf oeq, %select_n3A_131, %eq3A_135 : vector<128x4096xf32>
    %jit3A_137 = arith.constant 4096 : i32
    %broadcast_in_dim3A_138 = vector.shape_cast %iota3A : vector<1x4096xi32> to vector<1x4096xi32>
    %broadcast_in_dim3A_139 = vector.broadcast %broadcast_in_dim3A_138 : vector<1x4096xi32> to vector<128x4096xi32>
    %broadcast_in_dim3A_140 = vector.broadcast %jit3A_137 : i32 to vector<128x4096xi32>
    %select_n3A_141 = arith.select %eq3A_136, %broadcast_in_dim3A_139, %broadcast_in_dim3A_140 : vector<128x4096xi1>, vector<128x4096xi32>
    %reduce_min3A_142 = arith.constant dense<2147483647> : vector<128xi32>
    %reduce_min3A_143 = vector.multi_reduction <minsi>, %select_n3A_141, %reduce_min3A_142 [1] : vector<128x4096xi32> to vector<128xi32>
    %broadcast_in_dim3A_144 = vector.shape_cast %reduce_min3A_143 : vector<128xi32> to vector<128x1xi32>
    %add3A_145 = vector.broadcast %mul3A_56 : i32 to vector<128x1xi32>
    %add3A_146 = arith.addi %broadcast_in_dim3A_144, %add3A_145 : vector<128x1xi32>
    %swap3A_147 = arith.constant 0 : index
    %swap3A_148 = arith.constant 0 : index
    %swap3A_149 = arith.constant 3 : index
    %swap3A_150 = vector.load %arg4[%swap3A_147, %swap3A_148, %swap3A_149] : memref<1x128x64xi32, #tpu.memory_space<vmem>>, vector<1x128x1xi32>
    %swap3A_151 = vector.shape_cast %swap3A_150 : vector<1x128x1xi32> to vector<128x1xi32>
    %swap3A_152 = vector.shape_cast %add3A_146 : vector<128x1xi32> to vector<1x128x1xi32>
    tpu.vector_store %arg4[%swap3A_147, %swap3A_148, %swap3A_149], %swap3A_152 {strides = array<i32>} : memref<1x128x64xi32, #tpu.memory_space<vmem>>, vector<1x128x1xi32>,
    %eq3A_153 = vector.broadcast %iota3A : vector<1x4096xi32> to vector<128x4096xi32>
    %eq3A_154 = vector.broadcast %broadcast_in_dim3A_144 : vector<128x1xi32> to vector<128x4096xi32>
    %eq3A_155 = arith.cmpi eq, %eq3A_153, %eq3A_154 : vector<128x4096xi32>
    %jit3A_156 = arith.constant 3.000000e+38 : f32
    %broadcast_in_dim3A_157 = vector.broadcast %jit3A_156 : f32 to vector<128x4096xf32>
    %select_n3A_158 = arith.select %eq3A_155, %broadcast_in_dim3A_157, %select_n3A_131 : vector<128x4096xi1>, vector<128x4096xf32>
    %reduce_min3A_159 = arith.constant dense<0x7F800000> : vector<128xf32>
    %reduce_min3A_160 = vector.multi_reduction <minimumf>, %select_n3A_158, %reduce_min3A_159 [1] : vector<128x4096xf32> to vector<128xf32>
    %broadcast_in_dim3A_161 = vector.shape_cast %reduce_min3A_160 : vector<128xf32> to vector<128x1xf32>
    %eq3A_162 = vector.broadcast %broadcast_in_dim3A_161 : vector<128x1xf32> to vector<128x4096xf32>
    %eq3A_163 = arith.cmpf oeq, %select_n3A_158, %eq3A_162 : vector<128x4096xf32>
    %jit3A_164 = arith.constant 4096 : i32
    %broadcast_in_dim3A_165 = vector.shape_cast %iota3A : vector<1x4096xi32> to vector<1x4096xi32>
    %broadcast_in_dim3A_166 = vector.broadcast %broadcast_in_dim3A_165 : vector<1x4096xi32> to vector<128x4096xi32>
    %broadcast_in_dim3A_167 = vector.broadcast %jit3A_164 : i32 to vector<128x4096xi32>
    %select_n3A_168 = arith.select %eq3A_163, %broadcast_in_dim3A_166, %broadcast_in_dim3A_167 : vector<128x4096xi1>, vector<128x4096xi32>
    %reduce_min3A_169 = arith.constant dense<2147483647> : vector<128xi32>
    %reduce_min3A_170 = vector.multi_reduction <minsi>, %select_n3A_168, %reduce_min3A_169 [1] : vector<128x4096xi32> to vector<128xi32>
    %broadcast_in_dim3A_171 = vector.shape_cast %reduce_min3A_170 : vector<128xi32> to vector<128x1xi32>
    %add3A_172 = vector.broadcast %mul3A_56 : i32 to vector<128x1xi32>
    %add3A_173 = arith.addi %broadcast_in_dim3A_171, %add3A_172 : vector<128x1xi32>
    %swap3A_174 = arith.constant 0 : index
    %swap3A_175 = arith.constant 0 : index
    %swap3A_176 = arith.constant 4 : index
    %swap3A_177 = vector.load %arg4[%swap3A_174, %swap3A_175, %swap3A_176] : memref<1x128x64xi32, #tpu.memory_space<vmem>>, vector<1x128x1xi32>
    %swap3A_178 = vector.shape_cast %swap3A_177 : vector<1x128x1xi32> to vector<128x1xi32>
    %swap3A_179 = vector.shape_cast %add3A_173 : vector<128x1xi32> to vector<1x128x1xi32>
    tpu.vector_store %arg4[%swap3A_174, %swap3A_175, %swap3A_176], %swap3A_179 {strides = array<i32>} : memref<1x128x64xi32, #tpu.memory_space<vmem>>, vector<1x128x1xi32>,
    %eq3A_180 = vector.broadcast %iota3A : vector<1x4096xi32> to vector<128x4096xi32>
    %eq3A_181 = vector.broadcast %broadcast_in_dim3A_171 : vector<128x1xi32> to vector<128x4096xi32>
    %eq3A_182 = arith.cmpi eq, %eq3A_180, %eq3A_181 : vector<128x4096xi32>
    %jit3A_183 = arith.constant 3.000000e+38 : f32
    %broadcast_in_dim3A_184 = vector.broadcast %jit3A_183 : f32 to vector<128x4096xf32>
    %select_n3A_185 = arith.select %eq3A_182, %broadcast_in_dim3A_184, %select_n3A_158 : vector<128x4096xi1>, vector<128x4096xf32>
    %reduce_min3A_186 = arith.constant dense<0x7F800000> : vector<128xf32>
    %reduce_min3A_187 = vector.multi_reduction <minimumf>, %select_n3A_185, %reduce_min3A_186 [1] : vector<128x4096xf32> to vector<128xf32>
    %broadcast_in_dim3A_188 = vector.shape_cast %reduce_min3A_187 : vector<128xf32> to vector<128x1xf32>
    %eq3A_189 = vector.broadcast %broadcast_in_dim3A_188 : vector<128x1xf32> to vector<128x4096xf32>
    %eq3A_190 = arith.cmpf oeq, %select_n3A_185, %eq3A_189 : vector<128x4096xf32>
    %jit3A_191 = arith.constant 4096 : i32
    %broadcast_in_dim3A_192 = vector.shape_cast %iota3A : vector<1x4096xi32> to vector<1x4096xi32>
    %broadcast_in_dim3A_193 = vector.broadcast %broadcast_in_dim3A_192 : vector<1x4096xi32> to vector<128x4096xi32>
    %broadcast_in_dim3A_194 = vector.broadcast %jit3A_191 : i32 to vector<128x4096xi32>
    %select_n3A_195 = arith.select %eq3A_190, %broadcast_in_dim3A_193, %broadcast_in_dim3A_194 : vector<128x4096xi1>, vector<128x4096xi32>
    %reduce_min3A_196 = arith.constant dense<2147483647> : vector<128xi32>
    %reduce_min3A_197 = vector.multi_reduction <minsi>, %select_n3A_195, %reduce_min3A_196 [1] : vector<128x4096xi32> to vector<128xi32>
    %broadcast_in_dim3A_198 = vector.shape_cast %reduce_min3A_197 : vector<128xi32> to vector<128x1xi32>
    %add3A_199 = vector.broadcast %mul3A_56 : i32 to vector<128x1xi32>
    %add3A_200 = arith.addi %broadcast_in_dim3A_198, %add3A_199 : vector<128x1xi32>
    %swap3A_201 = arith.constant 0 : index
    %swap3A_202 = arith.constant 0 : index
    %swap3A_203 = arith.constant 5 : index
    %swap3A_204 = vector.load %arg4[%swap3A_201, %swap3A_202, %swap3A_203] : memref<1x128x64xi32, #tpu.memory_space<vmem>>, vector<1x128x1xi32>
    %swap3A_205 = vector.shape_cast %swap3A_204 : vector<1x128x1xi32> to vector<128x1xi32>
    %swap3A_206 = vector.shape_cast %add3A_200 : vector<128x1xi32> to vector<1x128x1xi32>
    tpu.vector_store %arg4[%swap3A_201, %swap3A_202, %swap3A_203], %swap3A_206 {strides = array<i32>} : memref<1x128x64xi32, #tpu.memory_space<vmem>>, vector<1x128x1xi32>,
    %eq3A_207 = vector.broadcast %iota3A : vector<1x4096xi32> to vector<128x4096xi32>
    %eq3A_208 = vector.broadcast %broadcast_in_dim3A_198 : vector<128x1xi32> to vector<128x4096xi32>
    %eq3A_209 = arith.cmpi eq, %eq3A_207, %eq3A_208 : vector<128x4096xi32>
    %jit3A_210 = arith.constant 3.000000e+38 : f32
    %broadcast_in_dim3A_211 = vector.broadcast %jit3A_210 : f32 to vector<128x4096xf32>
    %select_n3A_212 = arith.select %eq3A_209, %broadcast_in_dim3A_211, %select_n3A_185 : vector<128x4096xi1>, vector<128x4096xf32>
    %reduce_min3A_213 = arith.constant dense<0x7F800000> : vector<128xf32>
    %reduce_min3A_214 = vector.multi_reduction <minimumf>, %select_n3A_212, %reduce_min3A_213 [1] : vector<128x4096xf32> to vector<128xf32>
    %broadcast_in_dim3A_215 = vector.shape_cast %reduce_min3A_214 : vector<128xf32> to vector<128x1xf32>
    %eq3A_216 = vector.broadcast %broadcast_in_dim3A_215 : vector<128x1xf32> to vector<128x4096xf32>
    %eq3A_217 = arith.cmpf oeq, %select_n3A_212, %eq3A_216 : vector<128x4096xf32>
    %jit3A_218 = arith.constant 4096 : i32
    %broadcast_in_dim3A_219 = vector.shape_cast %iota3A : vector<1x4096xi32> to vector<1x4096xi32>
    %broadcast_in_dim3A_220 = vector.broadcast %broadcast_in_dim3A_219 : vector<1x4096xi32> to vector<128x4096xi32>
    %broadcast_in_dim3A_221 = vector.broadcast %jit3A_218 : i32 to vector<128x4096xi32>
    %select_n3A_222 = arith.select %eq3A_217, %broadcast_in_dim3A_220, %broadcast_in_dim3A_221 : vector<128x4096xi1>, vector<128x4096xi32>
    %reduce_min3A_223 = arith.constant dense<2147483647> : vector<128xi32>
    %reduce_min3A_224 = vector.multi_reduction <minsi>, %select_n3A_222, %reduce_min3A_223 [1] : vector<128x4096xi32> to vector<128xi32>
    %broadcast_in_dim3A_225 = vector.shape_cast %reduce_min3A_224 : vector<128xi32> to vector<128x1xi32>
    %add3A_226 = vector.broadcast %mul3A_56 : i32 to vector<128x1xi32>
    %add3A_227 = arith.addi %broadcast_in_dim3A_225, %add3A_226 : vector<128x1xi32>
    %swap3A_228 = arith.constant 0 : index
    %swap3A_229 = arith.constant 0 : index
    %swap3A_230 = arith.constant 6 : index
    %swap3A_231 = vector.load %arg4[%swap3A_228, %swap3A_229, %swap3A_230] : memref<1x128x64xi32, #tpu.memory_space<vmem>>, vector<1x128x1xi32>
    %swap3A_232 = vector.shape_cast %swap3A_231 : vector<1x128x1xi32> to vector<128x1xi32>
    %swap3A_233 = vector.shape_cast %add3A_227 : vector<128x1xi32> to vector<1x128x1xi32>
    tpu.vector_store %arg4[%swap3A_228, %swap3A_229, %swap3A_230], %swap3A_233 {strides = array<i32>} : memref<1x128x64xi32, #tpu.memory_space<vmem>>, vector<1x128x1xi32>,
    %eq3A_234 = vector.broadcast %iota3A : vector<1x4096xi32> to vector<128x4096xi32>
    %eq3A_235 = vector.broadcast %broadcast_in_dim3A_225 : vector<128x1xi32> to vector<128x4096xi32>
    %eq3A_236 = arith.cmpi eq, %eq3A_234, %eq3A_235 : vector<128x4096xi32>
    %jit3A_237 = arith.constant 3.000000e+38 : f32
    %broadcast_in_dim3A_238 = vector.broadcast %jit3A_237 : f32 to vector<128x4096xf32>
    %select_n3A_239 = arith.select %eq3A_236, %broadcast_in_dim3A_238, %select_n3A_212 : vector<128x4096xi1>, vector<128x4096xf32>
    %reduce_min3A_240 = arith.constant dense<0x7F800000> : vector<128xf32>
    %reduce_min3A_241 = vector.multi_reduction <minimumf>, %select_n3A_239, %reduce_min3A_240 [1] : vector<128x4096xf32> to vector<128xf32>
    %broadcast_in_dim3A_242 = vector.shape_cast %reduce_min3A_241 : vector<128xf32> to vector<128x1xf32>
    %eq3A_243 = vector.broadcast %broadcast_in_dim3A_242 : vector<128x1xf32> to vector<128x4096xf32>
    %eq3A_244 = arith.cmpf oeq, %select_n3A_239, %eq3A_243 : vector<128x4096xf32>
    %jit3A_245 = arith.constant 4096 : i32
    %broadcast_in_dim3A_246 = vector.shape_cast %iota3A : vector<1x4096xi32> to vector<1x4096xi32>
    %broadcast_in_dim3A_247 = vector.broadcast %broadcast_in_dim3A_246 : vector<1x4096xi32> to vector<128x4096xi32>
    %broadcast_in_dim3A_248 = vector.broadcast %jit3A_245 : i32 to vector<128x4096xi32>
    %select_n3A_249 = arith.select %eq3A_244, %broadcast_in_dim3A_247, %broadcast_in_dim3A_248 : vector<128x4096xi1>, vector<128x4096xi32>
    %reduce_min3A_250 = arith.constant dense<2147483647> : vector<128xi32>
    %reduce_min3A_251 = vector.multi_reduction <minsi>, %select_n3A_249, %reduce_min3A_250 [1] : vector<128x4096xi32> to vector<128xi32>
    %broadcast_in_dim3A_252 = vector.shape_cast %reduce_min3A_251 : vector<128xi32> to vector<128x1xi32>
    %add3A_253 = vector.broadcast %mul3A_56 : i32 to vector<128x1xi32>
    %add3A_254 = arith.addi %broadcast_in_dim3A_252, %add3A_253 : vector<128x1xi32>
    %swap3A_255 = arith.constant 0 : index
    %swap3A_256 = arith.constant 0 : index
    %swap3A_257 = arith.constant 7 : index
    %swap3A_258 = vector.load %arg4[%swap3A_255, %swap3A_256, %swap3A_257] : memref<1x128x64xi32, #tpu.memory_space<vmem>>, vector<1x128x1xi32>
    %swap3A_259 = vector.shape_cast %swap3A_258 : vector<1x128x1xi32> to vector<128x1xi32>
    %swap3A_260 = vector.shape_cast %add3A_254 : vector<128x1xi32> to vector<1x128x1xi32>
    tpu.vector_store %arg4[%swap3A_255, %swap3A_256, %swap3A_257], %swap3A_260 {strides = array<i32>} : memref<1x128x64xi32, #tpu.memory_space<vmem>>, vector<1x128x1xi32>,
    %eq3A_261 = vector.broadcast %iota3A : vector<1x4096xi32> to vector<128x4096xi32>
    %eq3A_262 = vector.broadcast %broadcast_in_dim3A_252 : vector<128x1xi32> to vector<128x4096xi32>
    %eq3A_263 = arith.cmpi eq, %eq3A_261, %eq3A_262 : vector<128x4096xi32>
    %jit3A_264 = arith.constant 3.000000e+38 : f32
    %broadcast_in_dim3A_265 = vector.broadcast %jit3A_264 : f32 to vector<128x4096xf32>
    %select_n3A_266 = arith.select %eq3A_263, %broadcast_in_dim3A_265, %select_n3A_239 : vector<128x4096xi1>, vector<128x4096xf32>
    %reduce_min3A_267 = arith.constant dense<0x7F800000> : vector<128xf32>
    %reduce_min3A_268 = vector.multi_reduction <minimumf>, %select_n3A_266, %reduce_min3A_267 [1] : vector<128x4096xf32> to vector<128xf32>
    %broadcast_in_dim3A_269 = vector.shape_cast %reduce_min3A_268 : vector<128xf32> to vector<128x1xf32>
    %eq3A_270 = vector.broadcast %broadcast_in_dim3A_269 : vector<128x1xf32> to vector<128x4096xf32>
    %eq3A_271 = arith.cmpf oeq, %select_n3A_266, %eq3A_270 : vector<128x4096xf32>
    %jit3A_272 = arith.constant 4096 : i32
    %broadcast_in_dim3A_273 = vector.shape_cast %iota3A : vector<1x4096xi32> to vector<1x4096xi32>
    %broadcast_in_dim3A_274 = vector.broadcast %broadcast_in_dim3A_273 : vector<1x4096xi32> to vector<128x4096xi32>
    %broadcast_in_dim3A_275 = vector.broadcast %jit3A_272 : i32 to vector<128x4096xi32>
    %select_n3A_276 = arith.select %eq3A_271, %broadcast_in_dim3A_274, %broadcast_in_dim3A_275 : vector<128x4096xi1>, vector<128x4096xi32>
    %reduce_min3A_277 = arith.constant dense<2147483647> : vector<128xi32>
    %reduce_min3A_278 = vector.multi_reduction <minsi>, %select_n3A_276, %reduce_min3A_277 [1] : vector<128x4096xi32> to vector<128xi32>
    %broadcast_in_dim3A_279 = vector.shape_cast %reduce_min3A_278 : vector<128xi32> to vector<128x1xi32>
    %add3A_280 = vector.broadcast %mul3A_56 : i32 to vector<128x1xi32>
    %add3A_281 = arith.addi %broadcast_in_dim3A_279, %add3A_280 : vector<128x1xi32>
    %swap3A_282 = arith.constant 0 : index
    %swap3A_283 = arith.constant 0 : index
    %swap3A_284 = arith.constant 8 : index
    %swap3A_285 = vector.load %arg4[%swap3A_282, %swap3A_283, %swap3A_284] : memref<1x128x64xi32, #tpu.memory_space<vmem>>, vector<1x128x1xi32>
    %swap3A_286 = vector.shape_cast %swap3A_285 : vector<1x128x1xi32> to vector<128x1xi32>
    %swap3A_287 = vector.shape_cast %add3A_281 : vector<128x1xi32> to vector<1x128x1xi32>
    tpu.vector_store %arg4[%swap3A_282, %swap3A_283, %swap3A_284], %swap3A_287 {strides = array<i32>} : memref<1x128x64xi32, #tpu.memory_space<vmem>>, vector<1x128x1xi32>,
    %eq3A_288 = vector.broadcast %iota3A : vector<1x4096xi32> to vector<128x4096xi32>
    %eq3A_289 = vector.broadcast %broadcast_in_dim3A_279 : vector<128x1xi32> to vector<128x4096xi32>
    %eq3A_290 = arith.cmpi eq, %eq3A_288, %eq3A_289 : vector<128x4096xi32>
    %jit3A_291 = arith.constant 3.000000e+38 : f32
    %broadcast_in_dim3A_292 = vector.broadcast %jit3A_291 : f32 to vector<128x4096xf32>
    %select_n3A_293 = arith.select %eq3A_290, %broadcast_in_dim3A_292, %select_n3A_266 : vector<128x4096xi1>, vector<128x4096xf32>
    %reduce_min3A_294 = arith.constant dense<0x7F800000> : vector<128xf32>
    %reduce_min3A_295 = vector.multi_reduction <minimumf>, %select_n3A_293, %reduce_min3A_294 [1] : vector<128x4096xf32> to vector<128xf32>
    %broadcast_in_dim3A_296 = vector.shape_cast %reduce_min3A_295 : vector<128xf32> to vector<128x1xf32>
    %eq3A_297 = vector.broadcast %broadcast_in_dim3A_296 : vector<128x1xf32> to vector<128x4096xf32>
    %eq3A_298 = arith.cmpf oeq, %select_n3A_293, %eq3A_297 : vector<128x4096xf32>
    %jit3A_299 = arith.constant 4096 : i32
    %broadcast_in_dim3A_300 = vector.shape_cast %iota3A : vector<1x4096xi32> to vector<1x4096xi32>
    %broadcast_in_dim3A_301 = vector.broadcast %broadcast_in_dim3A_300 : vector<1x4096xi32> to vector<128x4096xi32>
    %broadcast_in_dim3A_302 = vector.broadcast %jit3A_299 : i32 to vector<128x4096xi32>
    %select_n3A_303 = arith.select %eq3A_298, %broadcast_in_dim3A_301, %broadcast_in_dim3A_302 : vector<128x4096xi1>, vector<128x4096xi32>
    %reduce_min3A_304 = arith.constant dense<2147483647> : vector<128xi32>
    %reduce_min3A_305 = vector.multi_reduction <minsi>, %select_n3A_303, %reduce_min3A_304 [1] : vector<128x4096xi32> to vector<128xi32>
    %broadcast_in_dim3A_306 = vector.shape_cast %reduce_min3A_305 : vector<128xi32> to vector<128x1xi32>
    %add3A_307 = vector.broadcast %mul3A_56 : i32 to vector<128x1xi32>
    %add3A_308 = arith.addi %broadcast_in_dim3A_306, %add3A_307 : vector<128x1xi32>
    %swap3A_309 = arith.constant 0 : index
    %swap3A_310 = arith.constant 0 : index
    %swap3A_311 = arith.constant 9 : index
    %swap3A_312 = vector.load %arg4[%swap3A_309, %swap3A_310, %swap3A_311] : memref<1x128x64xi32, #tpu.memory_space<vmem>>, vector<1x128x1xi32>
    %swap3A_313 = vector.shape_cast %swap3A_312 : vector<1x128x1xi32> to vector<128x1xi32>
    %swap3A_314 = vector.shape_cast %add3A_308 : vector<128x1xi32> to vector<1x128x1xi32>
    tpu.vector_store %arg4[%swap3A_309, %swap3A_310, %swap3A_311], %swap3A_314 {strides = array<i32>} : memref<1x128x64xi32, #tpu.memory_space<vmem>>, vector<1x128x1xi32>,
    %eq3A_315 = vector.broadcast %iota3A : vector<1x4096xi32> to vector<128x4096xi32>
    %eq3A_316 = vector.broadcast %broadcast_in_dim3A_306 : vector<128x1xi32> to vector<128x4096xi32>
    %eq3A_317 = arith.cmpi eq, %eq3A_315, %eq3A_316 : vector<128x4096xi32>
    %jit3A_318 = arith.constant 3.000000e+38 : f32
    %broadcast_in_dim3A_319 = vector.broadcast %jit3A_318 : f32 to vector<128x4096xf32>
    %select_n3A_320 = arith.select %eq3A_317, %broadcast_in_dim3A_319, %select_n3A_293 : vector<128x4096xi1>, vector<128x4096xf32>
    %reduce_min3A_321 = arith.constant dense<0x7F800000> : vector<128xf32>
    %reduce_min3A_322 = vector.multi_reduction <minimumf>, %select_n3A_320, %reduce_min3A_321 [1] : vector<128x4096xf32> to vector<128xf32>
    %broadcast_in_dim3A_323 = vector.shape_cast %reduce_min3A_322 : vector<128xf32> to vector<128x1xf32>
    %eq3A_324 = vector.broadcast %broadcast_in_dim3A_323 : vector<128x1xf32> to vector<128x4096xf32>
    %eq3A_325 = arith.cmpf oeq, %select_n3A_320, %eq3A_324 : vector<128x4096xf32>
    %jit3A_326 = arith.constant 4096 : i32
    %broadcast_in_dim3A_327 = vector.shape_cast %iota3A : vector<1x4096xi32> to vector<1x4096xi32>
    %broadcast_in_dim3A_328 = vector.broadcast %broadcast_in_dim3A_327 : vector<1x4096xi32> to vector<128x4096xi32>
    %broadcast_in_dim3A_329 = vector.broadcast %jit3A_326 : i32 to vector<128x4096xi32>
    %select_n3A_330 = arith.select %eq3A_325, %broadcast_in_dim3A_328, %broadcast_in_dim3A_329 : vector<128x4096xi1>, vector<128x4096xi32>
    %reduce_min3A_331 = arith.constant dense<2147483647> : vector<128xi32>
    %reduce_min3A_332 = vector.multi_reduction <minsi>, %select_n3A_330, %reduce_min3A_331 [1] : vector<128x4096xi32> to vector<128xi32>
    %broadcast_in_dim3A_333 = vector.shape_cast %reduce_min3A_332 : vector<128xi32> to vector<128x1xi32>
    %add3A_334 = vector.broadcast %mul3A_56 : i32 to vector<128x1xi32>
    %add3A_335 = arith.addi %broadcast_in_dim3A_333, %add3A_334 : vector<128x1xi32>
    %swap3A_336 = arith.constant 0 : index
    %swap3A_337 = arith.constant 0 : index
    %swap3A_338 = arith.constant 10 : index
    %swap3A_339 = vector.load %arg4[%swap3A_336, %swap3A_337, %swap3A_338] : memref<1x128x64xi32, #tpu.memory_space<vmem>>, vector<1x128x1xi32>
    %swap3A_340 = vector.shape_cast %swap3A_339 : vector<1x128x1xi32> to vector<128x1xi32>
    %swap3A_341 = vector.shape_cast %add3A_335 : vector<128x1xi32> to vector<1x128x1xi32>
    tpu.vector_store %arg4[%swap3A_336, %swap3A_337, %swap3A_338], %swap3A_341 {strides = array<i32>} : memref<1x128x64xi32, #tpu.memory_space<vmem>>, vector<1x128x1xi32>,
    %eq3A_342 = vector.broadcast %iota3A : vector<1x4096xi32> to vector<128x4096xi32>
    %eq3A_343 = vector.broadcast %broadcast_in_dim3A_333 : vector<128x1xi32> to vector<128x4096xi32>
    %eq3A_344 = arith.cmpi eq, %eq3A_342, %eq3A_343 : vector<128x4096xi32>
    %jit3A_345 = arith.constant 3.000000e+38 : f32
    %broadcast_in_dim3A_346 = vector.broadcast %jit3A_345 : f32 to vector<128x4096xf32>
    %select_n3A_347 = arith.select %eq3A_344, %broadcast_in_dim3A_346, %select_n3A_320 : vector<128x4096xi1>, vector<128x4096xf32>
    %reduce_min3A_348 = arith.constant dense<0x7F800000> : vector<128xf32>
    %reduce_min3A_349 = vector.multi_reduction <minimumf>, %select_n3A_347, %reduce_min3A_348 [1] : vector<128x4096xf32> to vector<128xf32>
    %broadcast_in_dim3A_350 = vector.shape_cast %reduce_min3A_349 : vector<128xf32> to vector<128x1xf32>
    %eq3A_351 = vector.broadcast %broadcast_in_dim3A_350 : vector<128x1xf32> to vector<128x4096xf32>
    %eq3A_352 = arith.cmpf oeq, %select_n3A_347, %eq3A_351 : vector<128x4096xf32>
    %jit3A_353 = arith.constant 4096 : i32
    %broadcast_in_dim3A_354 = vector.shape_cast %iota3A : vector<1x4096xi32> to vector<1x4096xi32>
    %broadcast_in_dim3A_355 = vector.broadcast %broadcast_in_dim3A_354 : vector<1x4096xi32> to vector<128x4096xi32>
    %broadcast_in_dim3A_356 = vector.broadcast %jit3A_353 : i32 to vector<128x4096xi32>
    %select_n3A_357 = arith.select %eq3A_352, %broadcast_in_dim3A_355, %broadcast_in_dim3A_356 : vector<128x4096xi1>, vector<128x4096xi32>
    %reduce_min3A_358 = arith.constant dense<2147483647> : vector<128xi32>
    %reduce_min3A_359 = vector.multi_reduction <minsi>, %select_n3A_357, %reduce_min3A_358 [1] : vector<128x4096xi32> to vector<128xi32>
    %broadcast_in_dim3A_360 = vector.shape_cast %reduce_min3A_359 : vector<128xi32> to vector<128x1xi32>
    %add3A_361 = vector.broadcast %mul3A_56 : i32 to vector<128x1xi32>
    %add3A_362 = arith.addi %broadcast_in_dim3A_360, %add3A_361 : vector<128x1xi32>
    %swap3A_363 = arith.constant 0 : index
    %swap3A_364 = arith.constant 0 : index
    %swap3A_365 = arith.constant 11 : index
    %swap3A_366 = vector.load %arg4[%swap3A_363, %swap3A_364, %swap3A_365] : memref<1x128x64xi32, #tpu.memory_space<vmem>>, vector<1x128x1xi32>
    %swap3A_367 = vector.shape_cast %swap3A_366 : vector<1x128x1xi32> to vector<128x1xi32>
    %swap3A_368 = vector.shape_cast %add3A_362 : vector<128x1xi32> to vector<1x128x1xi32>
    tpu.vector_store %arg4[%swap3A_363, %swap3A_364, %swap3A_365], %swap3A_368 {strides = array<i32>} : memref<1x128x64xi32, #tpu.memory_space<vmem>>, vector<1x128x1xi32>,
    %eq3A_369 = vector.broadcast %iota3A : vector<1x4096xi32> to vector<128x4096xi32>
    %eq3A_370 = vector.broadcast %broadcast_in_dim3A_360 : vector<128x1xi32> to vector<128x4096xi32>
    %eq3A_371 = arith.cmpi eq, %eq3A_369, %eq3A_370 : vector<128x4096xi32>
    %jit3A_372 = arith.constant 3.000000e+38 : f32
    %broadcast_in_dim3A_373 = vector.broadcast %jit3A_372 : f32 to vector<128x4096xf32>
    %select_n3A_374 = arith.select %eq3A_371, %broadcast_in_dim3A_373, %select_n3A_347 : vector<128x4096xi1>, vector<128x4096xf32>
    %reduce_min3A_375 = arith.constant dense<0x7F800000> : vector<128xf32>
    %reduce_min3A_376 = vector.multi_reduction <minimumf>, %select_n3A_374, %reduce_min3A_375 [1] : vector<128x4096xf32> to vector<128xf32>
    %broadcast_in_dim3A_377 = vector.shape_cast %reduce_min3A_376 : vector<128xf32> to vector<128x1xf32>
    %eq3A_378 = vector.broadcast %broadcast_in_dim3A_377 : vector<128x1xf32> to vector<128x4096xf32>
    %eq3A_379 = arith.cmpf oeq, %select_n3A_374, %eq3A_378 : vector<128x4096xf32>
    %jit3A_380 = arith.constant 4096 : i32
    %broadcast_in_dim3A_381 = vector.shape_cast %iota3A : vector<1x4096xi32> to vector<1x4096xi32>
    %broadcast_in_dim3A_382 = vector.broadcast %broadcast_in_dim3A_381 : vector<1x4096xi32> to vector<128x4096xi32>
    %broadcast_in_dim3A_383 = vector.broadcast %jit3A_380 : i32 to vector<128x4096xi32>
    %select_n3A_384 = arith.select %eq3A_379, %broadcast_in_dim3A_382, %broadcast_in_dim3A_383 : vector<128x4096xi1>, vector<128x4096xi32>
    %reduce_min3A_385 = arith.constant dense<2147483647> : vector<128xi32>
    %reduce_min3A_386 = vector.multi_reduction <minsi>, %select_n3A_384, %reduce_min3A_385 [1] : vector<128x4096xi32> to vector<128xi32>
    %broadcast_in_dim3A_387 = vector.shape_cast %reduce_min3A_386 : vector<128xi32> to vector<128x1xi32>
    %add3A_388 = vector.broadcast %mul3A_56 : i32 to vector<128x1xi32>
    %add3A_389 = arith.addi %broadcast_in_dim3A_387, %add3A_388 : vector<128x1xi32>
    %swap3A_390 = arith.constant 0 : index
    %swap3A_391 = arith.constant 0 : index
    %swap3A_392 = arith.constant 12 : index
    %swap3A_393 = vector.load %arg4[%swap3A_390, %swap3A_391, %swap3A_392] : memref<1x128x64xi32, #tpu.memory_space<vmem>>, vector<1x128x1xi32>
    %swap3A_394 = vector.shape_cast %swap3A_393 : vector<1x128x1xi32> to vector<128x1xi32>
    %swap3A_395 = vector.shape_cast %add3A_389 : vector<128x1xi32> to vector<1x128x1xi32>
    tpu.vector_store %arg4[%swap3A_390, %swap3A_391, %swap3A_392], %swap3A_395 {strides = array<i32>} : memref<1x128x64xi32, #tpu.memory_space<vmem>>, vector<1x128x1xi32>,
    %eq3A_396 = vector.broadcast %iota3A : vector<1x4096xi32> to vector<128x4096xi32>
    %eq3A_397 = vector.broadcast %broadcast_in_dim3A_387 : vector<128x1xi32> to vector<128x4096xi32>
    %eq3A_398 = arith.cmpi eq, %eq3A_396, %eq3A_397 : vector<128x4096xi32>
    %jit3A_399 = arith.constant 3.000000e+38 : f32
    %broadcast_in_dim3A_400 = vector.broadcast %jit3A_399 : f32 to vector<128x4096xf32>
    %select_n3A_401 = arith.select %eq3A_398, %broadcast_in_dim3A_400, %select_n3A_374 : vector<128x4096xi1>, vector<128x4096xf32>
    %reduce_min3A_402 = arith.constant dense<0x7F800000> : vector<128xf32>
    %reduce_min3A_403 = vector.multi_reduction <minimumf>, %select_n3A_401, %reduce_min3A_402 [1] : vector<128x4096xf32> to vector<128xf32>
    %broadcast_in_dim3A_404 = vector.shape_cast %reduce_min3A_403 : vector<128xf32> to vector<128x1xf32>
    %eq3A_405 = vector.broadcast %broadcast_in_dim3A_404 : vector<128x1xf32> to vector<128x4096xf32>
    %eq3A_406 = arith.cmpf oeq, %select_n3A_401, %eq3A_405 : vector<128x4096xf32>
    %jit3A_407 = arith.constant 4096 : i32
    %broadcast_in_dim3A_408 = vector.shape_cast %iota3A : vector<1x4096xi32> to vector<1x4096xi32>
    %broadcast_in_dim3A_409 = vector.broadcast %broadcast_in_dim3A_408 : vector<1x4096xi32> to vector<128x4096xi32>
    %broadcast_in_dim3A_410 = vector.broadcast %jit3A_407 : i32 to vector<128x4096xi32>
    %select_n3A_411 = arith.select %eq3A_406, %broadcast_in_dim3A_409, %broadcast_in_dim3A_410 : vector<128x4096xi1>, vector<128x4096xi32>
    %reduce_min3A_412 = arith.constant dense<2147483647> : vector<128xi32>
    %reduce_min3A_413 = vector.multi_reduction <minsi>, %select_n3A_411, %reduce_min3A_412 [1] : vector<128x4096xi32> to vector<128xi32>
    %broadcast_in_dim3A_414 = vector.shape_cast %reduce_min3A_413 : vector<128xi32> to vector<128x1xi32>
    %add3A_415 = vector.broadcast %mul3A_56 : i32 to vector<128x1xi32>
    %add3A_416 = arith.addi %broadcast_in_dim3A_414, %add3A_415 : vector<128x1xi32>
    %swap3A_417 = arith.constant 0 : index
    %swap3A_418 = arith.constant 0 : index
    %swap3A_419 = arith.constant 13 : index
    %swap3A_420 = vector.load %arg4[%swap3A_417, %swap3A_418, %swap3A_419] : memref<1x128x64xi32, #tpu.memory_space<vmem>>, vector<1x128x1xi32>
    %swap3A_421 = vector.shape_cast %swap3A_420 : vector<1x128x1xi32> to vector<128x1xi32>
    %swap3A_422 = vector.shape_cast %add3A_416 : vector<128x1xi32> to vector<1x128x1xi32>
    tpu.vector_store %arg4[%swap3A_417, %swap3A_418, %swap3A_419], %swap3A_422 {strides = array<i32>} : memref<1x128x64xi32, #tpu.memory_space<vmem>>, vector<1x128x1xi32>,
    %eq3A_423 = vector.broadcast %iota3A : vector<1x4096xi32> to vector<128x4096xi32>
    %eq3A_424 = vector.broadcast %broadcast_in_dim3A_414 : vector<128x1xi32> to vector<128x4096xi32>
    %eq3A_425 = arith.cmpi eq, %eq3A_423, %eq3A_424 : vector<128x4096xi32>
    %jit3A_426 = arith.constant 3.000000e+38 : f32
    %broadcast_in_dim3A_427 = vector.broadcast %jit3A_426 : f32 to vector<128x4096xf32>
    %select_n3A_428 = arith.select %eq3A_425, %broadcast_in_dim3A_427, %select_n3A_401 : vector<128x4096xi1>, vector<128x4096xf32>
    %reduce_min3A_429 = arith.constant dense<0x7F800000> : vector<128xf32>
    %reduce_min3A_430 = vector.multi_reduction <minimumf>, %select_n3A_428, %reduce_min3A_429 [1] : vector<128x4096xf32> to vector<128xf32>
    %broadcast_in_dim3A_431 = vector.shape_cast %reduce_min3A_430 : vector<128xf32> to vector<128x1xf32>
    %eq3A_432 = vector.broadcast %broadcast_in_dim3A_431 : vector<128x1xf32> to vector<128x4096xf32>
    %eq3A_433 = arith.cmpf oeq, %select_n3A_428, %eq3A_432 : vector<128x4096xf32>
    %jit3A_434 = arith.constant 4096 : i32
    %broadcast_in_dim3A_435 = vector.shape_cast %iota3A : vector<1x4096xi32> to vector<1x4096xi32>
    %broadcast_in_dim3A_436 = vector.broadcast %broadcast_in_dim3A_435 : vector<1x4096xi32> to vector<128x4096xi32>
    %broadcast_in_dim3A_437 = vector.broadcast %jit3A_434 : i32 to vector<128x4096xi32>
    %select_n3A_438 = arith.select %eq3A_433, %broadcast_in_dim3A_436, %broadcast_in_dim3A_437 : vector<128x4096xi1>, vector<128x4096xi32>
    %reduce_min3A_439 = arith.constant dense<2147483647> : vector<128xi32>
    %reduce_min3A_440 = vector.multi_reduction <minsi>, %select_n3A_438, %reduce_min3A_439 [1] : vector<128x4096xi32> to vector<128xi32>
    %broadcast_in_dim3A_441 = vector.shape_cast %reduce_min3A_440 : vector<128xi32> to vector<128x1xi32>
    %add3A_442 = vector.broadcast %mul3A_56 : i32 to vector<128x1xi32>
    %add3A_443 = arith.addi %broadcast_in_dim3A_441, %add3A_442 : vector<128x1xi32>
    %swap3A_444 = arith.constant 0 : index
    %swap3A_445 = arith.constant 0 : index
    %swap3A_446 = arith.constant 14 : index
    %swap3A_447 = vector.load %arg4[%swap3A_444, %swap3A_445, %swap3A_446] : memref<1x128x64xi32, #tpu.memory_space<vmem>>, vector<1x128x1xi32>
    %swap3A_448 = vector.shape_cast %swap3A_447 : vector<1x128x1xi32> to vector<128x1xi32>
    %swap3A_449 = vector.shape_cast %add3A_443 : vector<128x1xi32> to vector<1x128x1xi32>
    tpu.vector_store %arg4[%swap3A_444, %swap3A_445, %swap3A_446], %swap3A_449 {strides = array<i32>} : memref<1x128x64xi32, #tpu.memory_space<vmem>>, vector<1x128x1xi32>,
    %eq3A_450 = vector.broadcast %iota3A : vector<1x4096xi32> to vector<128x4096xi32>
    %eq3A_451 = vector.broadcast %broadcast_in_dim3A_441 : vector<128x1xi32> to vector<128x4096xi32>
    %eq3A_452 = arith.cmpi eq, %eq3A_450, %eq3A_451 : vector<128x4096xi32>
    %jit3A_453 = arith.constant 3.000000e+38 : f32
    %broadcast_in_dim3A_454 = vector.broadcast %jit3A_453 : f32 to vector<128x4096xf32>
    %select_n3A_455 = arith.select %eq3A_452, %broadcast_in_dim3A_454, %select_n3A_428 : vector<128x4096xi1>, vector<128x4096xf32>
    %reduce_min3A_456 = arith.constant dense<0x7F800000> : vector<128xf32>
    %reduce_min3A_457 = vector.multi_reduction <minimumf>, %select_n3A_455, %reduce_min3A_456 [1] : vector<128x4096xf32> to vector<128xf32>
    %broadcast_in_dim3A_458 = vector.shape_cast %reduce_min3A_457 : vector<128xf32> to vector<128x1xf32>
    %eq3A_459 = vector.broadcast %broadcast_in_dim3A_458 : vector<128x1xf32> to vector<128x4096xf32>
    %eq3A_460 = arith.cmpf oeq, %select_n3A_455, %eq3A_459 : vector<128x4096xf32>
    %jit3A_461 = arith.constant 4096 : i32
    %broadcast_in_dim3A_462 = vector.shape_cast %iota3A : vector<1x4096xi32> to vector<1x4096xi32>
    %broadcast_in_dim3A_463 = vector.broadcast %broadcast_in_dim3A_462 : vector<1x4096xi32> to vector<128x4096xi32>
    %broadcast_in_dim3A_464 = vector.broadcast %jit3A_461 : i32 to vector<128x4096xi32>
    %select_n3A_465 = arith.select %eq3A_460, %broadcast_in_dim3A_463, %broadcast_in_dim3A_464 : vector<128x4096xi1>, vector<128x4096xi32>
    %reduce_min3A_466 = arith.constant dense<2147483647> : vector<128xi32>
    %reduce_min3A_467 = vector.multi_reduction <minsi>, %select_n3A_465, %reduce_min3A_466 [1] : vector<128x4096xi32> to vector<128xi32>
    %broadcast_in_dim3A_468 = vector.shape_cast %reduce_min3A_467 : vector<128xi32> to vector<128x1xi32>
    %add3A_469 = vector.broadcast %mul3A_56 : i32 to vector<128x1xi32>
    %add3A_470 = arith.addi %broadcast_in_dim3A_468, %add3A_469 : vector<128x1xi32>
    %swap3A_471 = arith.constant 0 : index
    %swap3A_472 = arith.constant 0 : index
    %swap3A_473 = arith.constant 15 : index
    %swap3A_474 = vector.load %arg4[%swap3A_471, %swap3A_472, %swap3A_473] : memref<1x128x64xi32, #tpu.memory_space<vmem>>, vector<1x128x1xi32>
    %swap3A_475 = vector.shape_cast %swap3A_474 : vector<1x128x1xi32> to vector<128x1xi32>
    %swap3A_476 = vector.shape_cast %add3A_470 : vector<128x1xi32> to vector<1x128x1xi32>
    tpu.vector_store %arg4[%swap3A_471, %swap3A_472, %swap3A_473], %swap3A_476 {strides = array<i32>} : memref<1x128x64xi32, #tpu.memory_space<vmem>>, vector<1x128x1xi32>,
    %eq3A_477 = vector.broadcast %iota3A : vector<1x4096xi32> to vector<128x4096xi32>
    %eq3A_478 = vector.broadcast %broadcast_in_dim3A_468 : vector<128x1xi32> to vector<128x4096xi32>
    %eq3A_479 = arith.cmpi eq, %eq3A_477, %eq3A_478 : vector<128x4096xi32>
    %jit3A_480 = arith.constant 3.000000e+38 : f32
    %broadcast_in_dim3A_481 = vector.broadcast %jit3A_480 : f32 to vector<128x4096xf32>
    %select_n3A_482 = arith.select %eq3A_479, %broadcast_in_dim3A_481, %select_n3A_455 : vector<128x4096xi1>, vector<128x4096xf32>
    %reduce_min3A_483 = arith.constant dense<0x7F800000> : vector<128xf32>
    %reduce_min3A_484 = vector.multi_reduction <minimumf>, %select_n3A_482, %reduce_min3A_483 [1] : vector<128x4096xf32> to vector<128xf32>
    %broadcast_in_dim3A_485 = vector.shape_cast %reduce_min3A_484 : vector<128xf32> to vector<128x1xf32>
    %eq3A_486 = vector.broadcast %broadcast_in_dim3A_485 : vector<128x1xf32> to vector<128x4096xf32>
    %eq3A_487 = arith.cmpf oeq, %select_n3A_482, %eq3A_486 : vector<128x4096xf32>
    %jit3A_488 = arith.constant 4096 : i32
    %broadcast_in_dim3A_489 = vector.shape_cast %iota3A : vector<1x4096xi32> to vector<1x4096xi32>
    %broadcast_in_dim3A_490 = vector.broadcast %broadcast_in_dim3A_489 : vector<1x4096xi32> to vector<128x4096xi32>
    %broadcast_in_dim3A_491 = vector.broadcast %jit3A_488 : i32 to vector<128x4096xi32>
    %select_n3A_492 = arith.select %eq3A_487, %broadcast_in_dim3A_490, %broadcast_in_dim3A_491 : vector<128x4096xi1>, vector<128x4096xi32>
    %reduce_min3A_493 = arith.constant dense<2147483647> : vector<128xi32>
    %reduce_min3A_494 = vector.multi_reduction <minsi>, %select_n3A_492, %reduce_min3A_493 [1] : vector<128x4096xi32> to vector<128xi32>
    %broadcast_in_dim3A_495 = vector.shape_cast %reduce_min3A_494 : vector<128xi32> to vector<128x1xi32>
    %add3A_496 = vector.broadcast %mul3A_56 : i32 to vector<128x1xi32>
    %add3A_497 = arith.addi %broadcast_in_dim3A_495, %add3A_496 : vector<128x1xi32>
    %swap3A_498 = arith.constant 0 : index
    %swap3A_499 = arith.constant 0 : index
    %swap3A_500 = arith.constant 16 : index
    %swap3A_501 = vector.load %arg4[%swap3A_498, %swap3A_499, %swap3A_500] : memref<1x128x64xi32, #tpu.memory_space<vmem>>, vector<1x128x1xi32>
    %swap3A_502 = vector.shape_cast %swap3A_501 : vector<1x128x1xi32> to vector<128x1xi32>
    %swap3A_503 = vector.shape_cast %add3A_497 : vector<128x1xi32> to vector<1x128x1xi32>
    tpu.vector_store %arg4[%swap3A_498, %swap3A_499, %swap3A_500], %swap3A_503 {strides = array<i32>} : memref<1x128x64xi32, #tpu.memory_space<vmem>>, vector<1x128x1xi32>,
    %eq3A_504 = vector.broadcast %iota3A : vector<1x4096xi32> to vector<128x4096xi32>
    %eq3A_505 = vector.broadcast %broadcast_in_dim3A_495 : vector<128x1xi32> to vector<128x4096xi32>
    %eq3A_506 = arith.cmpi eq, %eq3A_504, %eq3A_505 : vector<128x4096xi32>
    %jit3A_507 = arith.constant 3.000000e+38 : f32
    %broadcast_in_dim3A_508 = vector.broadcast %jit3A_507 : f32 to vector<128x4096xf32>
    %select_n3A_509 = arith.select %eq3A_506, %broadcast_in_dim3A_508, %select_n3A_482 : vector<128x4096xi1>, vector<128x4096xf32>
    %reduce_min3A_510 = arith.constant dense<0x7F800000> : vector<128xf32>
    %reduce_min3A_511 = vector.multi_reduction <minimumf>, %select_n3A_509, %reduce_min3A_510 [1] : vector<128x4096xf32> to vector<128xf32>
    %broadcast_in_dim3A_512 = vector.shape_cast %reduce_min3A_511 : vector<128xf32> to vector<128x1xf32>
    %eq3A_513 = vector.broadcast %broadcast_in_dim3A_512 : vector<128x1xf32> to vector<128x4096xf32>
    %eq3A_514 = arith.cmpf oeq, %select_n3A_509, %eq3A_513 : vector<128x4096xf32>
    %jit3A_515 = arith.constant 4096 : i32
    %broadcast_in_dim3A_516 = vector.shape_cast %iota3A : vector<1x4096xi32> to vector<1x4096xi32>
    %broadcast_in_dim3A_517 = vector.broadcast %broadcast_in_dim3A_516 : vector<1x4096xi32> to vector<128x4096xi32>
    %broadcast_in_dim3A_518 = vector.broadcast %jit3A_515 : i32 to vector<128x4096xi32>
    %select_n3A_519 = arith.select %eq3A_514, %broadcast_in_dim3A_517, %broadcast_in_dim3A_518 : vector<128x4096xi1>, vector<128x4096xi32>
    %reduce_min3A_520 = arith.constant dense<2147483647> : vector<128xi32>
    %reduce_min3A_521 = vector.multi_reduction <minsi>, %select_n3A_519, %reduce_min3A_520 [1] : vector<128x4096xi32> to vector<128xi32>
    %broadcast_in_dim3A_522 = vector.shape_cast %reduce_min3A_521 : vector<128xi32> to vector<128x1xi32>
    %add3A_523 = vector.broadcast %mul3A_56 : i32 to vector<128x1xi32>
    %add3A_524 = arith.addi %broadcast_in_dim3A_522, %add3A_523 : vector<128x1xi32>
    %swap3A_525 = arith.constant 0 : index
    %swap3A_526 = arith.constant 0 : index
    %swap3A_527 = arith.constant 17 : index
    %swap3A_528 = vector.load %arg4[%swap3A_525, %swap3A_526, %swap3A_527] : memref<1x128x64xi32, #tpu.memory_space<vmem>>, vector<1x128x1xi32>
    %swap3A_529 = vector.shape_cast %swap3A_528 : vector<1x128x1xi32> to vector<128x1xi32>
    %swap3A_530 = vector.shape_cast %add3A_524 : vector<128x1xi32> to vector<1x128x1xi32>
    tpu.vector_store %arg4[%swap3A_525, %swap3A_526, %swap3A_527], %swap3A_530 {strides = array<i32>} : memref<1x128x64xi32, #tpu.memory_space<vmem>>, vector<1x128x1xi32>,
    %eq3A_531 = vector.broadcast %iota3A : vector<1x4096xi32> to vector<128x4096xi32>
    %eq3A_532 = vector.broadcast %broadcast_in_dim3A_522 : vector<128x1xi32> to vector<128x4096xi32>
    %eq3A_533 = arith.cmpi eq, %eq3A_531, %eq3A_532 : vector<128x4096xi32>
    %jit3A_534 = arith.constant 3.000000e+38 : f32
    %broadcast_in_dim3A_535 = vector.broadcast %jit3A_534 : f32 to vector<128x4096xf32>
    %select_n3A_536 = arith.select %eq3A_533, %broadcast_in_dim3A_535, %select_n3A_509 : vector<128x4096xi1>, vector<128x4096xf32>
    %reduce_min3A_537 = arith.constant dense<0x7F800000> : vector<128xf32>
    %reduce_min3A_538 = vector.multi_reduction <minimumf>, %select_n3A_536, %reduce_min3A_537 [1] : vector<128x4096xf32> to vector<128xf32>
    %broadcast_in_dim3A_539 = vector.shape_cast %reduce_min3A_538 : vector<128xf32> to vector<128x1xf32>
    %eq3A_540 = vector.broadcast %broadcast_in_dim3A_539 : vector<128x1xf32> to vector<128x4096xf32>
    %eq3A_541 = arith.cmpf oeq, %select_n3A_536, %eq3A_540 : vector<128x4096xf32>
    %jit3A_542 = arith.constant 4096 : i32
    %broadcast_in_dim3A_543 = vector.shape_cast %iota3A : vector<1x4096xi32> to vector<1x4096xi32>
    %broadcast_in_dim3A_544 = vector.broadcast %broadcast_in_dim3A_543 : vector<1x4096xi32> to vector<128x4096xi32>
    %broadcast_in_dim3A_545 = vector.broadcast %jit3A_542 : i32 to vector<128x4096xi32>
    %select_n3A_546 = arith.select %eq3A_541, %broadcast_in_dim3A_544, %broadcast_in_dim3A_545 : vector<128x4096xi1>, vector<128x4096xi32>
    %reduce_min3A_547 = arith.constant dense<2147483647> : vector<128xi32>
    %reduce_min3A_548 = vector.multi_reduction <minsi>, %select_n3A_546, %reduce_min3A_547 [1] : vector<128x4096xi32> to vector<128xi32>
    %broadcast_in_dim3A_549 = vector.shape_cast %reduce_min3A_548 : vector<128xi32> to vector<128x1xi32>
    %add3A_550 = vector.broadcast %mul3A_56 : i32 to vector<128x1xi32>
    %add3A_551 = arith.addi %broadcast_in_dim3A_549, %add3A_550 : vector<128x1xi32>
    %swap3A_552 = arith.constant 0 : index
    %swap3A_553 = arith.constant 0 : index
    %swap3A_554 = arith.constant 18 : index
    %swap3A_555 = vector.load %arg4[%swap3A_552, %swap3A_553, %swap3A_554] : memref<1x128x64xi32, #tpu.memory_space<vmem>>, vector<1x128x1xi32>
    %swap3A_556 = vector.shape_cast %swap3A_555 : vector<1x128x1xi32> to vector<128x1xi32>
    %swap3A_557 = vector.shape_cast %add3A_551 : vector<128x1xi32> to vector<1x128x1xi32>
    tpu.vector_store %arg4[%swap3A_552, %swap3A_553, %swap3A_554], %swap3A_557 {strides = array<i32>} : memref<1x128x64xi32, #tpu.memory_space<vmem>>, vector<1x128x1xi32>,
    %eq3A_558 = vector.broadcast %iota3A : vector<1x4096xi32> to vector<128x4096xi32>
    %eq3A_559 = vector.broadcast %broadcast_in_dim3A_549 : vector<128x1xi32> to vector<128x4096xi32>
    %eq3A_560 = arith.cmpi eq, %eq3A_558, %eq3A_559 : vector<128x4096xi32>
    %jit3A_561 = arith.constant 3.000000e+38 : f32
    %broadcast_in_dim3A_562 = vector.broadcast %jit3A_561 : f32 to vector<128x4096xf32>
    %select_n3A_563 = arith.select %eq3A_560, %broadcast_in_dim3A_562, %select_n3A_536 : vector<128x4096xi1>, vector<128x4096xf32>
    %reduce_min3A_564 = arith.constant dense<0x7F800000> : vector<128xf32>
    %reduce_min3A_565 = vector.multi_reduction <minimumf>, %select_n3A_563, %reduce_min3A_564 [1] : vector<128x4096xf32> to vector<128xf32>
    %broadcast_in_dim3A_566 = vector.shape_cast %reduce_min3A_565 : vector<128xf32> to vector<128x1xf32>
    %eq3A_567 = vector.broadcast %broadcast_in_dim3A_566 : vector<128x1xf32> to vector<128x4096xf32>
    %eq3A_568 = arith.cmpf oeq, %select_n3A_563, %eq3A_567 : vector<128x4096xf32>
    %jit3A_569 = arith.constant 4096 : i32
    %broadcast_in_dim3A_570 = vector.shape_cast %iota3A : vector<1x4096xi32> to vector<1x4096xi32>
    %broadcast_in_dim3A_571 = vector.broadcast %broadcast_in_dim3A_570 : vector<1x4096xi32> to vector<128x4096xi32>
    %broadcast_in_dim3A_572 = vector.broadcast %jit3A_569 : i32 to vector<128x4096xi32>
    %select_n3A_573 = arith.select %eq3A_568, %broadcast_in_dim3A_571, %broadcast_in_dim3A_572 : vector<128x4096xi1>, vector<128x4096xi32>
    %reduce_min3A_574 = arith.constant dense<2147483647> : vector<128xi32>
    %reduce_min3A_575 = vector.multi_reduction <minsi>, %select_n3A_573, %reduce_min3A_574 [1] : vector<128x4096xi32> to vector<128xi32>
    %broadcast_in_dim3A_576 = vector.shape_cast %reduce_min3A_575 : vector<128xi32> to vector<128x1xi32>
    %add3A_577 = vector.broadcast %mul3A_56 : i32 to vector<128x1xi32>
    %add3A_578 = arith.addi %broadcast_in_dim3A_576, %add3A_577 : vector<128x1xi32>
    %swap3A_579 = arith.constant 0 : index
    %swap3A_580 = arith.constant 0 : index
    %swap3A_581 = arith.constant 19 : index
    %swap3A_582 = vector.load %arg4[%swap3A_579, %swap3A_580, %swap3A_581] : memref<1x128x64xi32, #tpu.memory_space<vmem>>, vector<1x128x1xi32>
    %swap3A_583 = vector.shape_cast %swap3A_582 : vector<1x128x1xi32> to vector<128x1xi32>
    %swap3A_584 = vector.shape_cast %add3A_578 : vector<128x1xi32> to vector<1x128x1xi32>
    tpu.vector_store %arg4[%swap3A_579, %swap3A_580, %swap3A_581], %swap3A_584 {strides = array<i32>} : memref<1x128x64xi32, #tpu.memory_space<vmem>>, vector<1x128x1xi32>,
    %eq3A_585 = vector.broadcast %iota3A : vector<1x4096xi32> to vector<128x4096xi32>
    %eq3A_586 = vector.broadcast %broadcast_in_dim3A_576 : vector<128x1xi32> to vector<128x4096xi32>
    %eq3A_587 = arith.cmpi eq, %eq3A_585, %eq3A_586 : vector<128x4096xi32>
    %jit3A_588 = arith.constant 3.000000e+38 : f32
    %broadcast_in_dim3A_589 = vector.broadcast %jit3A_588 : f32 to vector<128x4096xf32>
    %select_n3A_590 = arith.select %eq3A_587, %broadcast_in_dim3A_589, %select_n3A_563 : vector<128x4096xi1>, vector<128x4096xf32>
    %reduce_min3A_591 = arith.constant dense<0x7F800000> : vector<128xf32>
    %reduce_min3A_592 = vector.multi_reduction <minimumf>, %select_n3A_590, %reduce_min3A_591 [1] : vector<128x4096xf32> to vector<128xf32>
    %broadcast_in_dim3A_593 = vector.shape_cast %reduce_min3A_592 : vector<128xf32> to vector<128x1xf32>
    %eq3A_594 = vector.broadcast %broadcast_in_dim3A_593 : vector<128x1xf32> to vector<128x4096xf32>
    %eq3A_595 = arith.cmpf oeq, %select_n3A_590, %eq3A_594 : vector<128x4096xf32>
    %jit3A_596 = arith.constant 4096 : i32
    %broadcast_in_dim3A_597 = vector.shape_cast %iota3A : vector<1x4096xi32> to vector<1x4096xi32>
    %broadcast_in_dim3A_598 = vector.broadcast %broadcast_in_dim3A_597 : vector<1x4096xi32> to vector<128x4096xi32>
    %broadcast_in_dim3A_599 = vector.broadcast %jit3A_596 : i32 to vector<128x4096xi32>
    %select_n3A_600 = arith.select %eq3A_595, %broadcast_in_dim3A_598, %broadcast_in_dim3A_599 : vector<128x4096xi1>, vector<128x4096xi32>
    %reduce_min3A_601 = arith.constant dense<2147483647> : vector<128xi32>
    %reduce_min3A_602 = vector.multi_reduction <minsi>, %select_n3A_600, %reduce_min3A_601 [1] : vector<128x4096xi32> to vector<128xi32>
    %broadcast_in_dim3A_603 = vector.shape_cast %reduce_min3A_602 : vector<128xi32> to vector<128x1xi32>
    %add3A_604 = vector.broadcast %mul3A_56 : i32 to vector<128x1xi32>
    %add3A_605 = arith.addi %broadcast_in_dim3A_603, %add3A_604 : vector<128x1xi32>
    %swap3A_606 = arith.constant 0 : index
    %swap3A_607 = arith.constant 0 : index
    %swap3A_608 = arith.constant 20 : index
    %swap3A_609 = vector.load %arg4[%swap3A_606, %swap3A_607, %swap3A_608] : memref<1x128x64xi32, #tpu.memory_space<vmem>>, vector<1x128x1xi32>
    %swap3A_610 = vector.shape_cast %swap3A_609 : vector<1x128x1xi32> to vector<128x1xi32>
    %swap3A_611 = vector.shape_cast %add3A_605 : vector<128x1xi32> to vector<1x128x1xi32>
    tpu.vector_store %arg4[%swap3A_606, %swap3A_607, %swap3A_608], %swap3A_611 {strides = array<i32>} : memref<1x128x64xi32, #tpu.memory_space<vmem>>, vector<1x128x1xi32>,
    %eq3A_612 = vector.broadcast %iota3A : vector<1x4096xi32> to vector<128x4096xi32>
    %eq3A_613 = vector.broadcast %broadcast_in_dim3A_603 : vector<128x1xi32> to vector<128x4096xi32>
    %eq3A_614 = arith.cmpi eq, %eq3A_612, %eq3A_613 : vector<128x4096xi32>
    %jit3A_615 = arith.constant 3.000000e+38 : f32
    %broadcast_in_dim3A_616 = vector.broadcast %jit3A_615 : f32 to vector<128x4096xf32>
    %select_n3A_617 = arith.select %eq3A_614, %broadcast_in_dim3A_616, %select_n3A_590 : vector<128x4096xi1>, vector<128x4096xf32>
    %reduce_min3A_618 = arith.constant dense<0x7F800000> : vector<128xf32>
    %reduce_min3A_619 = vector.multi_reduction <minimumf>, %select_n3A_617, %reduce_min3A_618 [1] : vector<128x4096xf32> to vector<128xf32>
    %broadcast_in_dim3A_620 = vector.shape_cast %reduce_min3A_619 : vector<128xf32> to vector<128x1xf32>
    %eq3A_621 = vector.broadcast %broadcast_in_dim3A_620 : vector<128x1xf32> to vector<128x4096xf32>
    %eq3A_622 = arith.cmpf oeq, %select_n3A_617, %eq3A_621 : vector<128x4096xf32>
    %jit3A_623 = arith.constant 4096 : i32
    %broadcast_in_dim3A_624 = vector.shape_cast %iota3A : vector<1x4096xi32> to vector<1x4096xi32>
    %broadcast_in_dim3A_625 = vector.broadcast %broadcast_in_dim3A_624 : vector<1x4096xi32> to vector<128x4096xi32>
    %broadcast_in_dim3A_626 = vector.broadcast %jit3A_623 : i32 to vector<128x4096xi32>
    %select_n3A_627 = arith.select %eq3A_622, %broadcast_in_dim3A_625, %broadcast_in_dim3A_626 : vector<128x4096xi1>, vector<128x4096xi32>
    %reduce_min3A_628 = arith.constant dense<2147483647> : vector<128xi32>
    %reduce_min3A_629 = vector.multi_reduction <minsi>, %select_n3A_627, %reduce_min3A_628 [1] : vector<128x4096xi32> to vector<128xi32>
    %broadcast_in_dim3A_630 = vector.shape_cast %reduce_min3A_629 : vector<128xi32> to vector<128x1xi32>
    %add3A_631 = vector.broadcast %mul3A_56 : i32 to vector<128x1xi32>
    %add3A_632 = arith.addi %broadcast_in_dim3A_630, %add3A_631 : vector<128x1xi32>
    %swap3A_633 = arith.constant 0 : index
    %swap3A_634 = arith.constant 0 : index
    %swap3A_635 = arith.constant 21 : index
    %swap3A_636 = vector.load %arg4[%swap3A_633, %swap3A_634, %swap3A_635] : memref<1x128x64xi32, #tpu.memory_space<vmem>>, vector<1x128x1xi32>
    %swap3A_637 = vector.shape_cast %swap3A_636 : vector<1x128x1xi32> to vector<128x1xi32>
    %swap3A_638 = vector.shape_cast %add3A_632 : vector<128x1xi32> to vector<1x128x1xi32>
    tpu.vector_store %arg4[%swap3A_633, %swap3A_634, %swap3A_635], %swap3A_638 {strides = array<i32>} : memref<1x128x64xi32, #tpu.memory_space<vmem>>, vector<1x128x1xi32>,
    %eq3A_639 = vector.broadcast %iota3A : vector<1x4096xi32> to vector<128x4096xi32>
    %eq3A_640 = vector.broadcast %broadcast_in_dim3A_630 : vector<128x1xi32> to vector<128x4096xi32>
    %eq3A_641 = arith.cmpi eq, %eq3A_639, %eq3A_640 : vector<128x4096xi32>
    %jit3A_642 = arith.constant 3.000000e+38 : f32
    %broadcast_in_dim3A_643 = vector.broadcast %jit3A_642 : f32 to vector<128x4096xf32>
    %select_n3A_644 = arith.select %eq3A_641, %broadcast_in_dim3A_643, %select_n3A_617 : vector<128x4096xi1>, vector<128x4096xf32>
    %reduce_min3A_645 = arith.constant dense<0x7F800000> : vector<128xf32>
    %reduce_min3A_646 = vector.multi_reduction <minimumf>, %select_n3A_644, %reduce_min3A_645 [1] : vector<128x4096xf32> to vector<128xf32>
    %broadcast_in_dim3A_647 = vector.shape_cast %reduce_min3A_646 : vector<128xf32> to vector<128x1xf32>
    %eq3A_648 = vector.broadcast %broadcast_in_dim3A_647 : vector<128x1xf32> to vector<128x4096xf32>
    %eq3A_649 = arith.cmpf oeq, %select_n3A_644, %eq3A_648 : vector<128x4096xf32>
    %jit3A_650 = arith.constant 4096 : i32
    %broadcast_in_dim3A_651 = vector.shape_cast %iota3A : vector<1x4096xi32> to vector<1x4096xi32>
    %broadcast_in_dim3A_652 = vector.broadcast %broadcast_in_dim3A_651 : vector<1x4096xi32> to vector<128x4096xi32>
    %broadcast_in_dim3A_653 = vector.broadcast %jit3A_650 : i32 to vector<128x4096xi32>
    %select_n3A_654 = arith.select %eq3A_649, %broadcast_in_dim3A_652, %broadcast_in_dim3A_653 : vector<128x4096xi1>, vector<128x4096xi32>
    %reduce_min3A_655 = arith.constant dense<2147483647> : vector<128xi32>
    %reduce_min3A_656 = vector.multi_reduction <minsi>, %select_n3A_654, %reduce_min3A_655 [1] : vector<128x4096xi32> to vector<128xi32>
    %broadcast_in_dim3A_657 = vector.shape_cast %reduce_min3A_656 : vector<128xi32> to vector<128x1xi32>
    %add3A_658 = vector.broadcast %mul3A_56 : i32 to vector<128x1xi32>
    %add3A_659 = arith.addi %broadcast_in_dim3A_657, %add3A_658 : vector<128x1xi32>
    %swap3A_660 = arith.constant 0 : index
    %swap3A_661 = arith.constant 0 : index
    %swap3A_662 = arith.constant 22 : index
    %swap3A_663 = vector.load %arg4[%swap3A_660, %swap3A_661, %swap3A_662] : memref<1x128x64xi32, #tpu.memory_space<vmem>>, vector<1x128x1xi32>
    %swap3A_664 = vector.shape_cast %swap3A_663 : vector<1x128x1xi32> to vector<128x1xi32>
    %swap3A_665 = vector.shape_cast %add3A_659 : vector<128x1xi32> to vector<1x128x1xi32>
    tpu.vector_store %arg4[%swap3A_660, %swap3A_661, %swap3A_662], %swap3A_665 {strides = array<i32>} : memref<1x128x64xi32, #tpu.memory_space<vmem>>, vector<1x128x1xi32>,
    %eq3A_666 = vector.broadcast %iota3A : vector<1x4096xi32> to vector<128x4096xi32>
    %eq3A_667 = vector.broadcast %broadcast_in_dim3A_657 : vector<128x1xi32> to vector<128x4096xi32>
    %eq3A_668 = arith.cmpi eq, %eq3A_666, %eq3A_667 : vector<128x4096xi32>
    %jit3A_669 = arith.constant 3.000000e+38 : f32
    %broadcast_in_dim3A_670 = vector.broadcast %jit3A_669 : f32 to vector<128x4096xf32>
    %select_n3A_671 = arith.select %eq3A_668, %broadcast_in_dim3A_670, %select_n3A_644 : vector<128x4096xi1>, vector<128x4096xf32>
    %reduce_min3A_672 = arith.constant dense<0x7F800000> : vector<128xf32>
    %reduce_min3A_673 = vector.multi_reduction <minimumf>, %select_n3A_671, %reduce_min3A_672 [1] : vector<128x4096xf32> to vector<128xf32>
    %broadcast_in_dim3A_674 = vector.shape_cast %reduce_min3A_673 : vector<128xf32> to vector<128x1xf32>
    %eq3A_675 = vector.broadcast %broadcast_in_dim3A_674 : vector<128x1xf32> to vector<128x4096xf32>
    %eq3A_676 = arith.cmpf oeq, %select_n3A_671, %eq3A_675 : vector<128x4096xf32>
    %jit3A_677 = arith.constant 4096 : i32
    %broadcast_in_dim3A_678 = vector.shape_cast %iota3A : vector<1x4096xi32> to vector<1x4096xi32>
    %broadcast_in_dim3A_679 = vector.broadcast %broadcast_in_dim3A_678 : vector<1x4096xi32> to vector<128x4096xi32>
    %broadcast_in_dim3A_680 = vector.broadcast %jit3A_677 : i32 to vector<128x4096xi32>
    %select_n3A_681 = arith.select %eq3A_676, %broadcast_in_dim3A_679, %broadcast_in_dim3A_680 : vector<128x4096xi1>, vector<128x4096xi32>
    %reduce_min3A_682 = arith.constant dense<2147483647> : vector<128xi32>
    %reduce_min3A_683 = vector.multi_reduction <minsi>, %select_n3A_681, %reduce_min3A_682 [1] : vector<128x4096xi32> to vector<128xi32>
    %broadcast_in_dim3A_684 = vector.shape_cast %reduce_min3A_683 : vector<128xi32> to vector<128x1xi32>
    %add3A_685 = vector.broadcast %mul3A_56 : i32 to vector<128x1xi32>
    %add3A_686 = arith.addi %broadcast_in_dim3A_684, %add3A_685 : vector<128x1xi32>
    %swap3A_687 = arith.constant 0 : index
    %swap3A_688 = arith.constant 0 : index
    %swap3A_689 = arith.constant 23 : index
    %swap3A_690 = vector.load %arg4[%swap3A_687, %swap3A_688, %swap3A_689] : memref<1x128x64xi32, #tpu.memory_space<vmem>>, vector<1x128x1xi32>
    %swap3A_691 = vector.shape_cast %swap3A_690 : vector<1x128x1xi32> to vector<128x1xi32>
    %swap3A_692 = vector.shape_cast %add3A_686 : vector<128x1xi32> to vector<1x128x1xi32>
    tpu.vector_store %arg4[%swap3A_687, %swap3A_688, %swap3A_689], %swap3A_692 {strides = array<i32>} : memref<1x128x64xi32, #tpu.memory_space<vmem>>, vector<1x128x1xi32>,
    %eq3A_693 = vector.broadcast %iota3A : vector<1x4096xi32> to vector<128x4096xi32>
    %eq3A_694 = vector.broadcast %broadcast_in_dim3A_684 : vector<128x1xi32> to vector<128x4096xi32>
    %eq3A_695 = arith.cmpi eq, %eq3A_693, %eq3A_694 : vector<128x4096xi32>
    %jit3A_696 = arith.constant 3.000000e+38 : f32
    %broadcast_in_dim3A_697 = vector.broadcast %jit3A_696 : f32 to vector<128x4096xf32>
    %select_n3A_698 = arith.select %eq3A_695, %broadcast_in_dim3A_697, %select_n3A_671 : vector<128x4096xi1>, vector<128x4096xf32>
    %reduce_min3A_699 = arith.constant dense<0x7F800000> : vector<128xf32>
    %reduce_min3A_700 = vector.multi_reduction <minimumf>, %select_n3A_698, %reduce_min3A_699 [1] : vector<128x4096xf32> to vector<128xf32>
    %broadcast_in_dim3A_701 = vector.shape_cast %reduce_min3A_700 : vector<128xf32> to vector<128x1xf32>
    %eq3A_702 = vector.broadcast %broadcast_in_dim3A_701 : vector<128x1xf32> to vector<128x4096xf32>
    %eq3A_703 = arith.cmpf oeq, %select_n3A_698, %eq3A_702 : vector<128x4096xf32>
    %jit3A_704 = arith.constant 4096 : i32
    %broadcast_in_dim3A_705 = vector.shape_cast %iota3A : vector<1x4096xi32> to vector<1x4096xi32>
    %broadcast_in_dim3A_706 = vector.broadcast %broadcast_in_dim3A_705 : vector<1x4096xi32> to vector<128x4096xi32>
    %broadcast_in_dim3A_707 = vector.broadcast %jit3A_704 : i32 to vector<128x4096xi32>
    %select_n3A_708 = arith.select %eq3A_703, %broadcast_in_dim3A_706, %broadcast_in_dim3A_707 : vector<128x4096xi1>, vector<128x4096xi32>
    %reduce_min3A_709 = arith.constant dense<2147483647> : vector<128xi32>
    %reduce_min3A_710 = vector.multi_reduction <minsi>, %select_n3A_708, %reduce_min3A_709 [1] : vector<128x4096xi32> to vector<128xi32>
    %broadcast_in_dim3A_711 = vector.shape_cast %reduce_min3A_710 : vector<128xi32> to vector<128x1xi32>
    %add3A_712 = vector.broadcast %mul3A_56 : i32 to vector<128x1xi32>
    %add3A_713 = arith.addi %broadcast_in_dim3A_711, %add3A_712 : vector<128x1xi32>
    %swap3A_714 = arith.constant 0 : index
    %swap3A_715 = arith.constant 0 : index
    %swap3A_716 = arith.constant 24 : index
    %swap3A_717 = vector.load %arg4[%swap3A_714, %swap3A_715, %swap3A_716] : memref<1x128x64xi32, #tpu.memory_space<vmem>>, vector<1x128x1xi32>
    %swap3A_718 = vector.shape_cast %swap3A_717 : vector<1x128x1xi32> to vector<128x1xi32>
    %swap3A_719 = vector.shape_cast %add3A_713 : vector<128x1xi32> to vector<1x128x1xi32>
    tpu.vector_store %arg4[%swap3A_714, %swap3A_715, %swap3A_716], %swap3A_719 {strides = array<i32>} : memref<1x128x64xi32, #tpu.memory_space<vmem>>, vector<1x128x1xi32>,
    %eq3A_720 = vector.broadcast %iota3A : vector<1x4096xi32> to vector<128x4096xi32>
    %eq3A_721 = vector.broadcast %broadcast_in_dim3A_711 : vector<128x1xi32> to vector<128x4096xi32>
    %eq3A_722 = arith.cmpi eq, %eq3A_720, %eq3A_721 : vector<128x4096xi32>
    %jit3A_723 = arith.constant 3.000000e+38 : f32
    %broadcast_in_dim3A_724 = vector.broadcast %jit3A_723 : f32 to vector<128x4096xf32>
    %select_n3A_725 = arith.select %eq3A_722, %broadcast_in_dim3A_724, %select_n3A_698 : vector<128x4096xi1>, vector<128x4096xf32>
    %reduce_min3A_726 = arith.constant dense<0x7F800000> : vector<128xf32>
    %reduce_min3A_727 = vector.multi_reduction <minimumf>, %select_n3A_725, %reduce_min3A_726 [1] : vector<128x4096xf32> to vector<128xf32>
    %broadcast_in_dim3A_728 = vector.shape_cast %reduce_min3A_727 : vector<128xf32> to vector<128x1xf32>
    %eq3A_729 = vector.broadcast %broadcast_in_dim3A_728 : vector<128x1xf32> to vector<128x4096xf32>
    %eq3A_730 = arith.cmpf oeq, %select_n3A_725, %eq3A_729 : vector<128x4096xf32>
    %jit3A_731 = arith.constant 4096 : i32
    %broadcast_in_dim3A_732 = vector.shape_cast %iota3A : vector<1x4096xi32> to vector<1x4096xi32>
    %broadcast_in_dim3A_733 = vector.broadcast %broadcast_in_dim3A_732 : vector<1x4096xi32> to vector<128x4096xi32>
    %broadcast_in_dim3A_734 = vector.broadcast %jit3A_731 : i32 to vector<128x4096xi32>
    %select_n3A_735 = arith.select %eq3A_730, %broadcast_in_dim3A_733, %broadcast_in_dim3A_734 : vector<128x4096xi1>, vector<128x4096xi32>
    %reduce_min3A_736 = arith.constant dense<2147483647> : vector<128xi32>
    %reduce_min3A_737 = vector.multi_reduction <minsi>, %select_n3A_735, %reduce_min3A_736 [1] : vector<128x4096xi32> to vector<128xi32>
    %broadcast_in_dim3A_738 = vector.shape_cast %reduce_min3A_737 : vector<128xi32> to vector<128x1xi32>
    %add3A_739 = vector.broadcast %mul3A_56 : i32 to vector<128x1xi32>
    %add3A_740 = arith.addi %broadcast_in_dim3A_738, %add3A_739 : vector<128x1xi32>
    %swap3A_741 = arith.constant 0 : index
    %swap3A_742 = arith.constant 0 : index
    %swap3A_743 = arith.constant 25 : index
    %swap3A_744 = vector.load %arg4[%swap3A_741, %swap3A_742, %swap3A_743] : memref<1x128x64xi32, #tpu.memory_space<vmem>>, vector<1x128x1xi32>
    %swap3A_745 = vector.shape_cast %swap3A_744 : vector<1x128x1xi32> to vector<128x1xi32>
    %swap3A_746 = vector.shape_cast %add3A_740 : vector<128x1xi32> to vector<1x128x1xi32>
    tpu.vector_store %arg4[%swap3A_741, %swap3A_742, %swap3A_743], %swap3A_746 {strides = array<i32>} : memref<1x128x64xi32, #tpu.memory_space<vmem>>, vector<1x128x1xi32>,
    %eq3A_747 = vector.broadcast %iota3A : vector<1x4096xi32> to vector<128x4096xi32>
    %eq3A_748 = vector.broadcast %broadcast_in_dim3A_738 : vector<128x1xi32> to vector<128x4096xi32>
    %eq3A_749 = arith.cmpi eq, %eq3A_747, %eq3A_748 : vector<128x4096xi32>
    %jit3A_750 = arith.constant 3.000000e+38 : f32
    %broadcast_in_dim3A_751 = vector.broadcast %jit3A_750 : f32 to vector<128x4096xf32>
    %select_n3A_752 = arith.select %eq3A_749, %broadcast_in_dim3A_751, %select_n3A_725 : vector<128x4096xi1>, vector<128x4096xf32>
    %reduce_min3A_753 = arith.constant dense<0x7F800000> : vector<128xf32>
    %reduce_min3A_754 = vector.multi_reduction <minimumf>, %select_n3A_752, %reduce_min3A_753 [1] : vector<128x4096xf32> to vector<128xf32>
    %broadcast_in_dim3A_755 = vector.shape_cast %reduce_min3A_754 : vector<128xf32> to vector<128x1xf32>
    %eq3A_756 = vector.broadcast %broadcast_in_dim3A_755 : vector<128x1xf32> to vector<128x4096xf32>
    %eq3A_757 = arith.cmpf oeq, %select_n3A_752, %eq3A_756 : vector<128x4096xf32>
    %jit3A_758 = arith.constant 4096 : i32
    %broadcast_in_dim3A_759 = vector.shape_cast %iota3A : vector<1x4096xi32> to vector<1x4096xi32>
    %broadcast_in_dim3A_760 = vector.broadcast %broadcast_in_dim3A_759 : vector<1x4096xi32> to vector<128x4096xi32>
    %broadcast_in_dim3A_761 = vector.broadcast %jit3A_758 : i32 to vector<128x4096xi32>
    %select_n3A_762 = arith.select %eq3A_757, %broadcast_in_dim3A_760, %broadcast_in_dim3A_761 : vector<128x4096xi1>, vector<128x4096xi32>
    %reduce_min3A_763 = arith.constant dense<2147483647> : vector<128xi32>
    %reduce_min3A_764 = vector.multi_reduction <minsi>, %select_n3A_762, %reduce_min3A_763 [1] : vector<128x4096xi32> to vector<128xi32>
    %broadcast_in_dim3A_765 = vector.shape_cast %reduce_min3A_764 : vector<128xi32> to vector<128x1xi32>
    %add3A_766 = vector.broadcast %mul3A_56 : i32 to vector<128x1xi32>
    %add3A_767 = arith.addi %broadcast_in_dim3A_765, %add3A_766 : vector<128x1xi32>
    %swap3A_768 = arith.constant 0 : index
    %swap3A_769 = arith.constant 0 : index
    %swap3A_770 = arith.constant 26 : index
    %swap3A_771 = vector.load %arg4[%swap3A_768, %swap3A_769, %swap3A_770] : memref<1x128x64xi32, #tpu.memory_space<vmem>>, vector<1x128x1xi32>
    %swap3A_772 = vector.shape_cast %swap3A_771 : vector<1x128x1xi32> to vector<128x1xi32>
    %swap3A_773 = vector.shape_cast %add3A_767 : vector<128x1xi32> to vector<1x128x1xi32>
    tpu.vector_store %arg4[%swap3A_768, %swap3A_769, %swap3A_770], %swap3A_773 {strides = array<i32>} : memref<1x128x64xi32, #tpu.memory_space<vmem>>, vector<1x128x1xi32>,
    %eq3A_774 = vector.broadcast %iota3A : vector<1x4096xi32> to vector<128x4096xi32>
    %eq3A_775 = vector.broadcast %broadcast_in_dim3A_765 : vector<128x1xi32> to vector<128x4096xi32>
    %eq3A_776 = arith.cmpi eq, %eq3A_774, %eq3A_775 : vector<128x4096xi32>
    %jit3A_777 = arith.constant 3.000000e+38 : f32
    %broadcast_in_dim3A_778 = vector.broadcast %jit3A_777 : f32 to vector<128x4096xf32>
    %select_n3A_779 = arith.select %eq3A_776, %broadcast_in_dim3A_778, %select_n3A_752 : vector<128x4096xi1>, vector<128x4096xf32>
    %reduce_min3A_780 = arith.constant dense<0x7F800000> : vector<128xf32>
    %reduce_min3A_781 = vector.multi_reduction <minimumf>, %select_n3A_779, %reduce_min3A_780 [1] : vector<128x4096xf32> to vector<128xf32>
    %broadcast_in_dim3A_782 = vector.shape_cast %reduce_min3A_781 : vector<128xf32> to vector<128x1xf32>
    %eq3A_783 = vector.broadcast %broadcast_in_dim3A_782 : vector<128x1xf32> to vector<128x4096xf32>
    %eq3A_784 = arith.cmpf oeq, %select_n3A_779, %eq3A_783 : vector<128x4096xf32>
    %jit3A_785 = arith.constant 4096 : i32
    %broadcast_in_dim3A_786 = vector.shape_cast %iota3A : vector<1x4096xi32> to vector<1x4096xi32>
    %broadcast_in_dim3A_787 = vector.broadcast %broadcast_in_dim3A_786 : vector<1x4096xi32> to vector<128x4096xi32>
    %broadcast_in_dim3A_788 = vector.broadcast %jit3A_785 : i32 to vector<128x4096xi32>
    %select_n3A_789 = arith.select %eq3A_784, %broadcast_in_dim3A_787, %broadcast_in_dim3A_788 : vector<128x4096xi1>, vector<128x4096xi32>
    %reduce_min3A_790 = arith.constant dense<2147483647> : vector<128xi32>
    %reduce_min3A_791 = vector.multi_reduction <minsi>, %select_n3A_789, %reduce_min3A_790 [1] : vector<128x4096xi32> to vector<128xi32>
    %broadcast_in_dim3A_792 = vector.shape_cast %reduce_min3A_791 : vector<128xi32> to vector<128x1xi32>
    %add3A_793 = vector.broadcast %mul3A_56 : i32 to vector<128x1xi32>
    %add3A_794 = arith.addi %broadcast_in_dim3A_792, %add3A_793 : vector<128x1xi32>
    %swap3A_795 = arith.constant 0 : index
    %swap3A_796 = arith.constant 0 : index
    %swap3A_797 = arith.constant 27 : index
    %swap3A_798 = vector.load %arg4[%swap3A_795, %swap3A_796, %swap3A_797] : memref<1x128x64xi32, #tpu.memory_space<vmem>>, vector<1x128x1xi32>
    %swap3A_799 = vector.shape_cast %swap3A_798 : vector<1x128x1xi32> to vector<128x1xi32>
    %swap3A_800 = vector.shape_cast %add3A_794 : vector<128x1xi32> to vector<1x128x1xi32>
    tpu.vector_store %arg4[%swap3A_795, %swap3A_796, %swap3A_797], %swap3A_800 {strides = array<i32>} : memref<1x128x64xi32, #tpu.memory_space<vmem>>, vector<1x128x1xi32>,
    %eq3A_801 = vector.broadcast %iota3A : vector<1x4096xi32> to vector<128x4096xi32>
    %eq3A_802 = vector.broadcast %broadcast_in_dim3A_792 : vector<128x1xi32> to vector<128x4096xi32>
    %eq3A_803 = arith.cmpi eq, %eq3A_801, %eq3A_802 : vector<128x4096xi32>
    %jit3A_804 = arith.constant 3.000000e+38 : f32
    %broadcast_in_dim3A_805 = vector.broadcast %jit3A_804 : f32 to vector<128x4096xf32>
    %select_n3A_806 = arith.select %eq3A_803, %broadcast_in_dim3A_805, %select_n3A_779 : vector<128x4096xi1>, vector<128x4096xf32>
    %reduce_min3A_807 = arith.constant dense<0x7F800000> : vector<128xf32>
    %reduce_min3A_808 = vector.multi_reduction <minimumf>, %select_n3A_806, %reduce_min3A_807 [1] : vector<128x4096xf32> to vector<128xf32>
    %broadcast_in_dim3A_809 = vector.shape_cast %reduce_min3A_808 : vector<128xf32> to vector<128x1xf32>
    %eq3A_810 = vector.broadcast %broadcast_in_dim3A_809 : vector<128x1xf32> to vector<128x4096xf32>
    %eq3A_811 = arith.cmpf oeq, %select_n3A_806, %eq3A_810 : vector<128x4096xf32>
    %jit3A_812 = arith.constant 4096 : i32
    %broadcast_in_dim3A_813 = vector.shape_cast %iota3A : vector<1x4096xi32> to vector<1x4096xi32>
    %broadcast_in_dim3A_814 = vector.broadcast %broadcast_in_dim3A_813 : vector<1x4096xi32> to vector<128x4096xi32>
    %broadcast_in_dim3A_815 = vector.broadcast %jit3A_812 : i32 to vector<128x4096xi32>
    %select_n3A_816 = arith.select %eq3A_811, %broadcast_in_dim3A_814, %broadcast_in_dim3A_815 : vector<128x4096xi1>, vector<128x4096xi32>
    %reduce_min3A_817 = arith.constant dense<2147483647> : vector<128xi32>
    %reduce_min3A_818 = vector.multi_reduction <minsi>, %select_n3A_816, %reduce_min3A_817 [1] : vector<128x4096xi32> to vector<128xi32>
    %broadcast_in_dim3A_819 = vector.shape_cast %reduce_min3A_818 : vector<128xi32> to vector<128x1xi32>
    %add3A_820 = vector.broadcast %mul3A_56 : i32 to vector<128x1xi32>
    %add3A_821 = arith.addi %broadcast_in_dim3A_819, %add3A_820 : vector<128x1xi32>
    %swap3A_822 = arith.constant 0 : index
    %swap3A_823 = arith.constant 0 : index
    %swap3A_824 = arith.constant 28 : index
    %swap3A_825 = vector.load %arg4[%swap3A_822, %swap3A_823, %swap3A_824] : memref<1x128x64xi32, #tpu.memory_space<vmem>>, vector<1x128x1xi32>
    %swap3A_826 = vector.shape_cast %swap3A_825 : vector<1x128x1xi32> to vector<128x1xi32>
    %swap3A_827 = vector.shape_cast %add3A_821 : vector<128x1xi32> to vector<1x128x1xi32>
    tpu.vector_store %arg4[%swap3A_822, %swap3A_823, %swap3A_824], %swap3A_827 {strides = array<i32>} : memref<1x128x64xi32, #tpu.memory_space<vmem>>, vector<1x128x1xi32>,
    %eq3A_828 = vector.broadcast %iota3A : vector<1x4096xi32> to vector<128x4096xi32>
    %eq3A_829 = vector.broadcast %broadcast_in_dim3A_819 : vector<128x1xi32> to vector<128x4096xi32>
    %eq3A_830 = arith.cmpi eq, %eq3A_828, %eq3A_829 : vector<128x4096xi32>
    %jit3A_831 = arith.constant 3.000000e+38 : f32
    %broadcast_in_dim3A_832 = vector.broadcast %jit3A_831 : f32 to vector<128x4096xf32>
    %select_n3A_833 = arith.select %eq3A_830, %broadcast_in_dim3A_832, %select_n3A_806 : vector<128x4096xi1>, vector<128x4096xf32>
    %reduce_min3A_834 = arith.constant dense<0x7F800000> : vector<128xf32>
    %reduce_min3A_835 = vector.multi_reduction <minimumf>, %select_n3A_833, %reduce_min3A_834 [1] : vector<128x4096xf32> to vector<128xf32>
    %broadcast_in_dim3A_836 = vector.shape_cast %reduce_min3A_835 : vector<128xf32> to vector<128x1xf32>
    %eq3A_837 = vector.broadcast %broadcast_in_dim3A_836 : vector<128x1xf32> to vector<128x4096xf32>
    %eq3A_838 = arith.cmpf oeq, %select_n3A_833, %eq3A_837 : vector<128x4096xf32>
    %jit3A_839 = arith.constant 4096 : i32
    %broadcast_in_dim3A_840 = vector.shape_cast %iota3A : vector<1x4096xi32> to vector<1x4096xi32>
    %broadcast_in_dim3A_841 = vector.broadcast %broadcast_in_dim3A_840 : vector<1x4096xi32> to vector<128x4096xi32>
    %broadcast_in_dim3A_842 = vector.broadcast %jit3A_839 : i32 to vector<128x4096xi32>
    %select_n3A_843 = arith.select %eq3A_838, %broadcast_in_dim3A_841, %broadcast_in_dim3A_842 : vector<128x4096xi1>, vector<128x4096xi32>
    %reduce_min3A_844 = arith.constant dense<2147483647> : vector<128xi32>
    %reduce_min3A_845 = vector.multi_reduction <minsi>, %select_n3A_843, %reduce_min3A_844 [1] : vector<128x4096xi32> to vector<128xi32>
    %broadcast_in_dim3A_846 = vector.shape_cast %reduce_min3A_845 : vector<128xi32> to vector<128x1xi32>
    %add3A_847 = vector.broadcast %mul3A_56 : i32 to vector<128x1xi32>
    %add3A_848 = arith.addi %broadcast_in_dim3A_846, %add3A_847 : vector<128x1xi32>
    %swap3A_849 = arith.constant 0 : index
    %swap3A_850 = arith.constant 0 : index
    %swap3A_851 = arith.constant 29 : index
    %swap3A_852 = vector.load %arg4[%swap3A_849, %swap3A_850, %swap3A_851] : memref<1x128x64xi32, #tpu.memory_space<vmem>>, vector<1x128x1xi32>
    %swap3A_853 = vector.shape_cast %swap3A_852 : vector<1x128x1xi32> to vector<128x1xi32>
    %swap3A_854 = vector.shape_cast %add3A_848 : vector<128x1xi32> to vector<1x128x1xi32>
    tpu.vector_store %arg4[%swap3A_849, %swap3A_850, %swap3A_851], %swap3A_854 {strides = array<i32>} : memref<1x128x64xi32, #tpu.memory_space<vmem>>, vector<1x128x1xi32>,
    %eq3A_855 = vector.broadcast %iota3A : vector<1x4096xi32> to vector<128x4096xi32>
    %eq3A_856 = vector.broadcast %broadcast_in_dim3A_846 : vector<128x1xi32> to vector<128x4096xi32>
    %eq3A_857 = arith.cmpi eq, %eq3A_855, %eq3A_856 : vector<128x4096xi32>
    %jit3A_858 = arith.constant 3.000000e+38 : f32
    %broadcast_in_dim3A_859 = vector.broadcast %jit3A_858 : f32 to vector<128x4096xf32>
    %select_n3A_860 = arith.select %eq3A_857, %broadcast_in_dim3A_859, %select_n3A_833 : vector<128x4096xi1>, vector<128x4096xf32>
    %reduce_min3A_861 = arith.constant dense<0x7F800000> : vector<128xf32>
    %reduce_min3A_862 = vector.multi_reduction <minimumf>, %select_n3A_860, %reduce_min3A_861 [1] : vector<128x4096xf32> to vector<128xf32>
    %broadcast_in_dim3A_863 = vector.shape_cast %reduce_min3A_862 : vector<128xf32> to vector<128x1xf32>
    %eq3A_864 = vector.broadcast %broadcast_in_dim3A_863 : vector<128x1xf32> to vector<128x4096xf32>
    %eq3A_865 = arith.cmpf oeq, %select_n3A_860, %eq3A_864 : vector<128x4096xf32>
    %jit3A_866 = arith.constant 4096 : i32
    %broadcast_in_dim3A_867 = vector.shape_cast %iota3A : vector<1x4096xi32> to vector<1x4096xi32>
    %broadcast_in_dim3A_868 = vector.broadcast %broadcast_in_dim3A_867 : vector<1x4096xi32> to vector<128x4096xi32>
    %broadcast_in_dim3A_869 = vector.broadcast %jit3A_866 : i32 to vector<128x4096xi32>
    %select_n3A_870 = arith.select %eq3A_865, %broadcast_in_dim3A_868, %broadcast_in_dim3A_869 : vector<128x4096xi1>, vector<128x4096xi32>
    %reduce_min3A_871 = arith.constant dense<2147483647> : vector<128xi32>
    %reduce_min3A_872 = vector.multi_reduction <minsi>, %select_n3A_870, %reduce_min3A_871 [1] : vector<128x4096xi32> to vector<128xi32>
    %broadcast_in_dim3A_873 = vector.shape_cast %reduce_min3A_872 : vector<128xi32> to vector<128x1xi32>
    %add3A_874 = vector.broadcast %mul3A_56 : i32 to vector<128x1xi32>
    %add3A_875 = arith.addi %broadcast_in_dim3A_873, %add3A_874 : vector<128x1xi32>
    %swap3A_876 = arith.constant 0 : index
    %swap3A_877 = arith.constant 0 : index
    %swap3A_878 = arith.constant 30 : index
    %swap3A_879 = vector.load %arg4[%swap3A_876, %swap3A_877, %swap3A_878] : memref<1x128x64xi32, #tpu.memory_space<vmem>>, vector<1x128x1xi32>
    %swap3A_880 = vector.shape_cast %swap3A_879 : vector<1x128x1xi32> to vector<128x1xi32>
    %swap3A_881 = vector.shape_cast %add3A_875 : vector<128x1xi32> to vector<1x128x1xi32>
    tpu.vector_store %arg4[%swap3A_876, %swap3A_877, %swap3A_878], %swap3A_881 {strides = array<i32>} : memref<1x128x64xi32, #tpu.memory_space<vmem>>, vector<1x128x1xi32>,
    %eq3A_882 = vector.broadcast %iota3A : vector<1x4096xi32> to vector<128x4096xi32>
    %eq3A_883 = vector.broadcast %broadcast_in_dim3A_873 : vector<128x1xi32> to vector<128x4096xi32>
    %eq3A_884 = arith.cmpi eq, %eq3A_882, %eq3A_883 : vector<128x4096xi32>
    %jit3A_885 = arith.constant 3.000000e+38 : f32
    %broadcast_in_dim3A_886 = vector.broadcast %jit3A_885 : f32 to vector<128x4096xf32>
    %select_n3A_887 = arith.select %eq3A_884, %broadcast_in_dim3A_886, %select_n3A_860 : vector<128x4096xi1>, vector<128x4096xf32>
    %reduce_min3A_888 = arith.constant dense<0x7F800000> : vector<128xf32>
    %reduce_min3A_889 = vector.multi_reduction <minimumf>, %select_n3A_887, %reduce_min3A_888 [1] : vector<128x4096xf32> to vector<128xf32>
    %broadcast_in_dim3A_890 = vector.shape_cast %reduce_min3A_889 : vector<128xf32> to vector<128x1xf32>
    %eq3A_891 = vector.broadcast %broadcast_in_dim3A_890 : vector<128x1xf32> to vector<128x4096xf32>
    %eq3A_892 = arith.cmpf oeq, %select_n3A_887, %eq3A_891 : vector<128x4096xf32>
    %jit3A_893 = arith.constant 4096 : i32
    %broadcast_in_dim3A_894 = vector.shape_cast %iota3A : vector<1x4096xi32> to vector<1x4096xi32>
    %broadcast_in_dim3A_895 = vector.broadcast %broadcast_in_dim3A_894 : vector<1x4096xi32> to vector<128x4096xi32>
    %broadcast_in_dim3A_896 = vector.broadcast %jit3A_893 : i32 to vector<128x4096xi32>
    %select_n3A_897 = arith.select %eq3A_892, %broadcast_in_dim3A_895, %broadcast_in_dim3A_896 : vector<128x4096xi1>, vector<128x4096xi32>
    %reduce_min3A_898 = arith.constant dense<2147483647> : vector<128xi32>
    %reduce_min3A_899 = vector.multi_reduction <minsi>, %select_n3A_897, %reduce_min3A_898 [1] : vector<128x4096xi32> to vector<128xi32>
    %broadcast_in_dim3A_900 = vector.shape_cast %reduce_min3A_899 : vector<128xi32> to vector<128x1xi32>
    %add3A_901 = vector.broadcast %mul3A_56 : i32 to vector<128x1xi32>
    %add3A_902 = arith.addi %broadcast_in_dim3A_900, %add3A_901 : vector<128x1xi32>
    %swap3A_903 = arith.constant 0 : index
    %swap3A_904 = arith.constant 0 : index
    %swap3A_905 = arith.constant 31 : index
    %swap3A_906 = vector.load %arg4[%swap3A_903, %swap3A_904, %swap3A_905] : memref<1x128x64xi32, #tpu.memory_space<vmem>>, vector<1x128x1xi32>
    %swap3A_907 = vector.shape_cast %swap3A_906 : vector<1x128x1xi32> to vector<128x1xi32>
    %swap3A_908 = vector.shape_cast %add3A_902 : vector<128x1xi32> to vector<1x128x1xi32>
    tpu.vector_store %arg4[%swap3A_903, %swap3A_904, %swap3A_905], %swap3A_908 {strides = array<i32>} : memref<1x128x64xi32, #tpu.memory_space<vmem>>, vector<1x128x1xi32>,
    %eq3A_909 = vector.broadcast %iota3A : vector<1x4096xi32> to vector<128x4096xi32>
    %eq3A_910 = vector.broadcast %broadcast_in_dim3A_900 : vector<128x1xi32> to vector<128x4096xi32>
    %eq3A_911 = arith.cmpi eq, %eq3A_909, %eq3A_910 : vector<128x4096xi32>
    %jit3A_912 = arith.constant 3.000000e+38 : f32
    %broadcast_in_dim3A_913 = vector.broadcast %jit3A_912 : f32 to vector<128x4096xf32>
    %select_n3A_914 = arith.select %eq3A_911, %broadcast_in_dim3A_913, %select_n3A_887 : vector<128x4096xi1>, vector<128x4096xf32>
    %reduce_min3A_915 = arith.constant dense<0x7F800000> : vector<128xf32>
    %reduce_min3A_916 = vector.multi_reduction <minimumf>, %select_n3A_914, %reduce_min3A_915 [1] : vector<128x4096xf32> to vector<128xf32>
    %broadcast_in_dim3A_917 = vector.shape_cast %reduce_min3A_916 : vector<128xf32> to vector<128x1xf32>
    %eq3A_918 = vector.broadcast %broadcast_in_dim3A_917 : vector<128x1xf32> to vector<128x4096xf32>
    %eq3A_919 = arith.cmpf oeq, %select_n3A_914, %eq3A_918 : vector<128x4096xf32>
    %jit3A_920 = arith.constant 4096 : i32
    %broadcast_in_dim3A_921 = vector.shape_cast %iota3A : vector<1x4096xi32> to vector<1x4096xi32>
    %broadcast_in_dim3A_922 = vector.broadcast %broadcast_in_dim3A_921 : vector<1x4096xi32> to vector<128x4096xi32>
    %broadcast_in_dim3A_923 = vector.broadcast %jit3A_920 : i32 to vector<128x4096xi32>
    %select_n3A_924 = arith.select %eq3A_919, %broadcast_in_dim3A_922, %broadcast_in_dim3A_923 : vector<128x4096xi1>, vector<128x4096xi32>
    %reduce_min3A_925 = arith.constant dense<2147483647> : vector<128xi32>
    %reduce_min3A_926 = vector.multi_reduction <minsi>, %select_n3A_924, %reduce_min3A_925 [1] : vector<128x4096xi32> to vector<128xi32>
    %broadcast_in_dim3A_927 = vector.shape_cast %reduce_min3A_926 : vector<128xi32> to vector<128x1xi32>
    %add3A_928 = vector.broadcast %mul3A_56 : i32 to vector<128x1xi32>
    %add3A_929 = arith.addi %broadcast_in_dim3A_927, %add3A_928 : vector<128x1xi32>
    %swap3A_930 = arith.constant 0 : index
    %swap3A_931 = arith.constant 0 : index
    %swap3A_932 = arith.constant 32 : index
    %swap3A_933 = vector.load %arg4[%swap3A_930, %swap3A_931, %swap3A_932] : memref<1x128x64xi32, #tpu.memory_space<vmem>>, vector<1x128x1xi32>
    %swap3A_934 = vector.shape_cast %swap3A_933 : vector<1x128x1xi32> to vector<128x1xi32>
    %swap3A_935 = vector.shape_cast %add3A_929 : vector<128x1xi32> to vector<1x128x1xi32>
    tpu.vector_store %arg4[%swap3A_930, %swap3A_931, %swap3A_932], %swap3A_935 {strides = array<i32>} : memref<1x128x64xi32, #tpu.memory_space<vmem>>, vector<1x128x1xi32>,
    %eq3A_936 = vector.broadcast %iota3A : vector<1x4096xi32> to vector<128x4096xi32>
    %eq3A_937 = vector.broadcast %broadcast_in_dim3A_927 : vector<128x1xi32> to vector<128x4096xi32>
    %eq3A_938 = arith.cmpi eq, %eq3A_936, %eq3A_937 : vector<128x4096xi32>
    %jit3A_939 = arith.constant 3.000000e+38 : f32
    %broadcast_in_dim3A_940 = vector.broadcast %jit3A_939 : f32 to vector<128x4096xf32>
    %select_n3A_941 = arith.select %eq3A_938, %broadcast_in_dim3A_940, %select_n3A_914 : vector<128x4096xi1>, vector<128x4096xf32>
    %reduce_min3A_942 = arith.constant dense<0x7F800000> : vector<128xf32>
    %reduce_min3A_943 = vector.multi_reduction <minimumf>, %select_n3A_941, %reduce_min3A_942 [1] : vector<128x4096xf32> to vector<128xf32>
    %broadcast_in_dim3A_944 = vector.shape_cast %reduce_min3A_943 : vector<128xf32> to vector<128x1xf32>
    %eq3A_945 = vector.broadcast %broadcast_in_dim3A_944 : vector<128x1xf32> to vector<128x4096xf32>
    %eq3A_946 = arith.cmpf oeq, %select_n3A_941, %eq3A_945 : vector<128x4096xf32>
    %jit3A_947 = arith.constant 4096 : i32
    %broadcast_in_dim3A_948 = vector.shape_cast %iota3A : vector<1x4096xi32> to vector<1x4096xi32>
    %broadcast_in_dim3A_949 = vector.broadcast %broadcast_in_dim3A_948 : vector<1x4096xi32> to vector<128x4096xi32>
    %broadcast_in_dim3A_950 = vector.broadcast %jit3A_947 : i32 to vector<128x4096xi32>
    %select_n3A_951 = arith.select %eq3A_946, %broadcast_in_dim3A_949, %broadcast_in_dim3A_950 : vector<128x4096xi1>, vector<128x4096xi32>
    %reduce_min3A_952 = arith.constant dense<2147483647> : vector<128xi32>
    %reduce_min3A_953 = vector.multi_reduction <minsi>, %select_n3A_951, %reduce_min3A_952 [1] : vector<128x4096xi32> to vector<128xi32>
    %broadcast_in_dim3A_954 = vector.shape_cast %reduce_min3A_953 : vector<128xi32> to vector<128x1xi32>
    %add3A_955 = vector.broadcast %mul3A_56 : i32 to vector<128x1xi32>
    %add3A_956 = arith.addi %broadcast_in_dim3A_954, %add3A_955 : vector<128x1xi32>
    %swap3A_957 = arith.constant 0 : index
    %swap3A_958 = arith.constant 0 : index
    %swap3A_959 = arith.constant 33 : index
    %swap3A_960 = vector.load %arg4[%swap3A_957, %swap3A_958, %swap3A_959] : memref<1x128x64xi32, #tpu.memory_space<vmem>>, vector<1x128x1xi32>
    %swap3A_961 = vector.shape_cast %swap3A_960 : vector<1x128x1xi32> to vector<128x1xi32>
    %swap3A_962 = vector.shape_cast %add3A_956 : vector<128x1xi32> to vector<1x128x1xi32>
    tpu.vector_store %arg4[%swap3A_957, %swap3A_958, %swap3A_959], %swap3A_962 {strides = array<i32>} : memref<1x128x64xi32, #tpu.memory_space<vmem>>, vector<1x128x1xi32>,
    %eq3A_963 = vector.broadcast %iota3A : vector<1x4096xi32> to vector<128x4096xi32>
    %eq3A_964 = vector.broadcast %broadcast_in_dim3A_954 : vector<128x1xi32> to vector<128x4096xi32>
    %eq3A_965 = arith.cmpi eq, %eq3A_963, %eq3A_964 : vector<128x4096xi32>
    %jit3A_966 = arith.constant 3.000000e+38 : f32
    %broadcast_in_dim3A_967 = vector.broadcast %jit3A_966 : f32 to vector<128x4096xf32>
    %select_n3A_968 = arith.select %eq3A_965, %broadcast_in_dim3A_967, %select_n3A_941 : vector<128x4096xi1>, vector<128x4096xf32>
    %reduce_min3A_969 = arith.constant dense<0x7F800000> : vector<128xf32>
    %reduce_min3A_970 = vector.multi_reduction <minimumf>, %select_n3A_968, %reduce_min3A_969 [1] : vector<128x4096xf32> to vector<128xf32>
    %broadcast_in_dim3A_971 = vector.shape_cast %reduce_min3A_970 : vector<128xf32> to vector<128x1xf32>
    %eq3A_972 = vector.broadcast %broadcast_in_dim3A_971 : vector<128x1xf32> to vector<128x4096xf32>
    %eq3A_973 = arith.cmpf oeq, %select_n3A_968, %eq3A_972 : vector<128x4096xf32>
    %jit3A_974 = arith.constant 4096 : i32
    %broadcast_in_dim3A_975 = vector.shape_cast %iota3A : vector<1x4096xi32> to vector<1x4096xi32>
    %broadcast_in_dim3A_976 = vector.broadcast %broadcast_in_dim3A_975 : vector<1x4096xi32> to vector<128x4096xi32>
    %broadcast_in_dim3A_977 = vector.broadcast %jit3A_974 : i32 to vector<128x4096xi32>
    %select_n3A_978 = arith.select %eq3A_973, %broadcast_in_dim3A_976, %broadcast_in_dim3A_977 : vector<128x4096xi1>, vector<128x4096xi32>
    %reduce_min3A_979 = arith.constant dense<2147483647> : vector<128xi32>
    %reduce_min3A_980 = vector.multi_reduction <minsi>, %select_n3A_978, %reduce_min3A_979 [1] : vector<128x4096xi32> to vector<128xi32>
    %broadcast_in_dim3A_981 = vector.shape_cast %reduce_min3A_980 : vector<128xi32> to vector<128x1xi32>
    %add3A_982 = vector.broadcast %mul3A_56 : i32 to vector<128x1xi32>
    %add3A_983 = arith.addi %broadcast_in_dim3A_981, %add3A_982 : vector<128x1xi32>
    %swap3A_984 = arith.constant 0 : index
    %swap3A_985 = arith.constant 0 : index
    %swap3A_986 = arith.constant 34 : index
    %swap3A_987 = vector.load %arg4[%swap3A_984, %swap3A_985, %swap3A_986] : memref<1x128x64xi32, #tpu.memory_space<vmem>>, vector<1x128x1xi32>
    %swap3A_988 = vector.shape_cast %swap3A_987 : vector<1x128x1xi32> to vector<128x1xi32>
    %swap3A_989 = vector.shape_cast %add3A_983 : vector<128x1xi32> to vector<1x128x1xi32>
    tpu.vector_store %arg4[%swap3A_984, %swap3A_985, %swap3A_986], %swap3A_989 {strides = array<i32>} : memref<1x128x64xi32, #tpu.memory_space<vmem>>, vector<1x128x1xi32>,
    %eq3A_990 = vector.broadcast %iota3A : vector<1x4096xi32> to vector<128x4096xi32>
    %eq3A_991 = vector.broadcast %broadcast_in_dim3A_981 : vector<128x1xi32> to vector<128x4096xi32>
    %eq3A_992 = arith.cmpi eq, %eq3A_990, %eq3A_991 : vector<128x4096xi32>
    %jit3A_993 = arith.constant 3.000000e+38 : f32
    %broadcast_in_dim3A_994 = vector.broadcast %jit3A_993 : f32 to vector<128x4096xf32>
    %select_n3A_995 = arith.select %eq3A_992, %broadcast_in_dim3A_994, %select_n3A_968 : vector<128x4096xi1>, vector<128x4096xf32>
    %reduce_min3A_996 = arith.constant dense<0x7F800000> : vector<128xf32>
    %reduce_min3A_997 = vector.multi_reduction <minimumf>, %select_n3A_995, %reduce_min3A_996 [1] : vector<128x4096xf32> to vector<128xf32>
    %broadcast_in_dim3A_998 = vector.shape_cast %reduce_min3A_997 : vector<128xf32> to vector<128x1xf32>
    %eq3A_999 = vector.broadcast %broadcast_in_dim3A_998 : vector<128x1xf32> to vector<128x4096xf32>
    %eq3A_1000 = arith.cmpf oeq, %select_n3A_995, %eq3A_999 : vector<128x4096xf32>
    %jit3A_1001 = arith.constant 4096 : i32
    %broadcast_in_dim3A_1002 = vector.shape_cast %iota3A : vector<1x4096xi32> to vector<1x4096xi32>
    %broadcast_in_dim3A_1003 = vector.broadcast %broadcast_in_dim3A_1002 : vector<1x4096xi32> to vector<128x4096xi32>
    %broadcast_in_dim3A_1004 = vector.broadcast %jit3A_1001 : i32 to vector<128x4096xi32>
    %select_n3A_1005 = arith.select %eq3A_1000, %broadcast_in_dim3A_1003, %broadcast_in_dim3A_1004 : vector<128x4096xi1>, vector<128x4096xi32>
    %reduce_min3A_1006 = arith.constant dense<2147483647> : vector<128xi32>
    %reduce_min3A_1007 = vector.multi_reduction <minsi>, %select_n3A_1005, %reduce_min3A_1006 [1] : vector<128x4096xi32> to vector<128xi32>
    %broadcast_in_dim3A_1008 = vector.shape_cast %reduce_min3A_1007 : vector<128xi32> to vector<128x1xi32>
    %add3A_1009 = vector.broadcast %mul3A_56 : i32 to vector<128x1xi32>
    %add3A_1010 = arith.addi %broadcast_in_dim3A_1008, %add3A_1009 : vector<128x1xi32>
    %swap3A_1011 = arith.constant 0 : index
    %swap3A_1012 = arith.constant 0 : index
    %swap3A_1013 = arith.constant 35 : index
    %swap3A_1014 = vector.load %arg4[%swap3A_1011, %swap3A_1012, %swap3A_1013] : memref<1x128x64xi32, #tpu.memory_space<vmem>>, vector<1x128x1xi32>
    %swap3A_1015 = vector.shape_cast %swap3A_1014 : vector<1x128x1xi32> to vector<128x1xi32>
    %swap3A_1016 = vector.shape_cast %add3A_1010 : vector<128x1xi32> to vector<1x128x1xi32>
    tpu.vector_store %arg4[%swap3A_1011, %swap3A_1012, %swap3A_1013], %swap3A_1016 {strides = array<i32>} : memref<1x128x64xi32, #tpu.memory_space<vmem>>, vector<1x128x1xi32>,
    %eq3A_1017 = vector.broadcast %iota3A : vector<1x4096xi32> to vector<128x4096xi32>
    %eq3A_1018 = vector.broadcast %broadcast_in_dim3A_1008 : vector<128x1xi32> to vector<128x4096xi32>
    %eq3A_1019 = arith.cmpi eq, %eq3A_1017, %eq3A_1018 : vector<128x4096xi32>
    %jit3A_1020 = arith.constant 3.000000e+38 : f32
    %broadcast_in_dim3A_1021 = vector.broadcast %jit3A_1020 : f32 to vector<128x4096xf32>
    %select_n3A_1022 = arith.select %eq3A_1019, %broadcast_in_dim3A_1021, %select_n3A_995 : vector<128x4096xi1>, vector<128x4096xf32>
    %reduce_min3A_1023 = arith.constant dense<0x7F800000> : vector<128xf32>
    %reduce_min3A_1024 = vector.multi_reduction <minimumf>, %select_n3A_1022, %reduce_min3A_1023 [1] : vector<128x4096xf32> to vector<128xf32>
    %broadcast_in_dim3A_1025 = vector.shape_cast %reduce_min3A_1024 : vector<128xf32> to vector<128x1xf32>
    %eq3A_1026 = vector.broadcast %broadcast_in_dim3A_1025 : vector<128x1xf32> to vector<128x4096xf32>
    %eq3A_1027 = arith.cmpf oeq, %select_n3A_1022, %eq3A_1026 : vector<128x4096xf32>
    %jit3A_1028 = arith.constant 4096 : i32
    %broadcast_in_dim3A_1029 = vector.shape_cast %iota3A : vector<1x4096xi32> to vector<1x4096xi32>
    %broadcast_in_dim3A_1030 = vector.broadcast %broadcast_in_dim3A_1029 : vector<1x4096xi32> to vector<128x4096xi32>
    %broadcast_in_dim3A_1031 = vector.broadcast %jit3A_1028 : i32 to vector<128x4096xi32>
    %select_n3A_1032 = arith.select %eq3A_1027, %broadcast_in_dim3A_1030, %broadcast_in_dim3A_1031 : vector<128x4096xi1>, vector<128x4096xi32>
    %reduce_min3A_1033 = arith.constant dense<2147483647> : vector<128xi32>
    %reduce_min3A_1034 = vector.multi_reduction <minsi>, %select_n3A_1032, %reduce_min3A_1033 [1] : vector<128x4096xi32> to vector<128xi32>
    %broadcast_in_dim3A_1035 = vector.shape_cast %reduce_min3A_1034 : vector<128xi32> to vector<128x1xi32>
    %add3A_1036 = vector.broadcast %mul3A_56 : i32 to vector<128x1xi32>
    %add3A_1037 = arith.addi %broadcast_in_dim3A_1035, %add3A_1036 : vector<128x1xi32>
    %swap3A_1038 = arith.constant 0 : index
    %swap3A_1039 = arith.constant 0 : index
    %swap3A_1040 = arith.constant 36 : index
    %swap3A_1041 = vector.load %arg4[%swap3A_1038, %swap3A_1039, %swap3A_1040] : memref<1x128x64xi32, #tpu.memory_space<vmem>>, vector<1x128x1xi32>
    %swap3A_1042 = vector.shape_cast %swap3A_1041 : vector<1x128x1xi32> to vector<128x1xi32>
    %swap3A_1043 = vector.shape_cast %add3A_1037 : vector<128x1xi32> to vector<1x128x1xi32>
    tpu.vector_store %arg4[%swap3A_1038, %swap3A_1039, %swap3A_1040], %swap3A_1043 {strides = array<i32>} : memref<1x128x64xi32, #tpu.memory_space<vmem>>, vector<1x128x1xi32>,
    %eq3A_1044 = vector.broadcast %iota3A : vector<1x4096xi32> to vector<128x4096xi32>
    %eq3A_1045 = vector.broadcast %broadcast_in_dim3A_1035 : vector<128x1xi32> to vector<128x4096xi32>
    %eq3A_1046 = arith.cmpi eq, %eq3A_1044, %eq3A_1045 : vector<128x4096xi32>
    %jit3A_1047 = arith.constant 3.000000e+38 : f32
    %broadcast_in_dim3A_1048 = vector.broadcast %jit3A_1047 : f32 to vector<128x4096xf32>
    %select_n3A_1049 = arith.select %eq3A_1046, %broadcast_in_dim3A_1048, %select_n3A_1022 : vector<128x4096xi1>, vector<128x4096xf32>
    %reduce_min3A_1050 = arith.constant dense<0x7F800000> : vector<128xf32>
    %reduce_min3A_1051 = vector.multi_reduction <minimumf>, %select_n3A_1049, %reduce_min3A_1050 [1] : vector<128x4096xf32> to vector<128xf32>
    %broadcast_in_dim3A_1052 = vector.shape_cast %reduce_min3A_1051 : vector<128xf32> to vector<128x1xf32>
    %eq3A_1053 = vector.broadcast %broadcast_in_dim3A_1052 : vector<128x1xf32> to vector<128x4096xf32>
    %eq3A_1054 = arith.cmpf oeq, %select_n3A_1049, %eq3A_1053 : vector<128x4096xf32>
    %jit3A_1055 = arith.constant 4096 : i32
    %broadcast_in_dim3A_1056 = vector.shape_cast %iota3A : vector<1x4096xi32> to vector<1x4096xi32>
    %broadcast_in_dim3A_1057 = vector.broadcast %broadcast_in_dim3A_1056 : vector<1x4096xi32> to vector<128x4096xi32>
    %broadcast_in_dim3A_1058 = vector.broadcast %jit3A_1055 : i32 to vector<128x4096xi32>
    %select_n3A_1059 = arith.select %eq3A_1054, %broadcast_in_dim3A_1057, %broadcast_in_dim3A_1058 : vector<128x4096xi1>, vector<128x4096xi32>
    %reduce_min3A_1060 = arith.constant dense<2147483647> : vector<128xi32>
    %reduce_min3A_1061 = vector.multi_reduction <minsi>, %select_n3A_1059, %reduce_min3A_1060 [1] : vector<128x4096xi32> to vector<128xi32>
    %broadcast_in_dim3A_1062 = vector.shape_cast %reduce_min3A_1061 : vector<128xi32> to vector<128x1xi32>
    %add3A_1063 = vector.broadcast %mul3A_56 : i32 to vector<128x1xi32>
    %add3A_1064 = arith.addi %broadcast_in_dim3A_1062, %add3A_1063 : vector<128x1xi32>
    %swap3A_1065 = arith.constant 0 : index
    %swap3A_1066 = arith.constant 0 : index
    %swap3A_1067 = arith.constant 37 : index
    %swap3A_1068 = vector.load %arg4[%swap3A_1065, %swap3A_1066, %swap3A_1067] : memref<1x128x64xi32, #tpu.memory_space<vmem>>, vector<1x128x1xi32>
    %swap3A_1069 = vector.shape_cast %swap3A_1068 : vector<1x128x1xi32> to vector<128x1xi32>
    %swap3A_1070 = vector.shape_cast %add3A_1064 : vector<128x1xi32> to vector<1x128x1xi32>
    tpu.vector_store %arg4[%swap3A_1065, %swap3A_1066, %swap3A_1067], %swap3A_1070 {strides = array<i32>} : memref<1x128x64xi32, #tpu.memory_space<vmem>>, vector<1x128x1xi32>,
    %eq3A_1071 = vector.broadcast %iota3A : vector<1x4096xi32> to vector<128x4096xi32>
    %eq3A_1072 = vector.broadcast %broadcast_in_dim3A_1062 : vector<128x1xi32> to vector<128x4096xi32>
    %eq3A_1073 = arith.cmpi eq, %eq3A_1071, %eq3A_1072 : vector<128x4096xi32>
    %jit3A_1074 = arith.constant 3.000000e+38 : f32
    %broadcast_in_dim3A_1075 = vector.broadcast %jit3A_1074 : f32 to vector<128x4096xf32>
    %select_n3A_1076 = arith.select %eq3A_1073, %broadcast_in_dim3A_1075, %select_n3A_1049 : vector<128x4096xi1>, vector<128x4096xf32>
    %reduce_min3A_1077 = arith.constant dense<0x7F800000> : vector<128xf32>
    %reduce_min3A_1078 = vector.multi_reduction <minimumf>, %select_n3A_1076, %reduce_min3A_1077 [1] : vector<128x4096xf32> to vector<128xf32>
    %broadcast_in_dim3A_1079 = vector.shape_cast %reduce_min3A_1078 : vector<128xf32> to vector<128x1xf32>
    %eq3A_1080 = vector.broadcast %broadcast_in_dim3A_1079 : vector<128x1xf32> to vector<128x4096xf32>
    %eq3A_1081 = arith.cmpf oeq, %select_n3A_1076, %eq3A_1080 : vector<128x4096xf32>
    %jit3A_1082 = arith.constant 4096 : i32
    %broadcast_in_dim3A_1083 = vector.shape_cast %iota3A : vector<1x4096xi32> to vector<1x4096xi32>
    %broadcast_in_dim3A_1084 = vector.broadcast %broadcast_in_dim3A_1083 : vector<1x4096xi32> to vector<128x4096xi32>
    %broadcast_in_dim3A_1085 = vector.broadcast %jit3A_1082 : i32 to vector<128x4096xi32>
    %select_n3A_1086 = arith.select %eq3A_1081, %broadcast_in_dim3A_1084, %broadcast_in_dim3A_1085 : vector<128x4096xi1>, vector<128x4096xi32>
    %reduce_min3A_1087 = arith.constant dense<2147483647> : vector<128xi32>
    %reduce_min3A_1088 = vector.multi_reduction <minsi>, %select_n3A_1086, %reduce_min3A_1087 [1] : vector<128x4096xi32> to vector<128xi32>
    %broadcast_in_dim3A_1089 = vector.shape_cast %reduce_min3A_1088 : vector<128xi32> to vector<128x1xi32>
    %add3A_1090 = vector.broadcast %mul3A_56 : i32 to vector<128x1xi32>
    %add3A_1091 = arith.addi %broadcast_in_dim3A_1089, %add3A_1090 : vector<128x1xi32>
    %swap3A_1092 = arith.constant 0 : index
    %swap3A_1093 = arith.constant 0 : index
    %swap3A_1094 = arith.constant 38 : index
    %swap3A_1095 = vector.load %arg4[%swap3A_1092, %swap3A_1093, %swap3A_1094] : memref<1x128x64xi32, #tpu.memory_space<vmem>>, vector<1x128x1xi32>
    %swap3A_1096 = vector.shape_cast %swap3A_1095 : vector<1x128x1xi32> to vector<128x1xi32>
    %swap3A_1097 = vector.shape_cast %add3A_1091 : vector<128x1xi32> to vector<1x128x1xi32>
    tpu.vector_store %arg4[%swap3A_1092, %swap3A_1093, %swap3A_1094], %swap3A_1097 {strides = array<i32>} : memref<1x128x64xi32, #tpu.memory_space<vmem>>, vector<1x128x1xi32>,
    %eq3A_1098 = vector.broadcast %iota3A : vector<1x4096xi32> to vector<128x4096xi32>
    %eq3A_1099 = vector.broadcast %broadcast_in_dim3A_1089 : vector<128x1xi32> to vector<128x4096xi32>
    %eq3A_1100 = arith.cmpi eq, %eq3A_1098, %eq3A_1099 : vector<128x4096xi32>
    %jit3A_1101 = arith.constant 3.000000e+38 : f32
    %broadcast_in_dim3A_1102 = vector.broadcast %jit3A_1101 : f32 to vector<128x4096xf32>
    %select_n3A_1103 = arith.select %eq3A_1100, %broadcast_in_dim3A_1102, %select_n3A_1076 : vector<128x4096xi1>, vector<128x4096xf32>
    %reduce_min3A_1104 = arith.constant dense<0x7F800000> : vector<128xf32>
    %reduce_min3A_1105 = vector.multi_reduction <minimumf>, %select_n3A_1103, %reduce_min3A_1104 [1] : vector<128x4096xf32> to vector<128xf32>
    %broadcast_in_dim3A_1106 = vector.shape_cast %reduce_min3A_1105 : vector<128xf32> to vector<128x1xf32>
    %eq3A_1107 = vector.broadcast %broadcast_in_dim3A_1106 : vector<128x1xf32> to vector<128x4096xf32>
    %eq3A_1108 = arith.cmpf oeq, %select_n3A_1103, %eq3A_1107 : vector<128x4096xf32>
    %jit3A_1109 = arith.constant 4096 : i32
    %broadcast_in_dim3A_1110 = vector.shape_cast %iota3A : vector<1x4096xi32> to vector<1x4096xi32>
    %broadcast_in_dim3A_1111 = vector.broadcast %broadcast_in_dim3A_1110 : vector<1x4096xi32> to vector<128x4096xi32>
    %broadcast_in_dim3A_1112 = vector.broadcast %jit3A_1109 : i32 to vector<128x4096xi32>
    %select_n3A_1113 = arith.select %eq3A_1108, %broadcast_in_dim3A_1111, %broadcast_in_dim3A_1112 : vector<128x4096xi1>, vector<128x4096xi32>
    %reduce_min3A_1114 = arith.constant dense<2147483647> : vector<128xi32>
    %reduce_min3A_1115 = vector.multi_reduction <minsi>, %select_n3A_1113, %reduce_min3A_1114 [1] : vector<128x4096xi32> to vector<128xi32>
    %broadcast_in_dim3A_1116 = vector.shape_cast %reduce_min3A_1115 : vector<128xi32> to vector<128x1xi32>
    %add3A_1117 = vector.broadcast %mul3A_56 : i32 to vector<128x1xi32>
    %add3A_1118 = arith.addi %broadcast_in_dim3A_1116, %add3A_1117 : vector<128x1xi32>
    %swap3A_1119 = arith.constant 0 : index
    %swap3A_1120 = arith.constant 0 : index
    %swap3A_1121 = arith.constant 39 : index
    %swap3A_1122 = vector.load %arg4[%swap3A_1119, %swap3A_1120, %swap3A_1121] : memref<1x128x64xi32, #tpu.memory_space<vmem>>, vector<1x128x1xi32>
    %swap3A_1123 = vector.shape_cast %swap3A_1122 : vector<1x128x1xi32> to vector<128x1xi32>
    %swap3A_1124 = vector.shape_cast %add3A_1118 : vector<128x1xi32> to vector<1x128x1xi32>
    tpu.vector_store %arg4[%swap3A_1119, %swap3A_1120, %swap3A_1121], %swap3A_1124 {strides = array<i32>} : memref<1x128x64xi32, #tpu.memory_space<vmem>>, vector<1x128x1xi32>,
    %eq3A_1125 = vector.broadcast %iota3A : vector<1x4096xi32> to vector<128x4096xi32>
    %eq3A_1126 = vector.broadcast %broadcast_in_dim3A_1116 : vector<128x1xi32> to vector<128x4096xi32>
    %eq3A_1127 = arith.cmpi eq, %eq3A_1125, %eq3A_1126 : vector<128x4096xi32>
    %jit3A_1128 = arith.constant 3.000000e+38 : f32
    %broadcast_in_dim3A_1129 = vector.broadcast %jit3A_1128 : f32 to vector<128x4096xf32>
    %select_n3A_1130 = arith.select %eq3A_1127, %broadcast_in_dim3A_1129, %select_n3A_1103 : vector<128x4096xi1>, vector<128x4096xf32>
    %reduce_min3A_1131 = arith.constant dense<0x7F800000> : vector<128xf32>
    %reduce_min3A_1132 = vector.multi_reduction <minimumf>, %select_n3A_1130, %reduce_min3A_1131 [1] : vector<128x4096xf32> to vector<128xf32>
    %broadcast_in_dim3A_1133 = vector.shape_cast %reduce_min3A_1132 : vector<128xf32> to vector<128x1xf32>
    %eq3A_1134 = vector.broadcast %broadcast_in_dim3A_1133 : vector<128x1xf32> to vector<128x4096xf32>
    %eq3A_1135 = arith.cmpf oeq, %select_n3A_1130, %eq3A_1134 : vector<128x4096xf32>
    %jit3A_1136 = arith.constant 4096 : i32
    %broadcast_in_dim3A_1137 = vector.shape_cast %iota3A : vector<1x4096xi32> to vector<1x4096xi32>
    %broadcast_in_dim3A_1138 = vector.broadcast %broadcast_in_dim3A_1137 : vector<1x4096xi32> to vector<128x4096xi32>
    %broadcast_in_dim3A_1139 = vector.broadcast %jit3A_1136 : i32 to vector<128x4096xi32>
    %select_n3A_1140 = arith.select %eq3A_1135, %broadcast_in_dim3A_1138, %broadcast_in_dim3A_1139 : vector<128x4096xi1>, vector<128x4096xi32>
    %reduce_min3A_1141 = arith.constant dense<2147483647> : vector<128xi32>
    %reduce_min3A_1142 = vector.multi_reduction <minsi>, %select_n3A_1140, %reduce_min3A_1141 [1] : vector<128x4096xi32> to vector<128xi32>
    %broadcast_in_dim3A_1143 = vector.shape_cast %reduce_min3A_1142 : vector<128xi32> to vector<128x1xi32>
    %add3A_1144 = vector.broadcast %mul3A_56 : i32 to vector<128x1xi32>
    %add3A_1145 = arith.addi %broadcast_in_dim3A_1143, %add3A_1144 : vector<128x1xi32>
    %swap3A_1146 = arith.constant 0 : index
    %swap3A_1147 = arith.constant 0 : index
    %swap3A_1148 = arith.constant 40 : index
    %swap3A_1149 = vector.load %arg4[%swap3A_1146, %swap3A_1147, %swap3A_1148] : memref<1x128x64xi32, #tpu.memory_space<vmem>>, vector<1x128x1xi32>
    %swap3A_1150 = vector.shape_cast %swap3A_1149 : vector<1x128x1xi32> to vector<128x1xi32>
    %swap3A_1151 = vector.shape_cast %add3A_1145 : vector<128x1xi32> to vector<1x128x1xi32>
    tpu.vector_store %arg4[%swap3A_1146, %swap3A_1147, %swap3A_1148], %swap3A_1151 {strides = array<i32>} : memref<1x128x64xi32, #tpu.memory_space<vmem>>, vector<1x128x1xi32>,
    %eq3A_1152 = vector.broadcast %iota3A : vector<1x4096xi32> to vector<128x4096xi32>
    %eq3A_1153 = vector.broadcast %broadcast_in_dim3A_1143 : vector<128x1xi32> to vector<128x4096xi32>
    %eq3A_1154 = arith.cmpi eq, %eq3A_1152, %eq3A_1153 : vector<128x4096xi32>
    %jit3A_1155 = arith.constant 3.000000e+38 : f32
    %broadcast_in_dim3A_1156 = vector.broadcast %jit3A_1155 : f32 to vector<128x4096xf32>
    %select_n3A_1157 = arith.select %eq3A_1154, %broadcast_in_dim3A_1156, %select_n3A_1130 : vector<128x4096xi1>, vector<128x4096xf32>
    %reduce_min3A_1158 = arith.constant dense<0x7F800000> : vector<128xf32>
    %reduce_min3A_1159 = vector.multi_reduction <minimumf>, %select_n3A_1157, %reduce_min3A_1158 [1] : vector<128x4096xf32> to vector<128xf32>
    %broadcast_in_dim3A_1160 = vector.shape_cast %reduce_min3A_1159 : vector<128xf32> to vector<128x1xf32>
    %eq3A_1161 = vector.broadcast %broadcast_in_dim3A_1160 : vector<128x1xf32> to vector<128x4096xf32>
    %eq3A_1162 = arith.cmpf oeq, %select_n3A_1157, %eq3A_1161 : vector<128x4096xf32>
    %jit3A_1163 = arith.constant 4096 : i32
    %broadcast_in_dim3A_1164 = vector.shape_cast %iota3A : vector<1x4096xi32> to vector<1x4096xi32>
    %broadcast_in_dim3A_1165 = vector.broadcast %broadcast_in_dim3A_1164 : vector<1x4096xi32> to vector<128x4096xi32>
    %broadcast_in_dim3A_1166 = vector.broadcast %jit3A_1163 : i32 to vector<128x4096xi32>
    %select_n3A_1167 = arith.select %eq3A_1162, %broadcast_in_dim3A_1165, %broadcast_in_dim3A_1166 : vector<128x4096xi1>, vector<128x4096xi32>
    %reduce_min3A_1168 = arith.constant dense<2147483647> : vector<128xi32>
    %reduce_min3A_1169 = vector.multi_reduction <minsi>, %select_n3A_1167, %reduce_min3A_1168 [1] : vector<128x4096xi32> to vector<128xi32>
    %broadcast_in_dim3A_1170 = vector.shape_cast %reduce_min3A_1169 : vector<128xi32> to vector<128x1xi32>
    %add3A_1171 = vector.broadcast %mul3A_56 : i32 to vector<128x1xi32>
    %add3A_1172 = arith.addi %broadcast_in_dim3A_1170, %add3A_1171 : vector<128x1xi32>
    %swap3A_1173 = arith.constant 0 : index
    %swap3A_1174 = arith.constant 0 : index
    %swap3A_1175 = arith.constant 41 : index
    %swap3A_1176 = vector.load %arg4[%swap3A_1173, %swap3A_1174, %swap3A_1175] : memref<1x128x64xi32, #tpu.memory_space<vmem>>, vector<1x128x1xi32>
    %swap3A_1177 = vector.shape_cast %swap3A_1176 : vector<1x128x1xi32> to vector<128x1xi32>
    %swap3A_1178 = vector.shape_cast %add3A_1172 : vector<128x1xi32> to vector<1x128x1xi32>
    tpu.vector_store %arg4[%swap3A_1173, %swap3A_1174, %swap3A_1175], %swap3A_1178 {strides = array<i32>} : memref<1x128x64xi32, #tpu.memory_space<vmem>>, vector<1x128x1xi32>,
    %eq3A_1179 = vector.broadcast %iota3A : vector<1x4096xi32> to vector<128x4096xi32>
    %eq3A_1180 = vector.broadcast %broadcast_in_dim3A_1170 : vector<128x1xi32> to vector<128x4096xi32>
    %eq3A_1181 = arith.cmpi eq, %eq3A_1179, %eq3A_1180 : vector<128x4096xi32>
    %jit3A_1182 = arith.constant 3.000000e+38 : f32
    %broadcast_in_dim3A_1183 = vector.broadcast %jit3A_1182 : f32 to vector<128x4096xf32>
    %select_n3A_1184 = arith.select %eq3A_1181, %broadcast_in_dim3A_1183, %select_n3A_1157 : vector<128x4096xi1>, vector<128x4096xf32>
    %reduce_min3A_1185 = arith.constant dense<0x7F800000> : vector<128xf32>
    %reduce_min3A_1186 = vector.multi_reduction <minimumf>, %select_n3A_1184, %reduce_min3A_1185 [1] : vector<128x4096xf32> to vector<128xf32>
    %broadcast_in_dim3A_1187 = vector.shape_cast %reduce_min3A_1186 : vector<128xf32> to vector<128x1xf32>
    %eq3A_1188 = vector.broadcast %broadcast_in_dim3A_1187 : vector<128x1xf32> to vector<128x4096xf32>
    %eq3A_1189 = arith.cmpf oeq, %select_n3A_1184, %eq3A_1188 : vector<128x4096xf32>
    %jit3A_1190 = arith.constant 4096 : i32
    %broadcast_in_dim3A_1191 = vector.shape_cast %iota3A : vector<1x4096xi32> to vector<1x4096xi32>
    %broadcast_in_dim3A_1192 = vector.broadcast %broadcast_in_dim3A_1191 : vector<1x4096xi32> to vector<128x4096xi32>
    %broadcast_in_dim3A_1193 = vector.broadcast %jit3A_1190 : i32 to vector<128x4096xi32>
    %select_n3A_1194 = arith.select %eq3A_1189, %broadcast_in_dim3A_1192, %broadcast_in_dim3A_1193 : vector<128x4096xi1>, vector<128x4096xi32>
    %reduce_min3A_1195 = arith.constant dense<2147483647> : vector<128xi32>
    %reduce_min3A_1196 = vector.multi_reduction <minsi>, %select_n3A_1194, %reduce_min3A_1195 [1] : vector<128x4096xi32> to vector<128xi32>
    %broadcast_in_dim3A_1197 = vector.shape_cast %reduce_min3A_1196 : vector<128xi32> to vector<128x1xi32>
    %add3A_1198 = vector.broadcast %mul3A_56 : i32 to vector<128x1xi32>
    %add3A_1199 = arith.addi %broadcast_in_dim3A_1197, %add3A_1198 : vector<128x1xi32>
    %swap3A_1200 = arith.constant 0 : index
    %swap3A_1201 = arith.constant 0 : index
    %swap3A_1202 = arith.constant 42 : index
    %swap3A_1203 = vector.load %arg4[%swap3A_1200, %swap3A_1201, %swap3A_1202] : memref<1x128x64xi32, #tpu.memory_space<vmem>>, vector<1x128x1xi32>
    %swap3A_1204 = vector.shape_cast %swap3A_1203 : vector<1x128x1xi32> to vector<128x1xi32>
    %swap3A_1205 = vector.shape_cast %add3A_1199 : vector<128x1xi32> to vector<1x128x1xi32>
    tpu.vector_store %arg4[%swap3A_1200, %swap3A_1201, %swap3A_1202], %swap3A_1205 {strides = array<i32>} : memref<1x128x64xi32, #tpu.memory_space<vmem>>, vector<1x128x1xi32>,
    %eq3A_1206 = vector.broadcast %iota3A : vector<1x4096xi32> to vector<128x4096xi32>
    %eq3A_1207 = vector.broadcast %broadcast_in_dim3A_1197 : vector<128x1xi32> to vector<128x4096xi32>
    %eq3A_1208 = arith.cmpi eq, %eq3A_1206, %eq3A_1207 : vector<128x4096xi32>
    %jit3A_1209 = arith.constant 3.000000e+38 : f32
    %broadcast_in_dim3A_1210 = vector.broadcast %jit3A_1209 : f32 to vector<128x4096xf32>
    %select_n3A_1211 = arith.select %eq3A_1208, %broadcast_in_dim3A_1210, %select_n3A_1184 : vector<128x4096xi1>, vector<128x4096xf32>
    %reduce_min3A_1212 = arith.constant dense<0x7F800000> : vector<128xf32>
    %reduce_min3A_1213 = vector.multi_reduction <minimumf>, %select_n3A_1211, %reduce_min3A_1212 [1] : vector<128x4096xf32> to vector<128xf32>
    %broadcast_in_dim3A_1214 = vector.shape_cast %reduce_min3A_1213 : vector<128xf32> to vector<128x1xf32>
    %eq3A_1215 = vector.broadcast %broadcast_in_dim3A_1214 : vector<128x1xf32> to vector<128x4096xf32>
    %eq3A_1216 = arith.cmpf oeq, %select_n3A_1211, %eq3A_1215 : vector<128x4096xf32>
    %jit3A_1217 = arith.constant 4096 : i32
    %broadcast_in_dim3A_1218 = vector.shape_cast %iota3A : vector<1x4096xi32> to vector<1x4096xi32>
    %broadcast_in_dim3A_1219 = vector.broadcast %broadcast_in_dim3A_1218 : vector<1x4096xi32> to vector<128x4096xi32>
    %broadcast_in_dim3A_1220 = vector.broadcast %jit3A_1217 : i32 to vector<128x4096xi32>
    %select_n3A_1221 = arith.select %eq3A_1216, %broadcast_in_dim3A_1219, %broadcast_in_dim3A_1220 : vector<128x4096xi1>, vector<128x4096xi32>
    %reduce_min3A_1222 = arith.constant dense<2147483647> : vector<128xi32>
    %reduce_min3A_1223 = vector.multi_reduction <minsi>, %select_n3A_1221, %reduce_min3A_1222 [1] : vector<128x4096xi32> to vector<128xi32>
    %broadcast_in_dim3A_1224 = vector.shape_cast %reduce_min3A_1223 : vector<128xi32> to vector<128x1xi32>
    %add3A_1225 = vector.broadcast %mul3A_56 : i32 to vector<128x1xi32>
    %add3A_1226 = arith.addi %broadcast_in_dim3A_1224, %add3A_1225 : vector<128x1xi32>
    %swap3A_1227 = arith.constant 0 : index
    %swap3A_1228 = arith.constant 0 : index
    %swap3A_1229 = arith.constant 43 : index
    %swap3A_1230 = vector.load %arg4[%swap3A_1227, %swap3A_1228, %swap3A_1229] : memref<1x128x64xi32, #tpu.memory_space<vmem>>, vector<1x128x1xi32>
    %swap3A_1231 = vector.shape_cast %swap3A_1230 : vector<1x128x1xi32> to vector<128x1xi32>
    %swap3A_1232 = vector.shape_cast %add3A_1226 : vector<128x1xi32> to vector<1x128x1xi32>
    tpu.vector_store %arg4[%swap3A_1227, %swap3A_1228, %swap3A_1229], %swap3A_1232 {strides = array<i32>} : memref<1x128x64xi32, #tpu.memory_space<vmem>>, vector<1x128x1xi32>,
    %eq3A_1233 = vector.broadcast %iota3A : vector<1x4096xi32> to vector<128x4096xi32>
    %eq3A_1234 = vector.broadcast %broadcast_in_dim3A_1224 : vector<128x1xi32> to vector<128x4096xi32>
    %eq3A_1235 = arith.cmpi eq, %eq3A_1233, %eq3A_1234 : vector<128x4096xi32>
    %jit3A_1236 = arith.constant 3.000000e+38 : f32
    %broadcast_in_dim3A_1237 = vector.broadcast %jit3A_1236 : f32 to vector<128x4096xf32>
    %select_n3A_1238 = arith.select %eq3A_1235, %broadcast_in_dim3A_1237, %select_n3A_1211 : vector<128x4096xi1>, vector<128x4096xf32>
    %reduce_min3A_1239 = arith.constant dense<0x7F800000> : vector<128xf32>
    %reduce_min3A_1240 = vector.multi_reduction <minimumf>, %select_n3A_1238, %reduce_min3A_1239 [1] : vector<128x4096xf32> to vector<128xf32>
    %broadcast_in_dim3A_1241 = vector.shape_cast %reduce_min3A_1240 : vector<128xf32> to vector<128x1xf32>
    %eq3A_1242 = vector.broadcast %broadcast_in_dim3A_1241 : vector<128x1xf32> to vector<128x4096xf32>
    %eq3A_1243 = arith.cmpf oeq, %select_n3A_1238, %eq3A_1242 : vector<128x4096xf32>
    %jit3A_1244 = arith.constant 4096 : i32
    %broadcast_in_dim3A_1245 = vector.shape_cast %iota3A : vector<1x4096xi32> to vector<1x4096xi32>
    %broadcast_in_dim3A_1246 = vector.broadcast %broadcast_in_dim3A_1245 : vector<1x4096xi32> to vector<128x4096xi32>
    %broadcast_in_dim3A_1247 = vector.broadcast %jit3A_1244 : i32 to vector<128x4096xi32>
    %select_n3A_1248 = arith.select %eq3A_1243, %broadcast_in_dim3A_1246, %broadcast_in_dim3A_1247 : vector<128x4096xi1>, vector<128x4096xi32>
    %reduce_min3A_1249 = arith.constant dense<2147483647> : vector<128xi32>
    %reduce_min3A_1250 = vector.multi_reduction <minsi>, %select_n3A_1248, %reduce_min3A_1249 [1] : vector<128x4096xi32> to vector<128xi32>
    %broadcast_in_dim3A_1251 = vector.shape_cast %reduce_min3A_1250 : vector<128xi32> to vector<128x1xi32>
    %add3A_1252 = vector.broadcast %mul3A_56 : i32 to vector<128x1xi32>
    %add3A_1253 = arith.addi %broadcast_in_dim3A_1251, %add3A_1252 : vector<128x1xi32>
    %swap3A_1254 = arith.constant 0 : index
    %swap3A_1255 = arith.constant 0 : index
    %swap3A_1256 = arith.constant 44 : index
    %swap3A_1257 = vector.load %arg4[%swap3A_1254, %swap3A_1255, %swap3A_1256] : memref<1x128x64xi32, #tpu.memory_space<vmem>>, vector<1x128x1xi32>
    %swap3A_1258 = vector.shape_cast %swap3A_1257 : vector<1x128x1xi32> to vector<128x1xi32>
    %swap3A_1259 = vector.shape_cast %add3A_1253 : vector<128x1xi32> to vector<1x128x1xi32>
    tpu.vector_store %arg4[%swap3A_1254, %swap3A_1255, %swap3A_1256], %swap3A_1259 {strides = array<i32>} : memref<1x128x64xi32, #tpu.memory_space<vmem>>, vector<1x128x1xi32>,
    %eq3A_1260 = vector.broadcast %iota3A : vector<1x4096xi32> to vector<128x4096xi32>
    %eq3A_1261 = vector.broadcast %broadcast_in_dim3A_1251 : vector<128x1xi32> to vector<128x4096xi32>
    %eq3A_1262 = arith.cmpi eq, %eq3A_1260, %eq3A_1261 : vector<128x4096xi32>
    %jit3A_1263 = arith.constant 3.000000e+38 : f32
    %broadcast_in_dim3A_1264 = vector.broadcast %jit3A_1263 : f32 to vector<128x4096xf32>
    %select_n3A_1265 = arith.select %eq3A_1262, %broadcast_in_dim3A_1264, %select_n3A_1238 : vector<128x4096xi1>, vector<128x4096xf32>
    %reduce_min3A_1266 = arith.constant dense<0x7F800000> : vector<128xf32>
    %reduce_min3A_1267 = vector.multi_reduction <minimumf>, %select_n3A_1265, %reduce_min3A_1266 [1] : vector<128x4096xf32> to vector<128xf32>
    %broadcast_in_dim3A_1268 = vector.shape_cast %reduce_min3A_1267 : vector<128xf32> to vector<128x1xf32>
    %eq3A_1269 = vector.broadcast %broadcast_in_dim3A_1268 : vector<128x1xf32> to vector<128x4096xf32>
    %eq3A_1270 = arith.cmpf oeq, %select_n3A_1265, %eq3A_1269 : vector<128x4096xf32>
    %jit3A_1271 = arith.constant 4096 : i32
    %broadcast_in_dim3A_1272 = vector.shape_cast %iota3A : vector<1x4096xi32> to vector<1x4096xi32>
    %broadcast_in_dim3A_1273 = vector.broadcast %broadcast_in_dim3A_1272 : vector<1x4096xi32> to vector<128x4096xi32>
    %broadcast_in_dim3A_1274 = vector.broadcast %jit3A_1271 : i32 to vector<128x4096xi32>
    %select_n3A_1275 = arith.select %eq3A_1270, %broadcast_in_dim3A_1273, %broadcast_in_dim3A_1274 : vector<128x4096xi1>, vector<128x4096xi32>
    %reduce_min3A_1276 = arith.constant dense<2147483647> : vector<128xi32>
    %reduce_min3A_1277 = vector.multi_reduction <minsi>, %select_n3A_1275, %reduce_min3A_1276 [1] : vector<128x4096xi32> to vector<128xi32>
    %broadcast_in_dim3A_1278 = vector.shape_cast %reduce_min3A_1277 : vector<128xi32> to vector<128x1xi32>
    %add3A_1279 = vector.broadcast %mul3A_56 : i32 to vector<128x1xi32>
    %add3A_1280 = arith.addi %broadcast_in_dim3A_1278, %add3A_1279 : vector<128x1xi32>
    %swap3A_1281 = arith.constant 0 : index
    %swap3A_1282 = arith.constant 0 : index
    %swap3A_1283 = arith.constant 45 : index
    %swap3A_1284 = vector.load %arg4[%swap3A_1281, %swap3A_1282, %swap3A_1283] : memref<1x128x64xi32, #tpu.memory_space<vmem>>, vector<1x128x1xi32>
    %swap3A_1285 = vector.shape_cast %swap3A_1284 : vector<1x128x1xi32> to vector<128x1xi32>
    %swap3A_1286 = vector.shape_cast %add3A_1280 : vector<128x1xi32> to vector<1x128x1xi32>
    tpu.vector_store %arg4[%swap3A_1281, %swap3A_1282, %swap3A_1283], %swap3A_1286 {strides = array<i32>} : memref<1x128x64xi32, #tpu.memory_space<vmem>>, vector<1x128x1xi32>,
    %eq3A_1287 = vector.broadcast %iota3A : vector<1x4096xi32> to vector<128x4096xi32>
    %eq3A_1288 = vector.broadcast %broadcast_in_dim3A_1278 : vector<128x1xi32> to vector<128x4096xi32>
    %eq3A_1289 = arith.cmpi eq, %eq3A_1287, %eq3A_1288 : vector<128x4096xi32>
    %jit3A_1290 = arith.constant 3.000000e+38 : f32
    %broadcast_in_dim3A_1291 = vector.broadcast %jit3A_1290 : f32 to vector<128x4096xf32>
    %select_n3A_1292 = arith.select %eq3A_1289, %broadcast_in_dim3A_1291, %select_n3A_1265 : vector<128x4096xi1>, vector<128x4096xf32>
    %reduce_min3A_1293 = arith.constant dense<0x7F800000> : vector<128xf32>
    %reduce_min3A_1294 = vector.multi_reduction <minimumf>, %select_n3A_1292, %reduce_min3A_1293 [1] : vector<128x4096xf32> to vector<128xf32>
    %broadcast_in_dim3A_1295 = vector.shape_cast %reduce_min3A_1294 : vector<128xf32> to vector<128x1xf32>
    %eq3A_1296 = vector.broadcast %broadcast_in_dim3A_1295 : vector<128x1xf32> to vector<128x4096xf32>
    %eq3A_1297 = arith.cmpf oeq, %select_n3A_1292, %eq3A_1296 : vector<128x4096xf32>
    %jit3A_1298 = arith.constant 4096 : i32
    %broadcast_in_dim3A_1299 = vector.shape_cast %iota3A : vector<1x4096xi32> to vector<1x4096xi32>
    %broadcast_in_dim3A_1300 = vector.broadcast %broadcast_in_dim3A_1299 : vector<1x4096xi32> to vector<128x4096xi32>
    %broadcast_in_dim3A_1301 = vector.broadcast %jit3A_1298 : i32 to vector<128x4096xi32>
    %select_n3A_1302 = arith.select %eq3A_1297, %broadcast_in_dim3A_1300, %broadcast_in_dim3A_1301 : vector<128x4096xi1>, vector<128x4096xi32>
    %reduce_min3A_1303 = arith.constant dense<2147483647> : vector<128xi32>
    %reduce_min3A_1304 = vector.multi_reduction <minsi>, %select_n3A_1302, %reduce_min3A_1303 [1] : vector<128x4096xi32> to vector<128xi32>
    %broadcast_in_dim3A_1305 = vector.shape_cast %reduce_min3A_1304 : vector<128xi32> to vector<128x1xi32>
    %add3A_1306 = vector.broadcast %mul3A_56 : i32 to vector<128x1xi32>
    %add3A_1307 = arith.addi %broadcast_in_dim3A_1305, %add3A_1306 : vector<128x1xi32>
    %swap3A_1308 = arith.constant 0 : index
    %swap3A_1309 = arith.constant 0 : index
    %swap3A_1310 = arith.constant 46 : index
    %swap3A_1311 = vector.load %arg4[%swap3A_1308, %swap3A_1309, %swap3A_1310] : memref<1x128x64xi32, #tpu.memory_space<vmem>>, vector<1x128x1xi32>
    %swap3A_1312 = vector.shape_cast %swap3A_1311 : vector<1x128x1xi32> to vector<128x1xi32>
    %swap3A_1313 = vector.shape_cast %add3A_1307 : vector<128x1xi32> to vector<1x128x1xi32>
    tpu.vector_store %arg4[%swap3A_1308, %swap3A_1309, %swap3A_1310], %swap3A_1313 {strides = array<i32>} : memref<1x128x64xi32, #tpu.memory_space<vmem>>, vector<1x128x1xi32>,
    %eq3A_1314 = vector.broadcast %iota3A : vector<1x4096xi32> to vector<128x4096xi32>
    %eq3A_1315 = vector.broadcast %broadcast_in_dim3A_1305 : vector<128x1xi32> to vector<128x4096xi32>
    %eq3A_1316 = arith.cmpi eq, %eq3A_1314, %eq3A_1315 : vector<128x4096xi32>
    %jit3A_1317 = arith.constant 3.000000e+38 : f32
    %broadcast_in_dim3A_1318 = vector.broadcast %jit3A_1317 : f32 to vector<128x4096xf32>
    %select_n3A_1319 = arith.select %eq3A_1316, %broadcast_in_dim3A_1318, %select_n3A_1292 : vector<128x4096xi1>, vector<128x4096xf32>
    %reduce_min3A_1320 = arith.constant dense<0x7F800000> : vector<128xf32>
    %reduce_min3A_1321 = vector.multi_reduction <minimumf>, %select_n3A_1319, %reduce_min3A_1320 [1] : vector<128x4096xf32> to vector<128xf32>
    %broadcast_in_dim3A_1322 = vector.shape_cast %reduce_min3A_1321 : vector<128xf32> to vector<128x1xf32>
    %eq3A_1323 = vector.broadcast %broadcast_in_dim3A_1322 : vector<128x1xf32> to vector<128x4096xf32>
    %eq3A_1324 = arith.cmpf oeq, %select_n3A_1319, %eq3A_1323 : vector<128x4096xf32>
    %jit3A_1325 = arith.constant 4096 : i32
    %broadcast_in_dim3A_1326 = vector.shape_cast %iota3A : vector<1x4096xi32> to vector<1x4096xi32>
    %broadcast_in_dim3A_1327 = vector.broadcast %broadcast_in_dim3A_1326 : vector<1x4096xi32> to vector<128x4096xi32>
    %broadcast_in_dim3A_1328 = vector.broadcast %jit3A_1325 : i32 to vector<128x4096xi32>
    %select_n3A_1329 = arith.select %eq3A_1324, %broadcast_in_dim3A_1327, %broadcast_in_dim3A_1328 : vector<128x4096xi1>, vector<128x4096xi32>
    %reduce_min3A_1330 = arith.constant dense<2147483647> : vector<128xi32>
    %reduce_min3A_1331 = vector.multi_reduction <minsi>, %select_n3A_1329, %reduce_min3A_1330 [1] : vector<128x4096xi32> to vector<128xi32>
    %broadcast_in_dim3A_1332 = vector.shape_cast %reduce_min3A_1331 : vector<128xi32> to vector<128x1xi32>
    %add3A_1333 = vector.broadcast %mul3A_56 : i32 to vector<128x1xi32>
    %add3A_1334 = arith.addi %broadcast_in_dim3A_1332, %add3A_1333 : vector<128x1xi32>
    %swap3A_1335 = arith.constant 0 : index
    %swap3A_1336 = arith.constant 0 : index
    %swap3A_1337 = arith.constant 47 : index
    %swap3A_1338 = vector.load %arg4[%swap3A_1335, %swap3A_1336, %swap3A_1337] : memref<1x128x64xi32, #tpu.memory_space<vmem>>, vector<1x128x1xi32>
    %swap3A_1339 = vector.shape_cast %swap3A_1338 : vector<1x128x1xi32> to vector<128x1xi32>
    %swap3A_1340 = vector.shape_cast %add3A_1334 : vector<128x1xi32> to vector<1x128x1xi32>
    tpu.vector_store %arg4[%swap3A_1335, %swap3A_1336, %swap3A_1337], %swap3A_1340 {strides = array<i32>} : memref<1x128x64xi32, #tpu.memory_space<vmem>>, vector<1x128x1xi32>,
    %eq3A_1341 = vector.broadcast %iota3A : vector<1x4096xi32> to vector<128x4096xi32>
    %eq3A_1342 = vector.broadcast %broadcast_in_dim3A_1332 : vector<128x1xi32> to vector<128x4096xi32>
    %eq3A_1343 = arith.cmpi eq, %eq3A_1341, %eq3A_1342 : vector<128x4096xi32>
    %jit3A_1344 = arith.constant 3.000000e+38 : f32
    %broadcast_in_dim3A_1345 = vector.broadcast %jit3A_1344 : f32 to vector<128x4096xf32>
    %select_n3A_1346 = arith.select %eq3A_1343, %broadcast_in_dim3A_1345, %select_n3A_1319 : vector<128x4096xi1>, vector<128x4096xf32>
    %reduce_min3A_1347 = arith.constant dense<0x7F800000> : vector<128xf32>
    %reduce_min3A_1348 = vector.multi_reduction <minimumf>, %select_n3A_1346, %reduce_min3A_1347 [1] : vector<128x4096xf32> to vector<128xf32>
    %broadcast_in_dim3A_1349 = vector.shape_cast %reduce_min3A_1348 : vector<128xf32> to vector<128x1xf32>
    %eq3A_1350 = vector.broadcast %broadcast_in_dim3A_1349 : vector<128x1xf32> to vector<128x4096xf32>
    %eq3A_1351 = arith.cmpf oeq, %select_n3A_1346, %eq3A_1350 : vector<128x4096xf32>
    %jit3A_1352 = arith.constant 4096 : i32
    %broadcast_in_dim3A_1353 = vector.shape_cast %iota3A : vector<1x4096xi32> to vector<1x4096xi32>
    %broadcast_in_dim3A_1354 = vector.broadcast %broadcast_in_dim3A_1353 : vector<1x4096xi32> to vector<128x4096xi32>
    %broadcast_in_dim3A_1355 = vector.broadcast %jit3A_1352 : i32 to vector<128x4096xi32>
    %select_n3A_1356 = arith.select %eq3A_1351, %broadcast_in_dim3A_1354, %broadcast_in_dim3A_1355 : vector<128x4096xi1>, vector<128x4096xi32>
    %reduce_min3A_1357 = arith.constant dense<2147483647> : vector<128xi32>
    %reduce_min3A_1358 = vector.multi_reduction <minsi>, %select_n3A_1356, %reduce_min3A_1357 [1] : vector<128x4096xi32> to vector<128xi32>
    %broadcast_in_dim3A_1359 = vector.shape_cast %reduce_min3A_1358 : vector<128xi32> to vector<128x1xi32>
    %add3A_1360 = vector.broadcast %mul3A_56 : i32 to vector<128x1xi32>
    %add3A_1361 = arith.addi %broadcast_in_dim3A_1359, %add3A_1360 : vector<128x1xi32>
    %swap3A_1362 = arith.constant 0 : index
    %swap3A_1363 = arith.constant 0 : index
    %swap3A_1364 = arith.constant 48 : index
    %swap3A_1365 = vector.load %arg4[%swap3A_1362, %swap3A_1363, %swap3A_1364] : memref<1x128x64xi32, #tpu.memory_space<vmem>>, vector<1x128x1xi32>
    %swap3A_1366 = vector.shape_cast %swap3A_1365 : vector<1x128x1xi32> to vector<128x1xi32>
    %swap3A_1367 = vector.shape_cast %add3A_1361 : vector<128x1xi32> to vector<1x128x1xi32>
    tpu.vector_store %arg4[%swap3A_1362, %swap3A_1363, %swap3A_1364], %swap3A_1367 {strides = array<i32>} : memref<1x128x64xi32, #tpu.memory_space<vmem>>, vector<1x128x1xi32>,
    %eq3A_1368 = vector.broadcast %iota3A : vector<1x4096xi32> to vector<128x4096xi32>
    %eq3A_1369 = vector.broadcast %broadcast_in_dim3A_1359 : vector<128x1xi32> to vector<128x4096xi32>
    %eq3A_1370 = arith.cmpi eq, %eq3A_1368, %eq3A_1369 : vector<128x4096xi32>
    %jit3A_1371 = arith.constant 3.000000e+38 : f32
    %broadcast_in_dim3A_1372 = vector.broadcast %jit3A_1371 : f32 to vector<128x4096xf32>
    %select_n3A_1373 = arith.select %eq3A_1370, %broadcast_in_dim3A_1372, %select_n3A_1346 : vector<128x4096xi1>, vector<128x4096xf32>
    %reduce_min3A_1374 = arith.constant dense<0x7F800000> : vector<128xf32>
    %reduce_min3A_1375 = vector.multi_reduction <minimumf>, %select_n3A_1373, %reduce_min3A_1374 [1] : vector<128x4096xf32> to vector<128xf32>
    %broadcast_in_dim3A_1376 = vector.shape_cast %reduce_min3A_1375 : vector<128xf32> to vector<128x1xf32>
    %eq3A_1377 = vector.broadcast %broadcast_in_dim3A_1376 : vector<128x1xf32> to vector<128x4096xf32>
    %eq3A_1378 = arith.cmpf oeq, %select_n3A_1373, %eq3A_1377 : vector<128x4096xf32>
    %jit3A_1379 = arith.constant 4096 : i32
    %broadcast_in_dim3A_1380 = vector.shape_cast %iota3A : vector<1x4096xi32> to vector<1x4096xi32>
    %broadcast_in_dim3A_1381 = vector.broadcast %broadcast_in_dim3A_1380 : vector<1x4096xi32> to vector<128x4096xi32>
    %broadcast_in_dim3A_1382 = vector.broadcast %jit3A_1379 : i32 to vector<128x4096xi32>
    %select_n3A_1383 = arith.select %eq3A_1378, %broadcast_in_dim3A_1381, %broadcast_in_dim3A_1382 : vector<128x4096xi1>, vector<128x4096xi32>
    %reduce_min3A_1384 = arith.constant dense<2147483647> : vector<128xi32>
    %reduce_min3A_1385 = vector.multi_reduction <minsi>, %select_n3A_1383, %reduce_min3A_1384 [1] : vector<128x4096xi32> to vector<128xi32>
    %broadcast_in_dim3A_1386 = vector.shape_cast %reduce_min3A_1385 : vector<128xi32> to vector<128x1xi32>
    %add3A_1387 = vector.broadcast %mul3A_56 : i32 to vector<128x1xi32>
    %add3A_1388 = arith.addi %broadcast_in_dim3A_1386, %add3A_1387 : vector<128x1xi32>
    %swap3A_1389 = arith.constant 0 : index
    %swap3A_1390 = arith.constant 0 : index
    %swap3A_1391 = arith.constant 49 : index
    %swap3A_1392 = vector.load %arg4[%swap3A_1389, %swap3A_1390, %swap3A_1391] : memref<1x128x64xi32, #tpu.memory_space<vmem>>, vector<1x128x1xi32>
    %swap3A_1393 = vector.shape_cast %swap3A_1392 : vector<1x128x1xi32> to vector<128x1xi32>
    %swap3A_1394 = vector.shape_cast %add3A_1388 : vector<128x1xi32> to vector<1x128x1xi32>
    tpu.vector_store %arg4[%swap3A_1389, %swap3A_1390, %swap3A_1391], %swap3A_1394 {strides = array<i32>} : memref<1x128x64xi32, #tpu.memory_space<vmem>>, vector<1x128x1xi32>,
    %eq3A_1395 = vector.broadcast %iota3A : vector<1x4096xi32> to vector<128x4096xi32>
    %eq3A_1396 = vector.broadcast %broadcast_in_dim3A_1386 : vector<128x1xi32> to vector<128x4096xi32>
    %eq3A_1397 = arith.cmpi eq, %eq3A_1395, %eq3A_1396 : vector<128x4096xi32>
    %jit3A_1398 = arith.constant 3.000000e+38 : f32
    %broadcast_in_dim3A_1399 = vector.broadcast %jit3A_1398 : f32 to vector<128x4096xf32>
    %select_n3A_1400 = arith.select %eq3A_1397, %broadcast_in_dim3A_1399, %select_n3A_1373 : vector<128x4096xi1>, vector<128x4096xf32>
    %reduce_min3A_1401 = arith.constant dense<0x7F800000> : vector<128xf32>
    %reduce_min3A_1402 = vector.multi_reduction <minimumf>, %select_n3A_1400, %reduce_min3A_1401 [1] : vector<128x4096xf32> to vector<128xf32>
    %broadcast_in_dim3A_1403 = vector.shape_cast %reduce_min3A_1402 : vector<128xf32> to vector<128x1xf32>
    %eq3A_1404 = vector.broadcast %broadcast_in_dim3A_1403 : vector<128x1xf32> to vector<128x4096xf32>
    %eq3A_1405 = arith.cmpf oeq, %select_n3A_1400, %eq3A_1404 : vector<128x4096xf32>
    %jit3A_1406 = arith.constant 4096 : i32
    %broadcast_in_dim3A_1407 = vector.shape_cast %iota3A : vector<1x4096xi32> to vector<1x4096xi32>
    %broadcast_in_dim3A_1408 = vector.broadcast %broadcast_in_dim3A_1407 : vector<1x4096xi32> to vector<128x4096xi32>
    %broadcast_in_dim3A_1409 = vector.broadcast %jit3A_1406 : i32 to vector<128x4096xi32>
    %select_n3A_1410 = arith.select %eq3A_1405, %broadcast_in_dim3A_1408, %broadcast_in_dim3A_1409 : vector<128x4096xi1>, vector<128x4096xi32>
    %reduce_min3A_1411 = arith.constant dense<2147483647> : vector<128xi32>
    %reduce_min3A_1412 = vector.multi_reduction <minsi>, %select_n3A_1410, %reduce_min3A_1411 [1] : vector<128x4096xi32> to vector<128xi32>
    %broadcast_in_dim3A_1413 = vector.shape_cast %reduce_min3A_1412 : vector<128xi32> to vector<128x1xi32>
    %add3A_1414 = vector.broadcast %mul3A_56 : i32 to vector<128x1xi32>
    %add3A_1415 = arith.addi %broadcast_in_dim3A_1413, %add3A_1414 : vector<128x1xi32>
    %swap3A_1416 = arith.constant 0 : index
    %swap3A_1417 = arith.constant 0 : index
    %swap3A_1418 = arith.constant 50 : index
    %swap3A_1419 = vector.load %arg4[%swap3A_1416, %swap3A_1417, %swap3A_1418] : memref<1x128x64xi32, #tpu.memory_space<vmem>>, vector<1x128x1xi32>
    %swap3A_1420 = vector.shape_cast %swap3A_1419 : vector<1x128x1xi32> to vector<128x1xi32>
    %swap3A_1421 = vector.shape_cast %add3A_1415 : vector<128x1xi32> to vector<1x128x1xi32>
    tpu.vector_store %arg4[%swap3A_1416, %swap3A_1417, %swap3A_1418], %swap3A_1421 {strides = array<i32>} : memref<1x128x64xi32, #tpu.memory_space<vmem>>, vector<1x128x1xi32>,
    %eq3A_1422 = vector.broadcast %iota3A : vector<1x4096xi32> to vector<128x4096xi32>
    %eq3A_1423 = vector.broadcast %broadcast_in_dim3A_1413 : vector<128x1xi32> to vector<128x4096xi32>
    %eq3A_1424 = arith.cmpi eq, %eq3A_1422, %eq3A_1423 : vector<128x4096xi32>
    %jit3A_1425 = arith.constant 3.000000e+38 : f32
    %broadcast_in_dim3A_1426 = vector.broadcast %jit3A_1425 : f32 to vector<128x4096xf32>
    %select_n3A_1427 = arith.select %eq3A_1424, %broadcast_in_dim3A_1426, %select_n3A_1400 : vector<128x4096xi1>, vector<128x4096xf32>
    %reduce_min3A_1428 = arith.constant dense<0x7F800000> : vector<128xf32>
    %reduce_min3A_1429 = vector.multi_reduction <minimumf>, %select_n3A_1427, %reduce_min3A_1428 [1] : vector<128x4096xf32> to vector<128xf32>
    %broadcast_in_dim3A_1430 = vector.shape_cast %reduce_min3A_1429 : vector<128xf32> to vector<128x1xf32>
    %eq3A_1431 = vector.broadcast %broadcast_in_dim3A_1430 : vector<128x1xf32> to vector<128x4096xf32>
    %eq3A_1432 = arith.cmpf oeq, %select_n3A_1427, %eq3A_1431 : vector<128x4096xf32>
    %jit3A_1433 = arith.constant 4096 : i32
    %broadcast_in_dim3A_1434 = vector.shape_cast %iota3A : vector<1x4096xi32> to vector<1x4096xi32>
    %broadcast_in_dim3A_1435 = vector.broadcast %broadcast_in_dim3A_1434 : vector<1x4096xi32> to vector<128x4096xi32>
    %broadcast_in_dim3A_1436 = vector.broadcast %jit3A_1433 : i32 to vector<128x4096xi32>
    %select_n3A_1437 = arith.select %eq3A_1432, %broadcast_in_dim3A_1435, %broadcast_in_dim3A_1436 : vector<128x4096xi1>, vector<128x4096xi32>
    %reduce_min3A_1438 = arith.constant dense<2147483647> : vector<128xi32>
    %reduce_min3A_1439 = vector.multi_reduction <minsi>, %select_n3A_1437, %reduce_min3A_1438 [1] : vector<128x4096xi32> to vector<128xi32>
    %broadcast_in_dim3A_1440 = vector.shape_cast %reduce_min3A_1439 : vector<128xi32> to vector<128x1xi32>
    %add3A_1441 = vector.broadcast %mul3A_56 : i32 to vector<128x1xi32>
    %add3A_1442 = arith.addi %broadcast_in_dim3A_1440, %add3A_1441 : vector<128x1xi32>
    %swap3A_1443 = arith.constant 0 : index
    %swap3A_1444 = arith.constant 0 : index
    %swap3A_1445 = arith.constant 51 : index
    %swap3A_1446 = vector.load %arg4[%swap3A_1443, %swap3A_1444, %swap3A_1445] : memref<1x128x64xi32, #tpu.memory_space<vmem>>, vector<1x128x1xi32>
    %swap3A_1447 = vector.shape_cast %swap3A_1446 : vector<1x128x1xi32> to vector<128x1xi32>
    %swap3A_1448 = vector.shape_cast %add3A_1442 : vector<128x1xi32> to vector<1x128x1xi32>
    tpu.vector_store %arg4[%swap3A_1443, %swap3A_1444, %swap3A_1445], %swap3A_1448 {strides = array<i32>} : memref<1x128x64xi32, #tpu.memory_space<vmem>>, vector<1x128x1xi32>,
    %eq3A_1449 = vector.broadcast %iota3A : vector<1x4096xi32> to vector<128x4096xi32>
    %eq3A_1450 = vector.broadcast %broadcast_in_dim3A_1440 : vector<128x1xi32> to vector<128x4096xi32>
    %eq3A_1451 = arith.cmpi eq, %eq3A_1449, %eq3A_1450 : vector<128x4096xi32>
    %jit3A_1452 = arith.constant 3.000000e+38 : f32
    %broadcast_in_dim3A_1453 = vector.broadcast %jit3A_1452 : f32 to vector<128x4096xf32>
    %select_n3A_1454 = arith.select %eq3A_1451, %broadcast_in_dim3A_1453, %select_n3A_1427 : vector<128x4096xi1>, vector<128x4096xf32>
    %reduce_min3A_1455 = arith.constant dense<0x7F800000> : vector<128xf32>
    %reduce_min3A_1456 = vector.multi_reduction <minimumf>, %select_n3A_1454, %reduce_min3A_1455 [1] : vector<128x4096xf32> to vector<128xf32>
    %broadcast_in_dim3A_1457 = vector.shape_cast %reduce_min3A_1456 : vector<128xf32> to vector<128x1xf32>
    %eq3A_1458 = vector.broadcast %broadcast_in_dim3A_1457 : vector<128x1xf32> to vector<128x4096xf32>
    %eq3A_1459 = arith.cmpf oeq, %select_n3A_1454, %eq3A_1458 : vector<128x4096xf32>
    %jit3A_1460 = arith.constant 4096 : i32
    %broadcast_in_dim3A_1461 = vector.shape_cast %iota3A : vector<1x4096xi32> to vector<1x4096xi32>
    %broadcast_in_dim3A_1462 = vector.broadcast %broadcast_in_dim3A_1461 : vector<1x4096xi32> to vector<128x4096xi32>
    %broadcast_in_dim3A_1463 = vector.broadcast %jit3A_1460 : i32 to vector<128x4096xi32>
    %select_n3A_1464 = arith.select %eq3A_1459, %broadcast_in_dim3A_1462, %broadcast_in_dim3A_1463 : vector<128x4096xi1>, vector<128x4096xi32>
    %reduce_min3A_1465 = arith.constant dense<2147483647> : vector<128xi32>
    %reduce_min3A_1466 = vector.multi_reduction <minsi>, %select_n3A_1464, %reduce_min3A_1465 [1] : vector<128x4096xi32> to vector<128xi32>
    %broadcast_in_dim3A_1467 = vector.shape_cast %reduce_min3A_1466 : vector<128xi32> to vector<128x1xi32>
    %add3A_1468 = vector.broadcast %mul3A_56 : i32 to vector<128x1xi32>
    %add3A_1469 = arith.addi %broadcast_in_dim3A_1467, %add3A_1468 : vector<128x1xi32>
    %swap3A_1470 = arith.constant 0 : index
    %swap3A_1471 = arith.constant 0 : index
    %swap3A_1472 = arith.constant 52 : index
    %swap3A_1473 = vector.load %arg4[%swap3A_1470, %swap3A_1471, %swap3A_1472] : memref<1x128x64xi32, #tpu.memory_space<vmem>>, vector<1x128x1xi32>
    %swap3A_1474 = vector.shape_cast %swap3A_1473 : vector<1x128x1xi32> to vector<128x1xi32>
    %swap3A_1475 = vector.shape_cast %add3A_1469 : vector<128x1xi32> to vector<1x128x1xi32>
    tpu.vector_store %arg4[%swap3A_1470, %swap3A_1471, %swap3A_1472], %swap3A_1475 {strides = array<i32>} : memref<1x128x64xi32, #tpu.memory_space<vmem>>, vector<1x128x1xi32>,
    %eq3A_1476 = vector.broadcast %iota3A : vector<1x4096xi32> to vector<128x4096xi32>
    %eq3A_1477 = vector.broadcast %broadcast_in_dim3A_1467 : vector<128x1xi32> to vector<128x4096xi32>
    %eq3A_1478 = arith.cmpi eq, %eq3A_1476, %eq3A_1477 : vector<128x4096xi32>
    %jit3A_1479 = arith.constant 3.000000e+38 : f32
    %broadcast_in_dim3A_1480 = vector.broadcast %jit3A_1479 : f32 to vector<128x4096xf32>
    %select_n3A_1481 = arith.select %eq3A_1478, %broadcast_in_dim3A_1480, %select_n3A_1454 : vector<128x4096xi1>, vector<128x4096xf32>
    %reduce_min3A_1482 = arith.constant dense<0x7F800000> : vector<128xf32>
    %reduce_min3A_1483 = vector.multi_reduction <minimumf>, %select_n3A_1481, %reduce_min3A_1482 [1] : vector<128x4096xf32> to vector<128xf32>
    %broadcast_in_dim3A_1484 = vector.shape_cast %reduce_min3A_1483 : vector<128xf32> to vector<128x1xf32>
    %eq3A_1485 = vector.broadcast %broadcast_in_dim3A_1484 : vector<128x1xf32> to vector<128x4096xf32>
    %eq3A_1486 = arith.cmpf oeq, %select_n3A_1481, %eq3A_1485 : vector<128x4096xf32>
    %jit3A_1487 = arith.constant 4096 : i32
    %broadcast_in_dim3A_1488 = vector.shape_cast %iota3A : vector<1x4096xi32> to vector<1x4096xi32>
    %broadcast_in_dim3A_1489 = vector.broadcast %broadcast_in_dim3A_1488 : vector<1x4096xi32> to vector<128x4096xi32>
    %broadcast_in_dim3A_1490 = vector.broadcast %jit3A_1487 : i32 to vector<128x4096xi32>
    %select_n3A_1491 = arith.select %eq3A_1486, %broadcast_in_dim3A_1489, %broadcast_in_dim3A_1490 : vector<128x4096xi1>, vector<128x4096xi32>
    %reduce_min3A_1492 = arith.constant dense<2147483647> : vector<128xi32>
    %reduce_min3A_1493 = vector.multi_reduction <minsi>, %select_n3A_1491, %reduce_min3A_1492 [1] : vector<128x4096xi32> to vector<128xi32>
    %broadcast_in_dim3A_1494 = vector.shape_cast %reduce_min3A_1493 : vector<128xi32> to vector<128x1xi32>
    %add3A_1495 = vector.broadcast %mul3A_56 : i32 to vector<128x1xi32>
    %add3A_1496 = arith.addi %broadcast_in_dim3A_1494, %add3A_1495 : vector<128x1xi32>
    %swap3A_1497 = arith.constant 0 : index
    %swap3A_1498 = arith.constant 0 : index
    %swap3A_1499 = arith.constant 53 : index
    %swap3A_1500 = vector.load %arg4[%swap3A_1497, %swap3A_1498, %swap3A_1499] : memref<1x128x64xi32, #tpu.memory_space<vmem>>, vector<1x128x1xi32>
    %swap3A_1501 = vector.shape_cast %swap3A_1500 : vector<1x128x1xi32> to vector<128x1xi32>
    %swap3A_1502 = vector.shape_cast %add3A_1496 : vector<128x1xi32> to vector<1x128x1xi32>
    tpu.vector_store %arg4[%swap3A_1497, %swap3A_1498, %swap3A_1499], %swap3A_1502 {strides = array<i32>} : memref<1x128x64xi32, #tpu.memory_space<vmem>>, vector<1x128x1xi32>,
    %eq3A_1503 = vector.broadcast %iota3A : vector<1x4096xi32> to vector<128x4096xi32>
    %eq3A_1504 = vector.broadcast %broadcast_in_dim3A_1494 : vector<128x1xi32> to vector<128x4096xi32>
    %eq3A_1505 = arith.cmpi eq, %eq3A_1503, %eq3A_1504 : vector<128x4096xi32>
    %jit3A_1506 = arith.constant 3.000000e+38 : f32
    %broadcast_in_dim3A_1507 = vector.broadcast %jit3A_1506 : f32 to vector<128x4096xf32>
    %select_n3A_1508 = arith.select %eq3A_1505, %broadcast_in_dim3A_1507, %select_n3A_1481 : vector<128x4096xi1>, vector<128x4096xf32>
    %reduce_min3A_1509 = arith.constant dense<0x7F800000> : vector<128xf32>
    %reduce_min3A_1510 = vector.multi_reduction <minimumf>, %select_n3A_1508, %reduce_min3A_1509 [1] : vector<128x4096xf32> to vector<128xf32>
    %broadcast_in_dim3A_1511 = vector.shape_cast %reduce_min3A_1510 : vector<128xf32> to vector<128x1xf32>
    %eq3A_1512 = vector.broadcast %broadcast_in_dim3A_1511 : vector<128x1xf32> to vector<128x4096xf32>
    %eq3A_1513 = arith.cmpf oeq, %select_n3A_1508, %eq3A_1512 : vector<128x4096xf32>
    %jit3A_1514 = arith.constant 4096 : i32
    %broadcast_in_dim3A_1515 = vector.shape_cast %iota3A : vector<1x4096xi32> to vector<1x4096xi32>
    %broadcast_in_dim3A_1516 = vector.broadcast %broadcast_in_dim3A_1515 : vector<1x4096xi32> to vector<128x4096xi32>
    %broadcast_in_dim3A_1517 = vector.broadcast %jit3A_1514 : i32 to vector<128x4096xi32>
    %select_n3A_1518 = arith.select %eq3A_1513, %broadcast_in_dim3A_1516, %broadcast_in_dim3A_1517 : vector<128x4096xi1>, vector<128x4096xi32>
    %reduce_min3A_1519 = arith.constant dense<2147483647> : vector<128xi32>
    %reduce_min3A_1520 = vector.multi_reduction <minsi>, %select_n3A_1518, %reduce_min3A_1519 [1] : vector<128x4096xi32> to vector<128xi32>
    %broadcast_in_dim3A_1521 = vector.shape_cast %reduce_min3A_1520 : vector<128xi32> to vector<128x1xi32>
    %add3A_1522 = vector.broadcast %mul3A_56 : i32 to vector<128x1xi32>
    %add3A_1523 = arith.addi %broadcast_in_dim3A_1521, %add3A_1522 : vector<128x1xi32>
    %swap3A_1524 = arith.constant 0 : index
    %swap3A_1525 = arith.constant 0 : index
    %swap3A_1526 = arith.constant 54 : index
    %swap3A_1527 = vector.load %arg4[%swap3A_1524, %swap3A_1525, %swap3A_1526] : memref<1x128x64xi32, #tpu.memory_space<vmem>>, vector<1x128x1xi32>
    %swap3A_1528 = vector.shape_cast %swap3A_1527 : vector<1x128x1xi32> to vector<128x1xi32>
    %swap3A_1529 = vector.shape_cast %add3A_1523 : vector<128x1xi32> to vector<1x128x1xi32>
    tpu.vector_store %arg4[%swap3A_1524, %swap3A_1525, %swap3A_1526], %swap3A_1529 {strides = array<i32>} : memref<1x128x64xi32, #tpu.memory_space<vmem>>, vector<1x128x1xi32>,
    %eq3A_1530 = vector.broadcast %iota3A : vector<1x4096xi32> to vector<128x4096xi32>
    %eq3A_1531 = vector.broadcast %broadcast_in_dim3A_1521 : vector<128x1xi32> to vector<128x4096xi32>
    %eq3A_1532 = arith.cmpi eq, %eq3A_1530, %eq3A_1531 : vector<128x4096xi32>
    %jit3A_1533 = arith.constant 3.000000e+38 : f32
    %broadcast_in_dim3A_1534 = vector.broadcast %jit3A_1533 : f32 to vector<128x4096xf32>
    %select_n3A_1535 = arith.select %eq3A_1532, %broadcast_in_dim3A_1534, %select_n3A_1508 : vector<128x4096xi1>, vector<128x4096xf32>
    %reduce_min3A_1536 = arith.constant dense<0x7F800000> : vector<128xf32>
    %reduce_min3A_1537 = vector.multi_reduction <minimumf>, %select_n3A_1535, %reduce_min3A_1536 [1] : vector<128x4096xf32> to vector<128xf32>
    %broadcast_in_dim3A_1538 = vector.shape_cast %reduce_min3A_1537 : vector<128xf32> to vector<128x1xf32>
    %eq3A_1539 = vector.broadcast %broadcast_in_dim3A_1538 : vector<128x1xf32> to vector<128x4096xf32>
    %eq3A_1540 = arith.cmpf oeq, %select_n3A_1535, %eq3A_1539 : vector<128x4096xf32>
    %jit3A_1541 = arith.constant 4096 : i32
    %broadcast_in_dim3A_1542 = vector.shape_cast %iota3A : vector<1x4096xi32> to vector<1x4096xi32>
    %broadcast_in_dim3A_1543 = vector.broadcast %broadcast_in_dim3A_1542 : vector<1x4096xi32> to vector<128x4096xi32>
    %broadcast_in_dim3A_1544 = vector.broadcast %jit3A_1541 : i32 to vector<128x4096xi32>
    %select_n3A_1545 = arith.select %eq3A_1540, %broadcast_in_dim3A_1543, %broadcast_in_dim3A_1544 : vector<128x4096xi1>, vector<128x4096xi32>
    %reduce_min3A_1546 = arith.constant dense<2147483647> : vector<128xi32>
    %reduce_min3A_1547 = vector.multi_reduction <minsi>, %select_n3A_1545, %reduce_min3A_1546 [1] : vector<128x4096xi32> to vector<128xi32>
    %broadcast_in_dim3A_1548 = vector.shape_cast %reduce_min3A_1547 : vector<128xi32> to vector<128x1xi32>
    %add3A_1549 = vector.broadcast %mul3A_56 : i32 to vector<128x1xi32>
    %add3A_1550 = arith.addi %broadcast_in_dim3A_1548, %add3A_1549 : vector<128x1xi32>
    %swap3A_1551 = arith.constant 0 : index
    %swap3A_1552 = arith.constant 0 : index
    %swap3A_1553 = arith.constant 55 : index
    %swap3A_1554 = vector.load %arg4[%swap3A_1551, %swap3A_1552, %swap3A_1553] : memref<1x128x64xi32, #tpu.memory_space<vmem>>, vector<1x128x1xi32>
    %swap3A_1555 = vector.shape_cast %swap3A_1554 : vector<1x128x1xi32> to vector<128x1xi32>
    %swap3A_1556 = vector.shape_cast %add3A_1550 : vector<128x1xi32> to vector<1x128x1xi32>
    tpu.vector_store %arg4[%swap3A_1551, %swap3A_1552, %swap3A_1553], %swap3A_1556 {strides = array<i32>} : memref<1x128x64xi32, #tpu.memory_space<vmem>>, vector<1x128x1xi32>,
    %eq3A_1557 = vector.broadcast %iota3A : vector<1x4096xi32> to vector<128x4096xi32>
    %eq3A_1558 = vector.broadcast %broadcast_in_dim3A_1548 : vector<128x1xi32> to vector<128x4096xi32>
    %eq3A_1559 = arith.cmpi eq, %eq3A_1557, %eq3A_1558 : vector<128x4096xi32>
    %jit3A_1560 = arith.constant 3.000000e+38 : f32
    %broadcast_in_dim3A_1561 = vector.broadcast %jit3A_1560 : f32 to vector<128x4096xf32>
    %select_n3A_1562 = arith.select %eq3A_1559, %broadcast_in_dim3A_1561, %select_n3A_1535 : vector<128x4096xi1>, vector<128x4096xf32>
    %reduce_min3A_1563 = arith.constant dense<0x7F800000> : vector<128xf32>
    %reduce_min3A_1564 = vector.multi_reduction <minimumf>, %select_n3A_1562, %reduce_min3A_1563 [1] : vector<128x4096xf32> to vector<128xf32>
    %broadcast_in_dim3A_1565 = vector.shape_cast %reduce_min3A_1564 : vector<128xf32> to vector<128x1xf32>
    %eq3A_1566 = vector.broadcast %broadcast_in_dim3A_1565 : vector<128x1xf32> to vector<128x4096xf32>
    %eq3A_1567 = arith.cmpf oeq, %select_n3A_1562, %eq3A_1566 : vector<128x4096xf32>
    %jit3A_1568 = arith.constant 4096 : i32
    %broadcast_in_dim3A_1569 = vector.shape_cast %iota3A : vector<1x4096xi32> to vector<1x4096xi32>
    %broadcast_in_dim3A_1570 = vector.broadcast %broadcast_in_dim3A_1569 : vector<1x4096xi32> to vector<128x4096xi32>
    %broadcast_in_dim3A_1571 = vector.broadcast %jit3A_1568 : i32 to vector<128x4096xi32>
    %select_n3A_1572 = arith.select %eq3A_1567, %broadcast_in_dim3A_1570, %broadcast_in_dim3A_1571 : vector<128x4096xi1>, vector<128x4096xi32>
    %reduce_min3A_1573 = arith.constant dense<2147483647> : vector<128xi32>
    %reduce_min3A_1574 = vector.multi_reduction <minsi>, %select_n3A_1572, %reduce_min3A_1573 [1] : vector<128x4096xi32> to vector<128xi32>
    %broadcast_in_dim3A_1575 = vector.shape_cast %reduce_min3A_1574 : vector<128xi32> to vector<128x1xi32>
    %add3A_1576 = vector.broadcast %mul3A_56 : i32 to vector<128x1xi32>
    %add3A_1577 = arith.addi %broadcast_in_dim3A_1575, %add3A_1576 : vector<128x1xi32>
    %swap3A_1578 = arith.constant 0 : index
    %swap3A_1579 = arith.constant 0 : index
    %swap3A_1580 = arith.constant 56 : index
    %swap3A_1581 = vector.load %arg4[%swap3A_1578, %swap3A_1579, %swap3A_1580] : memref<1x128x64xi32, #tpu.memory_space<vmem>>, vector<1x128x1xi32>
    %swap3A_1582 = vector.shape_cast %swap3A_1581 : vector<1x128x1xi32> to vector<128x1xi32>
    %swap3A_1583 = vector.shape_cast %add3A_1577 : vector<128x1xi32> to vector<1x128x1xi32>
    tpu.vector_store %arg4[%swap3A_1578, %swap3A_1579, %swap3A_1580], %swap3A_1583 {strides = array<i32>} : memref<1x128x64xi32, #tpu.memory_space<vmem>>, vector<1x128x1xi32>,
    %eq3A_1584 = vector.broadcast %iota3A : vector<1x4096xi32> to vector<128x4096xi32>
    %eq3A_1585 = vector.broadcast %broadcast_in_dim3A_1575 : vector<128x1xi32> to vector<128x4096xi32>
    %eq3A_1586 = arith.cmpi eq, %eq3A_1584, %eq3A_1585 : vector<128x4096xi32>
    %jit3A_1587 = arith.constant 3.000000e+38 : f32
    %broadcast_in_dim3A_1588 = vector.broadcast %jit3A_1587 : f32 to vector<128x4096xf32>
    %select_n3A_1589 = arith.select %eq3A_1586, %broadcast_in_dim3A_1588, %select_n3A_1562 : vector<128x4096xi1>, vector<128x4096xf32>
    %reduce_min3A_1590 = arith.constant dense<0x7F800000> : vector<128xf32>
    %reduce_min3A_1591 = vector.multi_reduction <minimumf>, %select_n3A_1589, %reduce_min3A_1590 [1] : vector<128x4096xf32> to vector<128xf32>
    %broadcast_in_dim3A_1592 = vector.shape_cast %reduce_min3A_1591 : vector<128xf32> to vector<128x1xf32>
    %eq3A_1593 = vector.broadcast %broadcast_in_dim3A_1592 : vector<128x1xf32> to vector<128x4096xf32>
    %eq3A_1594 = arith.cmpf oeq, %select_n3A_1589, %eq3A_1593 : vector<128x4096xf32>
    %jit3A_1595 = arith.constant 4096 : i32
    %broadcast_in_dim3A_1596 = vector.shape_cast %iota3A : vector<1x4096xi32> to vector<1x4096xi32>
    %broadcast_in_dim3A_1597 = vector.broadcast %broadcast_in_dim3A_1596 : vector<1x4096xi32> to vector<128x4096xi32>
    %broadcast_in_dim3A_1598 = vector.broadcast %jit3A_1595 : i32 to vector<128x4096xi32>
    %select_n3A_1599 = arith.select %eq3A_1594, %broadcast_in_dim3A_1597, %broadcast_in_dim3A_1598 : vector<128x4096xi1>, vector<128x4096xi32>
    %reduce_min3A_1600 = arith.constant dense<2147483647> : vector<128xi32>
    %reduce_min3A_1601 = vector.multi_reduction <minsi>, %select_n3A_1599, %reduce_min3A_1600 [1] : vector<128x4096xi32> to vector<128xi32>
    %broadcast_in_dim3A_1602 = vector.shape_cast %reduce_min3A_1601 : vector<128xi32> to vector<128x1xi32>
    %add3A_1603 = vector.broadcast %mul3A_56 : i32 to vector<128x1xi32>
    %add3A_1604 = arith.addi %broadcast_in_dim3A_1602, %add3A_1603 : vector<128x1xi32>
    %swap3A_1605 = arith.constant 0 : index
    %swap3A_1606 = arith.constant 0 : index
    %swap3A_1607 = arith.constant 57 : index
    %swap3A_1608 = vector.load %arg4[%swap3A_1605, %swap3A_1606, %swap3A_1607] : memref<1x128x64xi32, #tpu.memory_space<vmem>>, vector<1x128x1xi32>
    %swap3A_1609 = vector.shape_cast %swap3A_1608 : vector<1x128x1xi32> to vector<128x1xi32>
    %swap3A_1610 = vector.shape_cast %add3A_1604 : vector<128x1xi32> to vector<1x128x1xi32>
    tpu.vector_store %arg4[%swap3A_1605, %swap3A_1606, %swap3A_1607], %swap3A_1610 {strides = array<i32>} : memref<1x128x64xi32, #tpu.memory_space<vmem>>, vector<1x128x1xi32>,
    %eq3A_1611 = vector.broadcast %iota3A : vector<1x4096xi32> to vector<128x4096xi32>
    %eq3A_1612 = vector.broadcast %broadcast_in_dim3A_1602 : vector<128x1xi32> to vector<128x4096xi32>
    %eq3A_1613 = arith.cmpi eq, %eq3A_1611, %eq3A_1612 : vector<128x4096xi32>
    %jit3A_1614 = arith.constant 3.000000e+38 : f32
    %broadcast_in_dim3A_1615 = vector.broadcast %jit3A_1614 : f32 to vector<128x4096xf32>
    %select_n3A_1616 = arith.select %eq3A_1613, %broadcast_in_dim3A_1615, %select_n3A_1589 : vector<128x4096xi1>, vector<128x4096xf32>
    %reduce_min3A_1617 = arith.constant dense<0x7F800000> : vector<128xf32>
    %reduce_min3A_1618 = vector.multi_reduction <minimumf>, %select_n3A_1616, %reduce_min3A_1617 [1] : vector<128x4096xf32> to vector<128xf32>
    %broadcast_in_dim3A_1619 = vector.shape_cast %reduce_min3A_1618 : vector<128xf32> to vector<128x1xf32>
    %eq3A_1620 = vector.broadcast %broadcast_in_dim3A_1619 : vector<128x1xf32> to vector<128x4096xf32>
    %eq3A_1621 = arith.cmpf oeq, %select_n3A_1616, %eq3A_1620 : vector<128x4096xf32>
    %jit3A_1622 = arith.constant 4096 : i32
    %broadcast_in_dim3A_1623 = vector.shape_cast %iota3A : vector<1x4096xi32> to vector<1x4096xi32>
    %broadcast_in_dim3A_1624 = vector.broadcast %broadcast_in_dim3A_1623 : vector<1x4096xi32> to vector<128x4096xi32>
    %broadcast_in_dim3A_1625 = vector.broadcast %jit3A_1622 : i32 to vector<128x4096xi32>
    %select_n3A_1626 = arith.select %eq3A_1621, %broadcast_in_dim3A_1624, %broadcast_in_dim3A_1625 : vector<128x4096xi1>, vector<128x4096xi32>
    %reduce_min3A_1627 = arith.constant dense<2147483647> : vector<128xi32>
    %reduce_min3A_1628 = vector.multi_reduction <minsi>, %select_n3A_1626, %reduce_min3A_1627 [1] : vector<128x4096xi32> to vector<128xi32>
    %broadcast_in_dim3A_1629 = vector.shape_cast %reduce_min3A_1628 : vector<128xi32> to vector<128x1xi32>
    %add3A_1630 = vector.broadcast %mul3A_56 : i32 to vector<128x1xi32>
    %add3A_1631 = arith.addi %broadcast_in_dim3A_1629, %add3A_1630 : vector<128x1xi32>
    %swap3A_1632 = arith.constant 0 : index
    %swap3A_1633 = arith.constant 0 : index
    %swap3A_1634 = arith.constant 58 : index
    %swap3A_1635 = vector.load %arg4[%swap3A_1632, %swap3A_1633, %swap3A_1634] : memref<1x128x64xi32, #tpu.memory_space<vmem>>, vector<1x128x1xi32>
    %swap3A_1636 = vector.shape_cast %swap3A_1635 : vector<1x128x1xi32> to vector<128x1xi32>
    %swap3A_1637 = vector.shape_cast %add3A_1631 : vector<128x1xi32> to vector<1x128x1xi32>
    tpu.vector_store %arg4[%swap3A_1632, %swap3A_1633, %swap3A_1634], %swap3A_1637 {strides = array<i32>} : memref<1x128x64xi32, #tpu.memory_space<vmem>>, vector<1x128x1xi32>,
    %eq3A_1638 = vector.broadcast %iota3A : vector<1x4096xi32> to vector<128x4096xi32>
    %eq3A_1639 = vector.broadcast %broadcast_in_dim3A_1629 : vector<128x1xi32> to vector<128x4096xi32>
    %eq3A_1640 = arith.cmpi eq, %eq3A_1638, %eq3A_1639 : vector<128x4096xi32>
    %jit3A_1641 = arith.constant 3.000000e+38 : f32
    %broadcast_in_dim3A_1642 = vector.broadcast %jit3A_1641 : f32 to vector<128x4096xf32>
    %select_n3A_1643 = arith.select %eq3A_1640, %broadcast_in_dim3A_1642, %select_n3A_1616 : vector<128x4096xi1>, vector<128x4096xf32>
    %reduce_min3A_1644 = arith.constant dense<0x7F800000> : vector<128xf32>
    %reduce_min3A_1645 = vector.multi_reduction <minimumf>, %select_n3A_1643, %reduce_min3A_1644 [1] : vector<128x4096xf32> to vector<128xf32>
    %broadcast_in_dim3A_1646 = vector.shape_cast %reduce_min3A_1645 : vector<128xf32> to vector<128x1xf32>
    %eq3A_1647 = vector.broadcast %broadcast_in_dim3A_1646 : vector<128x1xf32> to vector<128x4096xf32>
    %eq3A_1648 = arith.cmpf oeq, %select_n3A_1643, %eq3A_1647 : vector<128x4096xf32>
    %jit3A_1649 = arith.constant 4096 : i32
    %broadcast_in_dim3A_1650 = vector.shape_cast %iota3A : vector<1x4096xi32> to vector<1x4096xi32>
    %broadcast_in_dim3A_1651 = vector.broadcast %broadcast_in_dim3A_1650 : vector<1x4096xi32> to vector<128x4096xi32>
    %broadcast_in_dim3A_1652 = vector.broadcast %jit3A_1649 : i32 to vector<128x4096xi32>
    %select_n3A_1653 = arith.select %eq3A_1648, %broadcast_in_dim3A_1651, %broadcast_in_dim3A_1652 : vector<128x4096xi1>, vector<128x4096xi32>
    %reduce_min3A_1654 = arith.constant dense<2147483647> : vector<128xi32>
    %reduce_min3A_1655 = vector.multi_reduction <minsi>, %select_n3A_1653, %reduce_min3A_1654 [1] : vector<128x4096xi32> to vector<128xi32>
    %broadcast_in_dim3A_1656 = vector.shape_cast %reduce_min3A_1655 : vector<128xi32> to vector<128x1xi32>
    %add3A_1657 = vector.broadcast %mul3A_56 : i32 to vector<128x1xi32>
    %add3A_1658 = arith.addi %broadcast_in_dim3A_1656, %add3A_1657 : vector<128x1xi32>
    %swap3A_1659 = arith.constant 0 : index
    %swap3A_1660 = arith.constant 0 : index
    %swap3A_1661 = arith.constant 59 : index
    %swap3A_1662 = vector.load %arg4[%swap3A_1659, %swap3A_1660, %swap3A_1661] : memref<1x128x64xi32, #tpu.memory_space<vmem>>, vector<1x128x1xi32>
    %swap3A_1663 = vector.shape_cast %swap3A_1662 : vector<1x128x1xi32> to vector<128x1xi32>
    %swap3A_1664 = vector.shape_cast %add3A_1658 : vector<128x1xi32> to vector<1x128x1xi32>
    tpu.vector_store %arg4[%swap3A_1659, %swap3A_1660, %swap3A_1661], %swap3A_1664 {strides = array<i32>} : memref<1x128x64xi32, #tpu.memory_space<vmem>>, vector<1x128x1xi32>,
    %eq3A_1665 = vector.broadcast %iota3A : vector<1x4096xi32> to vector<128x4096xi32>
    %eq3A_1666 = vector.broadcast %broadcast_in_dim3A_1656 : vector<128x1xi32> to vector<128x4096xi32>
    %eq3A_1667 = arith.cmpi eq, %eq3A_1665, %eq3A_1666 : vector<128x4096xi32>
    %jit3A_1668 = arith.constant 3.000000e+38 : f32
    %broadcast_in_dim3A_1669 = vector.broadcast %jit3A_1668 : f32 to vector<128x4096xf32>
    %select_n3A_1670 = arith.select %eq3A_1667, %broadcast_in_dim3A_1669, %select_n3A_1643 : vector<128x4096xi1>, vector<128x4096xf32>
    %reduce_min3A_1671 = arith.constant dense<0x7F800000> : vector<128xf32>
    %reduce_min3A_1672 = vector.multi_reduction <minimumf>, %select_n3A_1670, %reduce_min3A_1671 [1] : vector<128x4096xf32> to vector<128xf32>
    %broadcast_in_dim3A_1673 = vector.shape_cast %reduce_min3A_1672 : vector<128xf32> to vector<128x1xf32>
    %eq3A_1674 = vector.broadcast %broadcast_in_dim3A_1673 : vector<128x1xf32> to vector<128x4096xf32>
    %eq3A_1675 = arith.cmpf oeq, %select_n3A_1670, %eq3A_1674 : vector<128x4096xf32>
    %jit3A_1676 = arith.constant 4096 : i32
    %broadcast_in_dim3A_1677 = vector.shape_cast %iota3A : vector<1x4096xi32> to vector<1x4096xi32>
    %broadcast_in_dim3A_1678 = vector.broadcast %broadcast_in_dim3A_1677 : vector<1x4096xi32> to vector<128x4096xi32>
    %broadcast_in_dim3A_1679 = vector.broadcast %jit3A_1676 : i32 to vector<128x4096xi32>
    %select_n3A_1680 = arith.select %eq3A_1675, %broadcast_in_dim3A_1678, %broadcast_in_dim3A_1679 : vector<128x4096xi1>, vector<128x4096xi32>
    %reduce_min3A_1681 = arith.constant dense<2147483647> : vector<128xi32>
    %reduce_min3A_1682 = vector.multi_reduction <minsi>, %select_n3A_1680, %reduce_min3A_1681 [1] : vector<128x4096xi32> to vector<128xi32>
    %broadcast_in_dim3A_1683 = vector.shape_cast %reduce_min3A_1682 : vector<128xi32> to vector<128x1xi32>
    %add3A_1684 = vector.broadcast %mul3A_56 : i32 to vector<128x1xi32>
    %add3A_1685 = arith.addi %broadcast_in_dim3A_1683, %add3A_1684 : vector<128x1xi32>
    %swap3A_1686 = arith.constant 0 : index
    %swap3A_1687 = arith.constant 0 : index
    %swap3A_1688 = arith.constant 60 : index
    %swap3A_1689 = vector.load %arg4[%swap3A_1686, %swap3A_1687, %swap3A_1688] : memref<1x128x64xi32, #tpu.memory_space<vmem>>, vector<1x128x1xi32>
    %swap3A_1690 = vector.shape_cast %swap3A_1689 : vector<1x128x1xi32> to vector<128x1xi32>
    %swap3A_1691 = vector.shape_cast %add3A_1685 : vector<128x1xi32> to vector<1x128x1xi32>
    tpu.vector_store %arg4[%swap3A_1686, %swap3A_1687, %swap3A_1688], %swap3A_1691 {strides = array<i32>} : memref<1x128x64xi32, #tpu.memory_space<vmem>>, vector<1x128x1xi32>,
    %eq3A_1692 = vector.broadcast %iota3A : vector<1x4096xi32> to vector<128x4096xi32>
    %eq3A_1693 = vector.broadcast %broadcast_in_dim3A_1683 : vector<128x1xi32> to vector<128x4096xi32>
    %eq3A_1694 = arith.cmpi eq, %eq3A_1692, %eq3A_1693 : vector<128x4096xi32>
    %jit3A_1695 = arith.constant 3.000000e+38 : f32
    %broadcast_in_dim3A_1696 = vector.broadcast %jit3A_1695 : f32 to vector<128x4096xf32>
    %select_n3A_1697 = arith.select %eq3A_1694, %broadcast_in_dim3A_1696, %select_n3A_1670 : vector<128x4096xi1>, vector<128x4096xf32>
    %reduce_min3A_1698 = arith.constant dense<0x7F800000> : vector<128xf32>
    %reduce_min3A_1699 = vector.multi_reduction <minimumf>, %select_n3A_1697, %reduce_min3A_1698 [1] : vector<128x4096xf32> to vector<128xf32>
    %broadcast_in_dim3A_1700 = vector.shape_cast %reduce_min3A_1699 : vector<128xf32> to vector<128x1xf32>
    %eq3A_1701 = vector.broadcast %broadcast_in_dim3A_1700 : vector<128x1xf32> to vector<128x4096xf32>
    %eq3A_1702 = arith.cmpf oeq, %select_n3A_1697, %eq3A_1701 : vector<128x4096xf32>
    %jit3A_1703 = arith.constant 4096 : i32
    %broadcast_in_dim3A_1704 = vector.shape_cast %iota3A : vector<1x4096xi32> to vector<1x4096xi32>
    %broadcast_in_dim3A_1705 = vector.broadcast %broadcast_in_dim3A_1704 : vector<1x4096xi32> to vector<128x4096xi32>
    %broadcast_in_dim3A_1706 = vector.broadcast %jit3A_1703 : i32 to vector<128x4096xi32>
    %select_n3A_1707 = arith.select %eq3A_1702, %broadcast_in_dim3A_1705, %broadcast_in_dim3A_1706 : vector<128x4096xi1>, vector<128x4096xi32>
    %reduce_min3A_1708 = arith.constant dense<2147483647> : vector<128xi32>
    %reduce_min3A_1709 = vector.multi_reduction <minsi>, %select_n3A_1707, %reduce_min3A_1708 [1] : vector<128x4096xi32> to vector<128xi32>
    %broadcast_in_dim3A_1710 = vector.shape_cast %reduce_min3A_1709 : vector<128xi32> to vector<128x1xi32>
    %add3A_1711 = vector.broadcast %mul3A_56 : i32 to vector<128x1xi32>
    %add3A_1712 = arith.addi %broadcast_in_dim3A_1710, %add3A_1711 : vector<128x1xi32>
    %swap3A_1713 = arith.constant 0 : index
    %swap3A_1714 = arith.constant 0 : index
    %swap3A_1715 = arith.constant 61 : index
    %swap3A_1716 = vector.load %arg4[%swap3A_1713, %swap3A_1714, %swap3A_1715] : memref<1x128x64xi32, #tpu.memory_space<vmem>>, vector<1x128x1xi32>
    %swap3A_1717 = vector.shape_cast %swap3A_1716 : vector<1x128x1xi32> to vector<128x1xi32>
    %swap3A_1718 = vector.shape_cast %add3A_1712 : vector<128x1xi32> to vector<1x128x1xi32>
    tpu.vector_store %arg4[%swap3A_1713, %swap3A_1714, %swap3A_1715], %swap3A_1718 {strides = array<i32>} : memref<1x128x64xi32, #tpu.memory_space<vmem>>, vector<1x128x1xi32>,
    %eq3A_1719 = vector.broadcast %iota3A : vector<1x4096xi32> to vector<128x4096xi32>
    %eq3A_1720 = vector.broadcast %broadcast_in_dim3A_1710 : vector<128x1xi32> to vector<128x4096xi32>
    %eq3A_1721 = arith.cmpi eq, %eq3A_1719, %eq3A_1720 : vector<128x4096xi32>
    %jit3A_1722 = arith.constant 3.000000e+38 : f32
    %broadcast_in_dim3A_1723 = vector.broadcast %jit3A_1722 : f32 to vector<128x4096xf32>
    %select_n3A_1724 = arith.select %eq3A_1721, %broadcast_in_dim3A_1723, %select_n3A_1697 : vector<128x4096xi1>, vector<128x4096xf32>
    %reduce_min3A_1725 = arith.constant dense<0x7F800000> : vector<128xf32>
    %reduce_min3A_1726 = vector.multi_reduction <minimumf>, %select_n3A_1724, %reduce_min3A_1725 [1] : vector<128x4096xf32> to vector<128xf32>
    %broadcast_in_dim3A_1727 = vector.shape_cast %reduce_min3A_1726 : vector<128xf32> to vector<128x1xf32>
    %eq3A_1728 = vector.broadcast %broadcast_in_dim3A_1727 : vector<128x1xf32> to vector<128x4096xf32>
    %eq3A_1729 = arith.cmpf oeq, %select_n3A_1724, %eq3A_1728 : vector<128x4096xf32>
    %jit3A_1730 = arith.constant 4096 : i32
    %broadcast_in_dim3A_1731 = vector.shape_cast %iota3A : vector<1x4096xi32> to vector<1x4096xi32>
    %broadcast_in_dim3A_1732 = vector.broadcast %broadcast_in_dim3A_1731 : vector<1x4096xi32> to vector<128x4096xi32>
    %broadcast_in_dim3A_1733 = vector.broadcast %jit3A_1730 : i32 to vector<128x4096xi32>
    %select_n3A_1734 = arith.select %eq3A_1729, %broadcast_in_dim3A_1732, %broadcast_in_dim3A_1733 : vector<128x4096xi1>, vector<128x4096xi32>
    %reduce_min3A_1735 = arith.constant dense<2147483647> : vector<128xi32>
    %reduce_min3A_1736 = vector.multi_reduction <minsi>, %select_n3A_1734, %reduce_min3A_1735 [1] : vector<128x4096xi32> to vector<128xi32>
    %broadcast_in_dim3A_1737 = vector.shape_cast %reduce_min3A_1736 : vector<128xi32> to vector<128x1xi32>
    %add3A_1738 = vector.broadcast %mul3A_56 : i32 to vector<128x1xi32>
    %add3A_1739 = arith.addi %broadcast_in_dim3A_1737, %add3A_1738 : vector<128x1xi32>
    %swap3A_1740 = arith.constant 0 : index
    %swap3A_1741 = arith.constant 0 : index
    %swap3A_1742 = arith.constant 62 : index
    %swap3A_1743 = vector.load %arg4[%swap3A_1740, %swap3A_1741, %swap3A_1742] : memref<1x128x64xi32, #tpu.memory_space<vmem>>, vector<1x128x1xi32>
    %swap3A_1744 = vector.shape_cast %swap3A_1743 : vector<1x128x1xi32> to vector<128x1xi32>
    %swap3A_1745 = vector.shape_cast %add3A_1739 : vector<128x1xi32> to vector<1x128x1xi32>
    tpu.vector_store %arg4[%swap3A_1740, %swap3A_1741, %swap3A_1742], %swap3A_1745 {strides = array<i32>} : memref<1x128x64xi32, #tpu.memory_space<vmem>>, vector<1x128x1xi32>,
    %eq3A_1746 = vector.broadcast %iota3A : vector<1x4096xi32> to vector<128x4096xi32>
    %eq3A_1747 = vector.broadcast %broadcast_in_dim3A_1737 : vector<128x1xi32> to vector<128x4096xi32>
    %eq3A_1748 = arith.cmpi eq, %eq3A_1746, %eq3A_1747 : vector<128x4096xi32>
    %jit3A_1749 = arith.constant 3.000000e+38 : f32
    %broadcast_in_dim3A_1750 = vector.broadcast %jit3A_1749 : f32 to vector<128x4096xf32>
    %select_n3A_1751 = arith.select %eq3A_1748, %broadcast_in_dim3A_1750, %select_n3A_1724 : vector<128x4096xi1>, vector<128x4096xf32>
    %reduce_min3A_1752 = arith.constant dense<0x7F800000> : vector<128xf32>
    %reduce_min3A_1753 = vector.multi_reduction <minimumf>, %select_n3A_1751, %reduce_min3A_1752 [1] : vector<128x4096xf32> to vector<128xf32>
    %broadcast_in_dim3A_1754 = vector.shape_cast %reduce_min3A_1753 : vector<128xf32> to vector<128x1xf32>
    %eq3A_1755 = vector.broadcast %broadcast_in_dim3A_1754 : vector<128x1xf32> to vector<128x4096xf32>
    %eq3A_1756 = arith.cmpf oeq, %select_n3A_1751, %eq3A_1755 : vector<128x4096xf32>
    %jit3A_1757 = arith.constant 4096 : i32
    %broadcast_in_dim3A_1758 = vector.shape_cast %iota3A : vector<1x4096xi32> to vector<1x4096xi32>
    %broadcast_in_dim3A_1759 = vector.broadcast %broadcast_in_dim3A_1758 : vector<1x4096xi32> to vector<128x4096xi32>
    %broadcast_in_dim3A_1760 = vector.broadcast %jit3A_1757 : i32 to vector<128x4096xi32>
    %select_n3A_1761 = arith.select %eq3A_1756, %broadcast_in_dim3A_1759, %broadcast_in_dim3A_1760 : vector<128x4096xi1>, vector<128x4096xi32>
    %reduce_min3A_1762 = arith.constant dense<2147483647> : vector<128xi32>
    %reduce_min3A_1763 = vector.multi_reduction <minsi>, %select_n3A_1761, %reduce_min3A_1762 [1] : vector<128x4096xi32> to vector<128xi32>
    %broadcast_in_dim3A_1764 = vector.shape_cast %reduce_min3A_1763 : vector<128xi32> to vector<128x1xi32>
    %add3A_1765 = vector.broadcast %mul3A_56 : i32 to vector<128x1xi32>
    %add3A_1766 = arith.addi %broadcast_in_dim3A_1764, %add3A_1765 : vector<128x1xi32>
    %swap3A_1767 = arith.constant 0 : index
    %swap3A_1768 = arith.constant 0 : index
    %swap3A_1769 = arith.constant 63 : index
    %swap3A_1770 = vector.load %arg4[%swap3A_1767, %swap3A_1768, %swap3A_1769] : memref<1x128x64xi32, #tpu.memory_space<vmem>>, vector<1x128x1xi32>
    %swap3A_1771 = vector.shape_cast %swap3A_1770 : vector<1x128x1xi32> to vector<128x1xi32>
    %swap3A_1772 = vector.shape_cast %add3A_1766 : vector<128x1xi32> to vector<1x128x1xi32>
    tpu.vector_store %arg4[%swap3A_1767, %swap3A_1768, %swap3A_1769], %swap3A_1772 {strides = array<i32>} : memref<1x128x64xi32, #tpu.memory_space<vmem>>, vector<1x128x1xi32>,
    return
  }
  func.func @transform_0(%arg0: i32, %arg1: i32) -> (i32, i32, i32) {
    %c0_i32 = arith.constant 0 : i32
    %c0_i32_0 = arith.constant 0 : i32
    %c0_i32_1 = arith.constant 0 : i32
    return %arg0, %c0_i32, %c0_i32_0 : i32, i32, i32
  }
  func.func @transform_1(%arg0: i32, %arg1: i32) -> (i32, i32, i32) {
    %c0_i32 = arith.constant 0 : i32
    %c0_i32_0 = arith.constant 0 : i32
    return %arg0, %arg1, %c0_i32 : i32, i32, i32
  }
  func.func @transform_2(%arg0: i32, %arg1: i32) -> (i32, i32, i32) {
    %c0_i32 = arith.constant 0 : i32
    %c0_i32_0 = arith.constant 0 : i32
    return %arg0, %arg1, %c0_i32 : i32, i32, i32
  }
}

module attributes {stable_mosaic.version = 14 : i64} {
  func.func @_p1_body(%arg0: i32, %arg1: memref<32x64x128xf32, #tpu.memory_space<vmem>>, %arg2: memref<32x8xf32, #tpu.memory_space<vmem>>, %arg3: memref<128x64xf32, #tpu.memory_space<vmem>>, %arg4: memref<8x64xf32, #tpu.memory_space<vmem>>, %arg5: memref<1x64xf32, #tpu.memory_space<vmem>>, %arg6: memref<1x64xf32, #tpu.memory_space<vmem>>, %arg7: memref<1x64xf32, #tpu.memory_space<vmem>>) attributes {dimension_semantics = [#tpu.dimension_semantics<arbitrary>], iteration_bounds = array<i64: 512>, scalar_prefetch = 0 : i64, scratch_operands = 0 : i64, tpu.core_type = #tpu.core_type<tc>, window_params = [{transform_indices = @transform_0, window_bounds = array<i64: 32, 64, 128>}, {transform_indices = @transform_1, window_bounds = array<i64: 32, 8>}, {pipeline_mode = #tpu.pipeline_mode<synchronous>, transform_indices = @transform_2, window_bounds = array<i64: 128, 64>}, {pipeline_mode = #tpu.pipeline_mode<synchronous>, transform_indices = @transform_3, window_bounds = array<i64: 8, 64>}, {pipeline_mode = #tpu.pipeline_mode<synchronous>, transform_indices = @transform_4, window_bounds = array<i64: 1, 64>}, {pipeline_mode = #tpu.pipeline_mode<synchronous>, transform_indices = @transform_5, window_bounds = array<i64: 1, 64>}, {pipeline_mode = #tpu.pipeline_mode<synchronous>, transform_indices = @transform_6, window_bounds = array<i64: 1, 64>}]} {
    %get3A = arith.constant 0 : index
    %get3A_0 = arith.constant 0 : index
    %get3A_1 = arith.constant 0 : index
    %get3A_2 = vector.load %arg1[%get3A, %get3A_0, %get3A_1] : memref<32x64x128xf32, #tpu.memory_space<vmem>>, vector<32x64x128xf32>
    %reshape3A = vector.shape_cast %get3A_2 : vector<32x64x128xf32> to vector<2048x128xf32>
    %get3A_3 = arith.constant 0 : index
    %get3A_4 = arith.constant 0 : index
    %get3A_5 = vector.load %arg3[%get3A_3, %get3A_4] : memref<128x64xf32, #tpu.memory_space<vmem>>, vector<128x64xf32>
    %dot_general3A = arith.constant dense<0.000000e+00> : vector<2048x64xf32>
    %dot_general3A_6 = tpu.matmul %reshape3A, %get3A_5, %dot_general3A {dimension_numbers = #tpu.dot_dimension_numbers<[1], [0], [0], [1], [0, 0, 1, 1], [], []>, precision = #tpu.contract_precision<fp32>, transpose_lhs_hint = false} : vector<2048x128xf32>, vector<128x64xf32>, vector<2048x64xf32> -> vector<2048x64xf32>
    %get3A_7 = arith.constant 0 : index
    %get3A_8 = arith.constant 0 : index
    %get3A_9 = vector.load %arg2[%get3A_7, %get3A_8] : memref<32x8xf32, #tpu.memory_space<vmem>>, vector<32x8xf32>
    %get3A_10 = arith.constant 0 : index
    %get3A_11 = arith.constant 0 : index
    %get3A_12 = vector.load %arg4[%get3A_10, %get3A_11] : memref<8x64xf32, #tpu.memory_space<vmem>>, vector<8x64xf32>
    %dot_general3A_13 = arith.constant dense<0.000000e+00> : vector<32x64xf32>
    %dot_general3A_14 = tpu.matmul %get3A_9, %get3A_12, %dot_general3A_13 {dimension_numbers = #tpu.dot_dimension_numbers<[1], [0], [0], [1], [0, 0, 1, 1], [], []>, precision = #tpu.contract_precision<fp32>, transpose_lhs_hint = false} : vector<32x8xf32>, vector<8x64xf32>, vector<32x64xf32> -> vector<32x64xf32>
    %reshape3A_15 = vector.shape_cast %dot_general3A_6 : vector<2048x64xf32> to vector<32x64x64xf32>
    %get3A_16 = arith.constant 0 : index
    %get3A_17 = arith.constant 0 : index
    %get3A_18 = vector.load %arg5[%get3A_16, %get3A_17] : memref<1x64xf32, #tpu.memory_space<vmem>>, vector<1x64xf32>
    %sub3A = vector.broadcast %get3A_18 : vector<1x64xf32> to vector<32x64xf32>
    %sub3A_19 = arith.subf %sub3A, %dot_general3A_14 : vector<32x64xf32>
    %broadcast_in_dim3A = vector.shape_cast %sub3A_19 : vector<32x64xf32> to vector<32x1x64xf32>
    %add3A = vector.broadcast %broadcast_in_dim3A : vector<32x1x64xf32> to vector<32x64x64xf32>
    %add3A_20 = arith.addf %reshape3A_15, %add3A : vector<32x64x64xf32>
    %reshape3A_21 = vector.shape_cast %add3A_20 : vector<32x64x64xf32> to vector<2048x64xf32>
    %eq3A = arith.constant 0 : i32
    %eq3A_22 = arith.cmpi eq, %arg0, %eq3A : i32
    %convert_element_type3A = arith.extui %eq3A_22 : i1 to i32
    %cond3A = arith.constant 0 : i32
    %cond3A_23 = arith.cmpi ne, %convert_element_type3A, %cond3A : i32
    scf.if %cond3A_23 {
      %broadcast_in_dim3A_42 = arith.constant 0.000000e+00 : f32
      %broadcast_in_dim3A_43 = vector.broadcast %broadcast_in_dim3A_42 : f32 to vector<1x64xf32>
      %swap3A_44 = arith.constant 0 : index
      %swap3A_45 = arith.constant 0 : index
      %swap3A_46 = vector.load %arg6[%swap3A_44, %swap3A_45] : memref<1x64xf32, #tpu.memory_space<vmem>>, vector<1x64xf32>
      tpu.vector_store %arg6[%swap3A_44, %swap3A_45], %broadcast_in_dim3A_43 {strides = array<i32>} : memref<1x64xf32, #tpu.memory_space<vmem>>, vector<1x64xf32>,
      %broadcast_in_dim3A_47 = arith.constant 0.000000e+00 : f32
      %broadcast_in_dim3A_48 = vector.broadcast %broadcast_in_dim3A_47 : f32 to vector<1x64xf32>
      %swap3A_49 = arith.constant 0 : index
      %swap3A_50 = arith.constant 0 : index
      %swap3A_51 = vector.load %arg7[%swap3A_49, %swap3A_50] : memref<1x64xf32, #tpu.memory_space<vmem>>, vector<1x64xf32>
      tpu.vector_store %arg7[%swap3A_49, %swap3A_50], %broadcast_in_dim3A_48 {strides = array<i32>} : memref<1x64xf32, #tpu.memory_space<vmem>>, vector<1x64xf32>,
    } else {
    }
    %get3A_24 = arith.constant 0 : index
    %get3A_25 = arith.constant 0 : index
    %get3A_26 = vector.load %arg6[%get3A_24, %get3A_25] : memref<1x64xf32, #tpu.memory_space<vmem>>, vector<1x64xf32>
    %reduce_sum3A = arith.constant dense<0.000000e+00> : vector<64xf32>
    %reduce_sum3A_27 = vector.multi_reduction <add>, %reshape3A_21, %reduce_sum3A [0] : vector<2048x64xf32> to vector<64xf32>
    %broadcast_in_dim3A_28 = vector.shape_cast %reduce_sum3A_27 : vector<64xf32> to vector<1x64xf32>
    %add3A_29 = arith.addf %get3A_26, %broadcast_in_dim3A_28 : vector<1x64xf32>
    %swap3A = arith.constant 0 : index
    %swap3A_30 = arith.constant 0 : index
    %swap3A_31 = vector.load %arg6[%swap3A, %swap3A_30] : memref<1x64xf32, #tpu.memory_space<vmem>>, vector<1x64xf32>
    tpu.vector_store %arg6[%swap3A, %swap3A_30], %add3A_29 {strides = array<i32>} : memref<1x64xf32, #tpu.memory_space<vmem>>, vector<1x64xf32>,
    %get3A_32 = arith.constant 0 : index
    %get3A_33 = arith.constant 0 : index
    %get3A_34 = vector.load %arg7[%get3A_32, %get3A_33] : memref<1x64xf32, #tpu.memory_space<vmem>>, vector<1x64xf32>
    %mul3A = arith.mulf %reshape3A_21, %reshape3A_21 : vector<2048x64xf32>
    %reduce_sum3A_35 = arith.constant dense<0.000000e+00> : vector<64xf32>
    %reduce_sum3A_36 = vector.multi_reduction <add>, %mul3A, %reduce_sum3A_35 [0] : vector<2048x64xf32> to vector<64xf32>
    %broadcast_in_dim3A_37 = vector.shape_cast %reduce_sum3A_36 : vector<64xf32> to vector<1x64xf32>
    %add3A_38 = arith.addf %get3A_34, %broadcast_in_dim3A_37 : vector<1x64xf32>
    %swap3A_39 = arith.constant 0 : index
    %swap3A_40 = arith.constant 0 : index
    %swap3A_41 = vector.load %arg7[%swap3A_39, %swap3A_40] : memref<1x64xf32, #tpu.memory_space<vmem>>, vector<1x64xf32>
    tpu.vector_store %arg7[%swap3A_39, %swap3A_40], %add3A_38 {strides = array<i32>} : memref<1x64xf32, #tpu.memory_space<vmem>>, vector<1x64xf32>,
    return
  }
  func.func @transform_0(%arg0: i32) -> (i32, i32, i32) {
    %c0_i32 = arith.constant 0 : i32
    %c0_i32_0 = arith.constant 0 : i32
    %c0_i32_1 = arith.constant 0 : i32
    return %arg0, %c0_i32, %c0_i32_0 : i32, i32, i32
  }
  func.func @transform_1(%arg0: i32) -> (i32, i32) {
    %c0_i32 = arith.constant 0 : i32
    %c0_i32_0 = arith.constant 0 : i32
    return %arg0, %c0_i32 : i32, i32
  }
  func.func @transform_2(%arg0: i32) -> (i32, i32) {
    %c0_i32 = arith.constant 0 : i32
    %c0_i32_0 = arith.constant 0 : i32
    %c0_i32_1 = arith.constant 0 : i32
    return %c0_i32, %c0_i32_0 : i32, i32
  }
  func.func @transform_3(%arg0: i32) -> (i32, i32) {
    %c0_i32 = arith.constant 0 : i32
    %c0_i32_0 = arith.constant 0 : i32
    %c0_i32_1 = arith.constant 0 : i32
    return %c0_i32, %c0_i32_0 : i32, i32
  }
  func.func @transform_4(%arg0: i32) -> (i32, i32) {
    %c0_i32 = arith.constant 0 : i32
    %c0_i32_0 = arith.constant 0 : i32
    %c0_i32_1 = arith.constant 0 : i32
    return %c0_i32, %c0_i32_0 : i32, i32
  }
  func.func @transform_5(%arg0: i32) -> (i32, i32) {
    %c0_i32 = arith.constant 0 : i32
    %c0_i32_0 = arith.constant 0 : i32
    %c0_i32_1 = arith.constant 0 : i32
    return %c0_i32, %c0_i32_0 : i32, i32
  }
  func.func @transform_6(%arg0: i32) -> (i32, i32) {
    %c0_i32 = arith.constant 0 : i32
    %c0_i32_0 = arith.constant 0 : i32
    %c0_i32_1 = arith.constant 0 : i32
    return %c0_i32, %c0_i32_0 : i32, i32
  }
}

module attributes {stable_mosaic.version = 14 : i64} {
  func.func @_p2_body(%arg0: i32, %arg1: memref<32x64x128xf32, #tpu.memory_space<vmem>>, %arg2: memref<32x8xf32, #tpu.memory_space<vmem>>, %arg3: memref<128x64xf32, #tpu.memory_space<vmem>>, %arg4: memref<8x64xf32, #tpu.memory_space<vmem>>, %arg5: memref<1x64xf32, #tpu.memory_space<vmem>>, %arg6: memref<64x64xf32, #tpu.memory_space<vmem>>, %arg7: memref<1x64xf32, #tpu.memory_space<vmem>>, %arg8: memref<1x64xf32, #tpu.memory_space<vmem>>, %arg9: memref<1x64xf32, #tpu.memory_space<vmem>>) attributes {dimension_semantics = [#tpu.dimension_semantics<arbitrary>], iteration_bounds = array<i64: 512>, scalar_prefetch = 0 : i64, scratch_operands = 0 : i64, tpu.core_type = #tpu.core_type<tc>, window_params = [{transform_indices = @transform_0, window_bounds = array<i64: 32, 64, 128>}, {transform_indices = @transform_1, window_bounds = array<i64: 32, 8>}, {pipeline_mode = #tpu.pipeline_mode<synchronous>, transform_indices = @transform_2, window_bounds = array<i64: 128, 64>}, {pipeline_mode = #tpu.pipeline_mode<synchronous>, transform_indices = @transform_3, window_bounds = array<i64: 8, 64>}, {pipeline_mode = #tpu.pipeline_mode<synchronous>, transform_indices = @transform_4, window_bounds = array<i64: 1, 64>}, {pipeline_mode = #tpu.pipeline_mode<synchronous>, transform_indices = @transform_5, window_bounds = array<i64: 64, 64>}, {pipeline_mode = #tpu.pipeline_mode<synchronous>, transform_indices = @transform_6, window_bounds = array<i64: 1, 64>}, {pipeline_mode = #tpu.pipeline_mode<synchronous>, transform_indices = @transform_7, window_bounds = array<i64: 1, 64>}, {pipeline_mode = #tpu.pipeline_mode<synchronous>, transform_indices = @transform_8, window_bounds = array<i64: 1, 64>}]} {
    %get3A = arith.constant 0 : index
    %get3A_0 = arith.constant 0 : index
    %get3A_1 = arith.constant 0 : index
    %get3A_2 = vector.load %arg1[%get3A, %get3A_0, %get3A_1] : memref<32x64x128xf32, #tpu.memory_space<vmem>>, vector<32x64x128xf32>
    %reshape3A = vector.shape_cast %get3A_2 : vector<32x64x128xf32> to vector<2048x128xf32>
    %get3A_3 = arith.constant 0 : index
    %get3A_4 = arith.constant 0 : index
    %get3A_5 = vector.load %arg3[%get3A_3, %get3A_4] : memref<128x64xf32, #tpu.memory_space<vmem>>, vector<128x64xf32>
    %dot_general3A = arith.constant dense<0.000000e+00> : vector<2048x64xf32>
    %dot_general3A_6 = tpu.matmul %reshape3A, %get3A_5, %dot_general3A {dimension_numbers = #tpu.dot_dimension_numbers<[1], [0], [0], [1], [0, 0, 1, 1], [], []>, precision = #tpu.contract_precision<fp32>, transpose_lhs_hint = false} : vector<2048x128xf32>, vector<128x64xf32>, vector<2048x64xf32> -> vector<2048x64xf32>
    %get3A_7 = arith.constant 0 : index
    %get3A_8 = arith.constant 0 : index
    %get3A_9 = vector.load %arg2[%get3A_7, %get3A_8] : memref<32x8xf32, #tpu.memory_space<vmem>>, vector<32x8xf32>
    %get3A_10 = arith.constant 0 : index
    %get3A_11 = arith.constant 0 : index
    %get3A_12 = vector.load %arg4[%get3A_10, %get3A_11] : memref<8x64xf32, #tpu.memory_space<vmem>>, vector<8x64xf32>
    %dot_general3A_13 = arith.constant dense<0.000000e+00> : vector<32x64xf32>
    %dot_general3A_14 = tpu.matmul %get3A_9, %get3A_12, %dot_general3A_13 {dimension_numbers = #tpu.dot_dimension_numbers<[1], [0], [0], [1], [0, 0, 1, 1], [], []>, precision = #tpu.contract_precision<fp32>, transpose_lhs_hint = false} : vector<32x8xf32>, vector<8x64xf32>, vector<32x64xf32> -> vector<32x64xf32>
    %reshape3A_15 = vector.shape_cast %dot_general3A_6 : vector<2048x64xf32> to vector<32x64x64xf32>
    %get3A_16 = arith.constant 0 : index
    %get3A_17 = arith.constant 0 : index
    %get3A_18 = vector.load %arg5[%get3A_16, %get3A_17] : memref<1x64xf32, #tpu.memory_space<vmem>>, vector<1x64xf32>
    %sub3A = vector.broadcast %get3A_18 : vector<1x64xf32> to vector<32x64xf32>
    %sub3A_19 = arith.subf %sub3A, %dot_general3A_14 : vector<32x64xf32>
    %broadcast_in_dim3A = vector.shape_cast %sub3A_19 : vector<32x64xf32> to vector<32x1x64xf32>
    %add3A = vector.broadcast %broadcast_in_dim3A : vector<32x1x64xf32> to vector<32x64x64xf32>
    %add3A_20 = arith.addf %reshape3A_15, %add3A : vector<32x64x64xf32>
    %max3A = arith.constant 0.000000e+00 : f32
    %max3A_21 = vector.broadcast %max3A : f32 to vector<32x64x64xf32>
    %max3A_22 = arith.maximumf %add3A_20, %max3A_21 : vector<32x64x64xf32>
    %reshape3A_23 = vector.shape_cast %max3A_22 : vector<32x64x64xf32> to vector<2048x64xf32>
    %get3A_24 = arith.constant 0 : index
    %get3A_25 = arith.constant 0 : index
    %get3A_26 = vector.load %arg6[%get3A_24, %get3A_25] : memref<64x64xf32, #tpu.memory_space<vmem>>, vector<64x64xf32>
    %dot_general3A_27 = arith.constant dense<0.000000e+00> : vector<2048x64xf32>
    %dot_general3A_28 = tpu.matmul %reshape3A_23, %get3A_26, %dot_general3A_27 {dimension_numbers = #tpu.dot_dimension_numbers<[1], [0], [0], [1], [0, 0, 1, 1], [], []>, precision = #tpu.contract_precision<fp32>, transpose_lhs_hint = false} : vector<2048x64xf32>, vector<64x64xf32>, vector<2048x64xf32> -> vector<2048x64xf32>
    %get3A_29 = arith.constant 0 : index
    %get3A_30 = arith.constant 0 : index
    %get3A_31 = vector.load %arg7[%get3A_29, %get3A_30] : memref<1x64xf32, #tpu.memory_space<vmem>>, vector<1x64xf32>
    %add3A_32 = vector.broadcast %get3A_31 : vector<1x64xf32> to vector<2048x64xf32>
    %add3A_33 = arith.addf %dot_general3A_28, %add3A_32 : vector<2048x64xf32>
    %eq3A = arith.constant 0 : i32
    %eq3A_34 = arith.cmpi eq, %arg0, %eq3A : i32
    %convert_element_type3A = arith.extui %eq3A_34 : i1 to i32
    %cond3A = arith.constant 0 : i32
    %cond3A_35 = arith.cmpi ne, %convert_element_type3A, %cond3A : i32
    scf.if %cond3A_35 {
      %broadcast_in_dim3A_54 = arith.constant 0.000000e+00 : f32
      %broadcast_in_dim3A_55 = vector.broadcast %broadcast_in_dim3A_54 : f32 to vector<1x64xf32>
      %swap3A_56 = arith.constant 0 : index
      %swap3A_57 = arith.constant 0 : index
      %swap3A_58 = vector.load %arg8[%swap3A_56, %swap3A_57] : memref<1x64xf32, #tpu.memory_space<vmem>>, vector<1x64xf32>
      tpu.vector_store %arg8[%swap3A_56, %swap3A_57], %broadcast_in_dim3A_55 {strides = array<i32>} : memref<1x64xf32, #tpu.memory_space<vmem>>, vector<1x64xf32>,
      %broadcast_in_dim3A_59 = arith.constant 0.000000e+00 : f32
      %broadcast_in_dim3A_60 = vector.broadcast %broadcast_in_dim3A_59 : f32 to vector<1x64xf32>
      %swap3A_61 = arith.constant 0 : index
      %swap3A_62 = arith.constant 0 : index
      %swap3A_63 = vector.load %arg9[%swap3A_61, %swap3A_62] : memref<1x64xf32, #tpu.memory_space<vmem>>, vector<1x64xf32>
      tpu.vector_store %arg9[%swap3A_61, %swap3A_62], %broadcast_in_dim3A_60 {strides = array<i32>} : memref<1x64xf32, #tpu.memory_space<vmem>>, vector<1x64xf32>,
    } else {
    }
    %get3A_36 = arith.constant 0 : index
    %get3A_37 = arith.constant 0 : index
    %get3A_38 = vector.load %arg8[%get3A_36, %get3A_37] : memref<1x64xf32, #tpu.memory_space<vmem>>, vector<1x64xf32>
    %reduce_sum3A = arith.constant dense<0.000000e+00> : vector<64xf32>
    %reduce_sum3A_39 = vector.multi_reduction <add>, %add3A_33, %reduce_sum3A [0] : vector<2048x64xf32> to vector<64xf32>
    %broadcast_in_dim3A_40 = vector.shape_cast %reduce_sum3A_39 : vector<64xf32> to vector<1x64xf32>
    %add3A_41 = arith.addf %get3A_38, %broadcast_in_dim3A_40 : vector<1x64xf32>
    %swap3A = arith.constant 0 : index
    %swap3A_42 = arith.constant 0 : index
    %swap3A_43 = vector.load %arg8[%swap3A, %swap3A_42] : memref<1x64xf32, #tpu.memory_space<vmem>>, vector<1x64xf32>
    tpu.vector_store %arg8[%swap3A, %swap3A_42], %add3A_41 {strides = array<i32>} : memref<1x64xf32, #tpu.memory_space<vmem>>, vector<1x64xf32>,
    %get3A_44 = arith.constant 0 : index
    %get3A_45 = arith.constant 0 : index
    %get3A_46 = vector.load %arg9[%get3A_44, %get3A_45] : memref<1x64xf32, #tpu.memory_space<vmem>>, vector<1x64xf32>
    %mul3A = arith.mulf %add3A_33, %add3A_33 : vector<2048x64xf32>
    %reduce_sum3A_47 = arith.constant dense<0.000000e+00> : vector<64xf32>
    %reduce_sum3A_48 = vector.multi_reduction <add>, %mul3A, %reduce_sum3A_47 [0] : vector<2048x64xf32> to vector<64xf32>
    %broadcast_in_dim3A_49 = vector.shape_cast %reduce_sum3A_48 : vector<64xf32> to vector<1x64xf32>
    %add3A_50 = arith.addf %get3A_46, %broadcast_in_dim3A_49 : vector<1x64xf32>
    %swap3A_51 = arith.constant 0 : index
    %swap3A_52 = arith.constant 0 : index
    %swap3A_53 = vector.load %arg9[%swap3A_51, %swap3A_52] : memref<1x64xf32, #tpu.memory_space<vmem>>, vector<1x64xf32>
    tpu.vector_store %arg9[%swap3A_51, %swap3A_52], %add3A_50 {strides = array<i32>} : memref<1x64xf32, #tpu.memory_space<vmem>>, vector<1x64xf32>,
    return
  }
  func.func @transform_0(%arg0: i32) -> (i32, i32, i32) {
    %c0_i32 = arith.constant 0 : i32
    %c0_i32_0 = arith.constant 0 : i32
    %c0_i32_1 = arith.constant 0 : i32
    return %arg0, %c0_i32, %c0_i32_0 : i32, i32, i32
  }
  func.func @transform_1(%arg0: i32) -> (i32, i32) {
    %c0_i32 = arith.constant 0 : i32
    %c0_i32_0 = arith.constant 0 : i32
    return %arg0, %c0_i32 : i32, i32
  }
  func.func @transform_2(%arg0: i32) -> (i32, i32) {
    %c0_i32 = arith.constant 0 : i32
    %c0_i32_0 = arith.constant 0 : i32
    %c0_i32_1 = arith.constant 0 : i32
    return %c0_i32, %c0_i32_0 : i32, i32
  }
  func.func @transform_3(%arg0: i32) -> (i32, i32) {
    %c0_i32 = arith.constant 0 : i32
    %c0_i32_0 = arith.constant 0 : i32
    %c0_i32_1 = arith.constant 0 : i32
    return %c0_i32, %c0_i32_0 : i32, i32
  }
  func.func @transform_4(%arg0: i32) -> (i32, i32) {
    %c0_i32 = arith.constant 0 : i32
    %c0_i32_0 = arith.constant 0 : i32
    %c0_i32_1 = arith.constant 0 : i32
    return %c0_i32, %c0_i32_0 : i32, i32
  }
  func.func @transform_5(%arg0: i32) -> (i32, i32) {
    %c0_i32 = arith.constant 0 : i32
    %c0_i32_0 = arith.constant 0 : i32
    %c0_i32_1 = arith.constant 0 : i32
    return %c0_i32, %c0_i32_0 : i32, i32
  }
  func.func @transform_6(%arg0: i32) -> (i32, i32) {
    %c0_i32 = arith.constant 0 : i32
    %c0_i32_0 = arith.constant 0 : i32
    %c0_i32_1 = arith.constant 0 : i32
    return %c0_i32, %c0_i32_0 : i32, i32
  }
  func.func @transform_7(%arg0: i32) -> (i32, i32) {
    %c0_i32 = arith.constant 0 : i32
    %c0_i32_0 = arith.constant 0 : i32
    %c0_i32_1 = arith.constant 0 : i32
    return %c0_i32, %c0_i32_0 : i32, i32
  }
  func.func @transform_8(%arg0: i32) -> (i32, i32) {
    %c0_i32 = arith.constant 0 : i32
    %c0_i32_0 = arith.constant 0 : i32
    %c0_i32_1 = arith.constant 0 : i32
    return %c0_i32, %c0_i32_0 : i32, i32
  }
}

module attributes {stable_mosaic.version = 14 : i64} {
  func.func @_p3_body(%arg0: i32, %arg1: memref<32x64x128xf32, #tpu.memory_space<vmem>>, %arg2: memref<32x8xf32, #tpu.memory_space<vmem>>, %arg3: memref<128x64xf32, #tpu.memory_space<vmem>>, %arg4: memref<8x64xf32, #tpu.memory_space<vmem>>, %arg5: memref<1x64xf32, #tpu.memory_space<vmem>>, %arg6: memref<64x64xf32, #tpu.memory_space<vmem>>, %arg7: memref<1x64xf32, #tpu.memory_space<vmem>>, %arg8: memref<64x128xf32, #tpu.memory_space<vmem>>, %arg9: memref<1x128xf32, #tpu.memory_space<vmem>>, %arg10: memref<1x128xf32, #tpu.memory_space<vmem>>, %arg11: memref<1x128xf32, #tpu.memory_space<vmem>>) attributes {dimension_semantics = [#tpu.dimension_semantics<arbitrary>], iteration_bounds = array<i64: 512>, scalar_prefetch = 0 : i64, scratch_operands = 0 : i64, tpu.core_type = #tpu.core_type<tc>, window_params = [{transform_indices = @transform_0, window_bounds = array<i64: 32, 64, 128>}, {transform_indices = @transform_1, window_bounds = array<i64: 32, 8>}, {pipeline_mode = #tpu.pipeline_mode<synchronous>, transform_indices = @transform_2, window_bounds = array<i64: 128, 64>}, {pipeline_mode = #tpu.pipeline_mode<synchronous>, transform_indices = @transform_3, window_bounds = array<i64: 8, 64>}, {pipeline_mode = #tpu.pipeline_mode<synchronous>, transform_indices = @transform_4, window_bounds = array<i64: 1, 64>}, {pipeline_mode = #tpu.pipeline_mode<synchronous>, transform_indices = @transform_5, window_bounds = array<i64: 64, 64>}, {pipeline_mode = #tpu.pipeline_mode<synchronous>, transform_indices = @transform_6, window_bounds = array<i64: 1, 64>}, {pipeline_mode = #tpu.pipeline_mode<synchronous>, transform_indices = @transform_7, window_bounds = array<i64: 64, 128>}, {pipeline_mode = #tpu.pipeline_mode<synchronous>, transform_indices = @transform_8, window_bounds = array<i64: 1, 128>}, {pipeline_mode = #tpu.pipeline_mode<synchronous>, transform_indices = @transform_9, window_bounds = array<i64: 1, 128>}, {pipeline_mode = #tpu.pipeline_mode<synchronous>, transform_indices = @transform_10, window_bounds = array<i64: 1, 128>}]} {
    %get3A = arith.constant 0 : index
    %get3A_0 = arith.constant 0 : index
    %get3A_1 = arith.constant 0 : index
    %get3A_2 = vector.load %arg1[%get3A, %get3A_0, %get3A_1] : memref<32x64x128xf32, #tpu.memory_space<vmem>>, vector<32x64x128xf32>
    %reshape3A = vector.shape_cast %get3A_2 : vector<32x64x128xf32> to vector<2048x128xf32>
    %get3A_3 = arith.constant 0 : index
    %get3A_4 = arith.constant 0 : index
    %get3A_5 = vector.load %arg3[%get3A_3, %get3A_4] : memref<128x64xf32, #tpu.memory_space<vmem>>, vector<128x64xf32>
    %dot_general3A = arith.constant dense<0.000000e+00> : vector<2048x64xf32>
    %dot_general3A_6 = tpu.matmul %reshape3A, %get3A_5, %dot_general3A {dimension_numbers = #tpu.dot_dimension_numbers<[1], [0], [0], [1], [0, 0, 1, 1], [], []>, precision = #tpu.contract_precision<fp32>, transpose_lhs_hint = false} : vector<2048x128xf32>, vector<128x64xf32>, vector<2048x64xf32> -> vector<2048x64xf32>
    %get3A_7 = arith.constant 0 : index
    %get3A_8 = arith.constant 0 : index
    %get3A_9 = vector.load %arg2[%get3A_7, %get3A_8] : memref<32x8xf32, #tpu.memory_space<vmem>>, vector<32x8xf32>
    %get3A_10 = arith.constant 0 : index
    %get3A_11 = arith.constant 0 : index
    %get3A_12 = vector.load %arg4[%get3A_10, %get3A_11] : memref<8x64xf32, #tpu.memory_space<vmem>>, vector<8x64xf32>
    %dot_general3A_13 = arith.constant dense<0.000000e+00> : vector<32x64xf32>
    %dot_general3A_14 = tpu.matmul %get3A_9, %get3A_12, %dot_general3A_13 {dimension_numbers = #tpu.dot_dimension_numbers<[1], [0], [0], [1], [0, 0, 1, 1], [], []>, precision = #tpu.contract_precision<fp32>, transpose_lhs_hint = false} : vector<32x8xf32>, vector<8x64xf32>, vector<32x64xf32> -> vector<32x64xf32>
    %reshape3A_15 = vector.shape_cast %dot_general3A_6 : vector<2048x64xf32> to vector<32x64x64xf32>
    %get3A_16 = arith.constant 0 : index
    %get3A_17 = arith.constant 0 : index
    %get3A_18 = vector.load %arg5[%get3A_16, %get3A_17] : memref<1x64xf32, #tpu.memory_space<vmem>>, vector<1x64xf32>
    %sub3A = vector.broadcast %get3A_18 : vector<1x64xf32> to vector<32x64xf32>
    %sub3A_19 = arith.subf %sub3A, %dot_general3A_14 : vector<32x64xf32>
    %broadcast_in_dim3A = vector.shape_cast %sub3A_19 : vector<32x64xf32> to vector<32x1x64xf32>
    %add3A = vector.broadcast %broadcast_in_dim3A : vector<32x1x64xf32> to vector<32x64x64xf32>
    %add3A_20 = arith.addf %reshape3A_15, %add3A : vector<32x64x64xf32>
    %max3A = arith.constant 0.000000e+00 : f32
    %max3A_21 = vector.broadcast %max3A : f32 to vector<32x64x64xf32>
    %max3A_22 = arith.maximumf %add3A_20, %max3A_21 : vector<32x64x64xf32>
    %reshape3A_23 = vector.shape_cast %max3A_22 : vector<32x64x64xf32> to vector<2048x64xf32>
    %get3A_24 = arith.constant 0 : index
    %get3A_25 = arith.constant 0 : index
    %get3A_26 = vector.load %arg6[%get3A_24, %get3A_25] : memref<64x64xf32, #tpu.memory_space<vmem>>, vector<64x64xf32>
    %dot_general3A_27 = arith.constant dense<0.000000e+00> : vector<2048x64xf32>
    %dot_general3A_28 = tpu.matmul %reshape3A_23, %get3A_26, %dot_general3A_27 {dimension_numbers = #tpu.dot_dimension_numbers<[1], [0], [0], [1], [0, 0, 1, 1], [], []>, precision = #tpu.contract_precision<fp32>, transpose_lhs_hint = false} : vector<2048x64xf32>, vector<64x64xf32>, vector<2048x64xf32> -> vector<2048x64xf32>
    %get3A_29 = arith.constant 0 : index
    %get3A_30 = arith.constant 0 : index
    %get3A_31 = vector.load %arg7[%get3A_29, %get3A_30] : memref<1x64xf32, #tpu.memory_space<vmem>>, vector<1x64xf32>
    %add3A_32 = vector.broadcast %get3A_31 : vector<1x64xf32> to vector<2048x64xf32>
    %add3A_33 = arith.addf %dot_general3A_28, %add3A_32 : vector<2048x64xf32>
    %max3A_34 = arith.constant 0.000000e+00 : f32
    %max3A_35 = vector.broadcast %max3A_34 : f32 to vector<2048x64xf32>
    %max3A_36 = arith.maximumf %add3A_33, %max3A_35 : vector<2048x64xf32>
    %get3A_37 = arith.constant 0 : index
    %get3A_38 = arith.constant 0 : index
    %get3A_39 = vector.load %arg8[%get3A_37, %get3A_38] : memref<64x128xf32, #tpu.memory_space<vmem>>, vector<64x128xf32>
    %dot_general3A_40 = arith.constant dense<0.000000e+00> : vector<2048x128xf32>
    %dot_general3A_41 = tpu.matmul %max3A_36, %get3A_39, %dot_general3A_40 {dimension_numbers = #tpu.dot_dimension_numbers<[1], [0], [0], [1], [0, 0, 1, 1], [], []>, precision = #tpu.contract_precision<fp32>, transpose_lhs_hint = false} : vector<2048x64xf32>, vector<64x128xf32>, vector<2048x128xf32> -> vector<2048x128xf32>
    %get3A_42 = arith.constant 0 : index
    %get3A_43 = arith.constant 0 : index
    %get3A_44 = vector.load %arg9[%get3A_42, %get3A_43] : memref<1x128xf32, #tpu.memory_space<vmem>>, vector<1x128xf32>
    %add3A_45 = vector.broadcast %get3A_44 : vector<1x128xf32> to vector<2048x128xf32>
    %add3A_46 = arith.addf %dot_general3A_41, %add3A_45 : vector<2048x128xf32>
    %eq3A = arith.constant 0 : i32
    %eq3A_47 = arith.cmpi eq, %arg0, %eq3A : i32
    %convert_element_type3A = arith.extui %eq3A_47 : i1 to i32
    %cond3A = arith.constant 0 : i32
    %cond3A_48 = arith.cmpi ne, %convert_element_type3A, %cond3A : i32
    scf.if %cond3A_48 {
      %broadcast_in_dim3A_67 = arith.constant 0.000000e+00 : f32
      %broadcast_in_dim3A_68 = vector.broadcast %broadcast_in_dim3A_67 : f32 to vector<1x128xf32>
      %swap3A_69 = arith.constant 0 : index
      %swap3A_70 = arith.constant 0 : index
      %swap3A_71 = vector.load %arg10[%swap3A_69, %swap3A_70] : memref<1x128xf32, #tpu.memory_space<vmem>>, vector<1x128xf32>
      tpu.vector_store %arg10[%swap3A_69, %swap3A_70], %broadcast_in_dim3A_68 {strides = array<i32>} : memref<1x128xf32, #tpu.memory_space<vmem>>, vector<1x128xf32>,
      %broadcast_in_dim3A_72 = arith.constant 0.000000e+00 : f32
      %broadcast_in_dim3A_73 = vector.broadcast %broadcast_in_dim3A_72 : f32 to vector<1x128xf32>
      %swap3A_74 = arith.constant 0 : index
      %swap3A_75 = arith.constant 0 : index
      %swap3A_76 = vector.load %arg11[%swap3A_74, %swap3A_75] : memref<1x128xf32, #tpu.memory_space<vmem>>, vector<1x128xf32>
      tpu.vector_store %arg11[%swap3A_74, %swap3A_75], %broadcast_in_dim3A_73 {strides = array<i32>} : memref<1x128xf32, #tpu.memory_space<vmem>>, vector<1x128xf32>,
    } else {
    }
    %get3A_49 = arith.constant 0 : index
    %get3A_50 = arith.constant 0 : index
    %get3A_51 = vector.load %arg10[%get3A_49, %get3A_50] : memref<1x128xf32, #tpu.memory_space<vmem>>, vector<1x128xf32>
    %reduce_sum3A = arith.constant dense<0.000000e+00> : vector<128xf32>
    %reduce_sum3A_52 = vector.multi_reduction <add>, %add3A_46, %reduce_sum3A [0] : vector<2048x128xf32> to vector<128xf32>
    %broadcast_in_dim3A_53 = vector.shape_cast %reduce_sum3A_52 : vector<128xf32> to vector<1x128xf32>
    %add3A_54 = arith.addf %get3A_51, %broadcast_in_dim3A_53 : vector<1x128xf32>
    %swap3A = arith.constant 0 : index
    %swap3A_55 = arith.constant 0 : index
    %swap3A_56 = vector.load %arg10[%swap3A, %swap3A_55] : memref<1x128xf32, #tpu.memory_space<vmem>>, vector<1x128xf32>
    tpu.vector_store %arg10[%swap3A, %swap3A_55], %add3A_54 {strides = array<i32>} : memref<1x128xf32, #tpu.memory_space<vmem>>, vector<1x128xf32>,
    %get3A_57 = arith.constant 0 : index
    %get3A_58 = arith.constant 0 : index
    %get3A_59 = vector.load %arg11[%get3A_57, %get3A_58] : memref<1x128xf32, #tpu.memory_space<vmem>>, vector<1x128xf32>
    %mul3A = arith.mulf %add3A_46, %add3A_46 : vector<2048x128xf32>
    %reduce_sum3A_60 = arith.constant dense<0.000000e+00> : vector<128xf32>
    %reduce_sum3A_61 = vector.multi_reduction <add>, %mul3A, %reduce_sum3A_60 [0] : vector<2048x128xf32> to vector<128xf32>
    %broadcast_in_dim3A_62 = vector.shape_cast %reduce_sum3A_61 : vector<128xf32> to vector<1x128xf32>
    %add3A_63 = arith.addf %get3A_59, %broadcast_in_dim3A_62 : vector<1x128xf32>
    %swap3A_64 = arith.constant 0 : index
    %swap3A_65 = arith.constant 0 : index
    %swap3A_66 = vector.load %arg11[%swap3A_64, %swap3A_65] : memref<1x128xf32, #tpu.memory_space<vmem>>, vector<1x128xf32>
    tpu.vector_store %arg11[%swap3A_64, %swap3A_65], %add3A_63 {strides = array<i32>} : memref<1x128xf32, #tpu.memory_space<vmem>>, vector<1x128xf32>,
    return
  }
  func.func @transform_0(%arg0: i32) -> (i32, i32, i32) {
    %c0_i32 = arith.constant 0 : i32
    %c0_i32_0 = arith.constant 0 : i32
    %c0_i32_1 = arith.constant 0 : i32
    return %arg0, %c0_i32, %c0_i32_0 : i32, i32, i32
  }
  func.func @transform_1(%arg0: i32) -> (i32, i32) {
    %c0_i32 = arith.constant 0 : i32
    %c0_i32_0 = arith.constant 0 : i32
    return %arg0, %c0_i32 : i32, i32
  }
  func.func @transform_2(%arg0: i32) -> (i32, i32) {
    %c0_i32 = arith.constant 0 : i32
    %c0_i32_0 = arith.constant 0 : i32
    %c0_i32_1 = arith.constant 0 : i32
    return %c0_i32, %c0_i32_0 : i32, i32
  }
  func.func @transform_3(%arg0: i32) -> (i32, i32) {
    %c0_i32 = arith.constant 0 : i32
    %c0_i32_0 = arith.constant 0 : i32
    %c0_i32_1 = arith.constant 0 : i32
    return %c0_i32, %c0_i32_0 : i32, i32
  }
  func.func @transform_4(%arg0: i32) -> (i32, i32) {
    %c0_i32 = arith.constant 0 : i32
    %c0_i32_0 = arith.constant 0 : i32
    %c0_i32_1 = arith.constant 0 : i32
    return %c0_i32, %c0_i32_0 : i32, i32
  }
  func.func @transform_5(%arg0: i32) -> (i32, i32) {
    %c0_i32 = arith.constant 0 : i32
    %c0_i32_0 = arith.constant 0 : i32
    %c0_i32_1 = arith.constant 0 : i32
    return %c0_i32, %c0_i32_0 : i32, i32
  }
  func.func @transform_6(%arg0: i32) -> (i32, i32) {
    %c0_i32 = arith.constant 0 : i32
    %c0_i32_0 = arith.constant 0 : i32
    %c0_i32_1 = arith.constant 0 : i32
    return %c0_i32, %c0_i32_0 : i32, i32
  }
  func.func @transform_7(%arg0: i32) -> (i32, i32) {
    %c0_i32 = arith.constant 0 : i32
    %c0_i32_0 = arith.constant 0 : i32
    %c0_i32_1 = arith.constant 0 : i32
    return %c0_i32, %c0_i32_0 : i32, i32
  }
  func.func @transform_8(%arg0: i32) -> (i32, i32) {
    %c0_i32 = arith.constant 0 : i32
    %c0_i32_0 = arith.constant 0 : i32
    %c0_i32_1 = arith.constant 0 : i32
    return %c0_i32, %c0_i32_0 : i32, i32
  }
  func.func @transform_9(%arg0: i32) -> (i32, i32) {
    %c0_i32 = arith.constant 0 : i32
    %c0_i32_0 = arith.constant 0 : i32
    %c0_i32_1 = arith.constant 0 : i32
    return %c0_i32, %c0_i32_0 : i32, i32
  }
  func.func @transform_10(%arg0: i32) -> (i32, i32) {
    %c0_i32 = arith.constant 0 : i32
    %c0_i32_0 = arith.constant 0 : i32
    %c0_i32_1 = arith.constant 0 : i32
    return %c0_i32, %c0_i32_0 : i32, i32
  }
}

module attributes {stable_mosaic.version = 14 : i64} {
  func.func @_p4_body(%arg0: i32, %arg1: memref<32x64x128xf32, #tpu.memory_space<vmem>>, %arg2: memref<32x8xf32, #tpu.memory_space<vmem>>, %arg3: memref<128x64xf32, #tpu.memory_space<vmem>>, %arg4: memref<8x64xf32, #tpu.memory_space<vmem>>, %arg5: memref<1x64xf32, #tpu.memory_space<vmem>>, %arg6: memref<64x64xf32, #tpu.memory_space<vmem>>, %arg7: memref<1x64xf32, #tpu.memory_space<vmem>>, %arg8: memref<64x128xf32, #tpu.memory_space<vmem>>, %arg9: memref<1x128xf32, #tpu.memory_space<vmem>>, %arg10: memref<32x128xf32, #tpu.memory_space<vmem>>) attributes {dimension_semantics = [#tpu.dimension_semantics<arbitrary>], iteration_bounds = array<i64: 512>, scalar_prefetch = 0 : i64, scratch_operands = 0 : i64, tpu.core_type = #tpu.core_type<tc>, window_params = [{transform_indices = @transform_0, window_bounds = array<i64: 32, 64, 128>}, {transform_indices = @transform_1, window_bounds = array<i64: 32, 8>}, {pipeline_mode = #tpu.pipeline_mode<synchronous>, transform_indices = @transform_2, window_bounds = array<i64: 128, 64>}, {pipeline_mode = #tpu.pipeline_mode<synchronous>, transform_indices = @transform_3, window_bounds = array<i64: 8, 64>}, {pipeline_mode = #tpu.pipeline_mode<synchronous>, transform_indices = @transform_4, window_bounds = array<i64: 1, 64>}, {pipeline_mode = #tpu.pipeline_mode<synchronous>, transform_indices = @transform_5, window_bounds = array<i64: 64, 64>}, {pipeline_mode = #tpu.pipeline_mode<synchronous>, transform_indices = @transform_6, window_bounds = array<i64: 1, 64>}, {pipeline_mode = #tpu.pipeline_mode<synchronous>, transform_indices = @transform_7, window_bounds = array<i64: 64, 128>}, {pipeline_mode = #tpu.pipeline_mode<synchronous>, transform_indices = @transform_8, window_bounds = array<i64: 1, 128>}, {transform_indices = @transform_9, window_bounds = array<i64: 32, 128>}]} {
    %get3A = arith.constant 0 : index
    %get3A_0 = arith.constant 0 : index
    %get3A_1 = arith.constant 0 : index
    %get3A_2 = vector.load %arg1[%get3A, %get3A_0, %get3A_1] : memref<32x64x128xf32, #tpu.memory_space<vmem>>, vector<32x64x128xf32>
    %reshape3A = vector.shape_cast %get3A_2 : vector<32x64x128xf32> to vector<2048x128xf32>
    %get3A_3 = arith.constant 0 : index
    %get3A_4 = arith.constant 0 : index
    %get3A_5 = vector.load %arg3[%get3A_3, %get3A_4] : memref<128x64xf32, #tpu.memory_space<vmem>>, vector<128x64xf32>
    %dot_general3A = arith.constant dense<0.000000e+00> : vector<2048x64xf32>
    %dot_general3A_6 = tpu.matmul %reshape3A, %get3A_5, %dot_general3A {dimension_numbers = #tpu.dot_dimension_numbers<[1], [0], [0], [1], [0, 0, 1, 1], [], []>, precision = #tpu.contract_precision<fp32>, transpose_lhs_hint = false} : vector<2048x128xf32>, vector<128x64xf32>, vector<2048x64xf32> -> vector<2048x64xf32>
    %get3A_7 = arith.constant 0 : index
    %get3A_8 = arith.constant 0 : index
    %get3A_9 = vector.load %arg2[%get3A_7, %get3A_8] : memref<32x8xf32, #tpu.memory_space<vmem>>, vector<32x8xf32>
    %get3A_10 = arith.constant 0 : index
    %get3A_11 = arith.constant 0 : index
    %get3A_12 = vector.load %arg4[%get3A_10, %get3A_11] : memref<8x64xf32, #tpu.memory_space<vmem>>, vector<8x64xf32>
    %dot_general3A_13 = arith.constant dense<0.000000e+00> : vector<32x64xf32>
    %dot_general3A_14 = tpu.matmul %get3A_9, %get3A_12, %dot_general3A_13 {dimension_numbers = #tpu.dot_dimension_numbers<[1], [0], [0], [1], [0, 0, 1, 1], [], []>, precision = #tpu.contract_precision<fp32>, transpose_lhs_hint = false} : vector<32x8xf32>, vector<8x64xf32>, vector<32x64xf32> -> vector<32x64xf32>
    %reshape3A_15 = vector.shape_cast %dot_general3A_6 : vector<2048x64xf32> to vector<32x64x64xf32>
    %get3A_16 = arith.constant 0 : index
    %get3A_17 = arith.constant 0 : index
    %get3A_18 = vector.load %arg5[%get3A_16, %get3A_17] : memref<1x64xf32, #tpu.memory_space<vmem>>, vector<1x64xf32>
    %sub3A = vector.broadcast %get3A_18 : vector<1x64xf32> to vector<32x64xf32>
    %sub3A_19 = arith.subf %sub3A, %dot_general3A_14 : vector<32x64xf32>
    %broadcast_in_dim3A = vector.shape_cast %sub3A_19 : vector<32x64xf32> to vector<32x1x64xf32>
    %add3A = vector.broadcast %broadcast_in_dim3A : vector<32x1x64xf32> to vector<32x64x64xf32>
    %add3A_20 = arith.addf %reshape3A_15, %add3A : vector<32x64x64xf32>
    %max3A = arith.constant 0.000000e+00 : f32
    %max3A_21 = vector.broadcast %max3A : f32 to vector<32x64x64xf32>
    %max3A_22 = arith.maximumf %add3A_20, %max3A_21 : vector<32x64x64xf32>
    %reshape3A_23 = vector.shape_cast %max3A_22 : vector<32x64x64xf32> to vector<2048x64xf32>
    %get3A_24 = arith.constant 0 : index
    %get3A_25 = arith.constant 0 : index
    %get3A_26 = vector.load %arg6[%get3A_24, %get3A_25] : memref<64x64xf32, #tpu.memory_space<vmem>>, vector<64x64xf32>
    %dot_general3A_27 = arith.constant dense<0.000000e+00> : vector<2048x64xf32>
    %dot_general3A_28 = tpu.matmul %reshape3A_23, %get3A_26, %dot_general3A_27 {dimension_numbers = #tpu.dot_dimension_numbers<[1], [0], [0], [1], [0, 0, 1, 1], [], []>, precision = #tpu.contract_precision<fp32>, transpose_lhs_hint = false} : vector<2048x64xf32>, vector<64x64xf32>, vector<2048x64xf32> -> vector<2048x64xf32>
    %get3A_29 = arith.constant 0 : index
    %get3A_30 = arith.constant 0 : index
    %get3A_31 = vector.load %arg7[%get3A_29, %get3A_30] : memref<1x64xf32, #tpu.memory_space<vmem>>, vector<1x64xf32>
    %add3A_32 = vector.broadcast %get3A_31 : vector<1x64xf32> to vector<2048x64xf32>
    %add3A_33 = arith.addf %dot_general3A_28, %add3A_32 : vector<2048x64xf32>
    %max3A_34 = arith.constant 0.000000e+00 : f32
    %max3A_35 = vector.broadcast %max3A_34 : f32 to vector<2048x64xf32>
    %max3A_36 = arith.maximumf %add3A_33, %max3A_35 : vector<2048x64xf32>
    %get3A_37 = arith.constant 0 : index
    %get3A_38 = arith.constant 0 : index
    %get3A_39 = vector.load %arg8[%get3A_37, %get3A_38] : memref<64x128xf32, #tpu.memory_space<vmem>>, vector<64x128xf32>
    %dot_general3A_40 = arith.constant dense<0.000000e+00> : vector<2048x128xf32>
    %dot_general3A_41 = tpu.matmul %max3A_36, %get3A_39, %dot_general3A_40 {dimension_numbers = #tpu.dot_dimension_numbers<[1], [0], [0], [1], [0, 0, 1, 1], [], []>, precision = #tpu.contract_precision<fp32>, transpose_lhs_hint = false} : vector<2048x64xf32>, vector<64x128xf32>, vector<2048x128xf32> -> vector<2048x128xf32>
    %get3A_42 = arith.constant 0 : index
    %get3A_43 = arith.constant 0 : index
    %get3A_44 = vector.load %arg9[%get3A_42, %get3A_43] : memref<1x128xf32, #tpu.memory_space<vmem>>, vector<1x128xf32>
    %add3A_45 = vector.broadcast %get3A_44 : vector<1x128xf32> to vector<2048x128xf32>
    %add3A_46 = arith.addf %dot_general3A_41, %add3A_45 : vector<2048x128xf32>
    %max3A_47 = arith.constant 0.000000e+00 : f32
    %max3A_48 = vector.broadcast %max3A_47 : f32 to vector<2048x128xf32>
    %max3A_49 = arith.maximumf %add3A_46, %max3A_48 : vector<2048x128xf32>
    %reshape3A_50 = vector.shape_cast %max3A_49 : vector<2048x128xf32> to vector<32x64x128xf32>
    %reduce_max3A = arith.constant dense<0xFF800000> : vector<32x128xf32>
    %reduce_max3A_51 = vector.multi_reduction <maximumf>, %reshape3A_50, %reduce_max3A [1] : vector<32x64x128xf32> to vector<32x128xf32>
    %swap3A = arith.constant 0 : index
    %swap3A_52 = arith.constant 0 : index
    %swap3A_53 = vector.load %arg10[%swap3A, %swap3A_52] : memref<32x128xf32, #tpu.memory_space<vmem>>, vector<32x128xf32>
    tpu.vector_store %arg10[%swap3A, %swap3A_52], %reduce_max3A_51 {strides = array<i32>} : memref<32x128xf32, #tpu.memory_space<vmem>>, vector<32x128xf32>,
    return
  }
  func.func @transform_0(%arg0: i32) -> (i32, i32, i32) {
    %c0_i32 = arith.constant 0 : i32
    %c0_i32_0 = arith.constant 0 : i32
    %c0_i32_1 = arith.constant 0 : i32
    return %arg0, %c0_i32, %c0_i32_0 : i32, i32, i32
  }
  func.func @transform_1(%arg0: i32) -> (i32, i32) {
    %c0_i32 = arith.constant 0 : i32
    %c0_i32_0 = arith.constant 0 : i32
    return %arg0, %c0_i32 : i32, i32
  }
  func.func @transform_2(%arg0: i32) -> (i32, i32) {
    %c0_i32 = arith.constant 0 : i32
    %c0_i32_0 = arith.constant 0 : i32
    %c0_i32_1 = arith.constant 0 : i32
    return %c0_i32, %c0_i32_0 : i32, i32
  }
  func.func @transform_3(%arg0: i32) -> (i32, i32) {
    %c0_i32 = arith.constant 0 : i32
    %c0_i32_0 = arith.constant 0 : i32
    %c0_i32_1 = arith.constant 0 : i32
    return %c0_i32, %c0_i32_0 : i32, i32
  }
  func.func @transform_4(%arg0: i32) -> (i32, i32) {
    %c0_i32 = arith.constant 0 : i32
    %c0_i32_0 = arith.constant 0 : i32
    %c0_i32_1 = arith.constant 0 : i32
    return %c0_i32, %c0_i32_0 : i32, i32
  }
  func.func @transform_5(%arg0: i32) -> (i32, i32) {
    %c0_i32 = arith.constant 0 : i32
    %c0_i32_0 = arith.constant 0 : i32
    %c0_i32_1 = arith.constant 0 : i32
    return %c0_i32, %c0_i32_0 : i32, i32
  }
  func.func @transform_6(%arg0: i32) -> (i32, i32) {
    %c0_i32 = arith.constant 0 : i32
    %c0_i32_0 = arith.constant 0 : i32
    %c0_i32_1 = arith.constant 0 : i32
    return %c0_i32, %c0_i32_0 : i32, i32
  }
  func.func @transform_7(%arg0: i32) -> (i32, i32) {
    %c0_i32 = arith.constant 0 : i32
    %c0_i32_0 = arith.constant 0 : i32
    %c0_i32_1 = arith.constant 0 : i32
    return %c0_i32, %c0_i32_0 : i32, i32
  }
  func.func @transform_8(%arg0: i32) -> (i32, i32) {
    %c0_i32 = arith.constant 0 : i32
    %c0_i32_0 = arith.constant 0 : i32
    %c0_i32_1 = arith.constant 0 : i32
    return %c0_i32, %c0_i32_0 : i32, i32
  }
  func.func @transform_9(%arg0: i32) -> (i32, i32) {
    %c0_i32 = arith.constant 0 : i32
    %c0_i32_0 = arith.constant 0 : i32
    return %arg0, %c0_i32 : i32, i32
  }
}

</mosaic_0001>

<sc_bundles>
// kernel: kernel.9.cloned.1.call-start
scs
__scs_entry_jumppad:
0x0: {  	(pc) =	sbr.rel $0x88, $3  }
0x1: {  	(tag) =	ssettag $0x0;
	lr =	simm.s32 $0x1  }
0x2: {  	[smem:$0x3F93] =	sst lr;
	_ =	strace $0xD0000000  }
0x3: {  	_ = 	snop  }
0x4: {  	_ = 	snop  }
0x5: {  	_ = 	snop  }
0x6: {  	_ = 	snop  }
0x7: {  	_ = 	snop  }
__scs_overlays_trampoline_lowered:
0x8: {  	[smem:$0x3FA2] =	sst s0  }
0x9: {  	[smem:$0x3FA3] =	sst s1  }
0xa: {  	[smem:$0x3FA4] =	sst s2  }
0xb: {  	[smem:$0x3FA5] =	sst s3  }
0xc: {  	[smem:$0x3FA6] =	sst s4  }
0xd: {  	[smem:$0x3FA7] =	sst s5  }
0xe: {  	[smem:$0x3FA8] =	sst s6  }
0xf: {  	[smem:$0x3FA9] =	sst s7  }
0x10: {  	[smem:$0x3FAA] =	sst s8  }
0x11: {  	[smem:$0x3FAB] =	sst s9;
	s0 =	simm.s32 @!p0 $0x0  }
0x12: {  	s1 =	sld [smem:$0x3F91];
	s0 =	simm.s32 @p0 $0x1  }
0x13: {  	[smem:$0x3FAC] =	sst s0;
	s0 =	simm.s32 @!p1 $0x0  }
0x14: {  	s2 =	sld [smem:$0x3F90];
	s0 =	simm.s32 @p1 $0x1  }
0x15: {  	[smem:$0x3FAD] =	sst s0;
	s0 =	simm.s32 @!p2 $0x0  }
0x16: {  	s3 =	sld [smem:$0x3FDB];
	s0 =	simm.s32 @p2 $0x1  }
0x17: {  	s4 =	simm.s32 $0x1BF5;
	[smem:$0x3FAF] =	sst s0  }
0x18: {  	s0 =	sld [smem:$0x3F92];
	_ =	swait.ge [sflag:s4], $0x0  }
0x19: {  	s7 =	sld [smem:$0x3F93]  }
0x1a: {  	s8 =	sadd.s32 $0xFFFFE003, lr  }
0x1b: {  	s9 =	sadd.s32 $0xFFFFFEF7, lr;
	s5 =	simm.s32 $0xFFFFFFFF;
	p2 =	slt.u32 s8, $0xFFFFF086  }
0x1c: {  	p1 =	slt.u32 s9, $0xF7A;
	s5 =	simm.s32 @!p2 $0x0  }
0x1d: {  	s5 =	simm.s32 @p1 $0x1;
	p0 =	seq.s32 s7, s2  }
0x1e: {  	s7 =	smul.u32 @!p0 $0xF7A, s2;
	p2 =	seq.s32 @!p0 s5, $0x0  }
0x1f: {  	s9 =	smul.u32 $0xF7A, s1;
	s8 =	simm.s32 @!p0 $0x1BF5;
	p2 =	por !p2, p0  }
0x20: {  	[sflag:s8] =	ssyncset.s32 @!p0 $0xFFFFF086;
	s6 =	sadd.s32 @!p0 s3, s7;
	s7 =	simm.s32 @!p0 $0x108  }
0x21: {  	s3 =	sadd.s32 s3, s9;
	s6 =	sadd.s32 @!p0 $0x88, s6;
	s7 =	simm.s32 @p2 $0x1082  }
0x22: {  	[simem:s7], [sflag:s8] =	dma.local @!p0 [hbm:s6], $0xF7A  }
0x23: {  	s9 =	sor.u32 $0xD0000000, s2;
	s6 =	simm.s32 $0x108;
	_ =	swait.ge @!p0 [sflag:s8], $0x0  }
0x24: {  	s3 =	sadd.s32 $0x88, s3;
	s6 =	simm.s32 @!p1 $0x1082;
	[sflag:s4] =	ssyncset.s32 $0xFFFFF086  }
0x25: {  	[simem:s6], [sflag:s4] =	dma.local [hbm:s3], $0xF7A  }
0x26: {  	[smem:$0x3F93] =	sst s1;
	(tag) =	ssettag s2;
	_ =	strace s9  }
0x27: {  	s1 =	sld [smem:$0x3FA3]  }
0x28: {  	s2 =	sld [smem:$0x3FA4]  }
0x29: {  	s4 =	sld [smem:$0x3FA6]  }
0x2a: {  	p0 =	seq.s32 s5, $0x0;
	s5 =	sld [smem:$0x3FA7]  }
0x2b: {  	s6 =	sld [smem:$0x3FA8]  }
0x2c: {  	s7 =	sld [smem:$0x3FA9]  }
0x2d: {  	s3 =	simm.s32 $0x108;
	s8 =	sld [smem:$0x3FAA]  }
0x2e: {  	s3 =	simm.s32 @!p0 $0x1082;
	s9 =	sld [smem:$0x3FAB]  }
0x2f: {  	lr =	sadd.s32 s0, s3;
	s0 =	sld [smem:$0x3FA2]  }
0x30: {  	s3 =	sld [smem:$0x3FA5]  }
0x31: {  	[smem:$0x3FAE] =	sst s10  }
0x32: {  	s10 =	sld [smem:$0x3FAC];
	_ =	sdelay $0x3  }
0x33: {  	p0 =	seq.s32 s10, $0x1;
	s10 =	sld [smem:$0x3FAE];
	_ =	sdelay $0x3  }
0x34: {  	[smem:$0x3FAE] =	sst s10  }
0x35: {  	s10 =	sld [smem:$0x3FAD];
	_ =	sdelay $0x3  }
0x36: {  	p1 =	seq.s32 s10, $0x1;
	s10 =	sld [smem:$0x3FAE];
	_ =	sdelay $0x3  }
0x37: {  	[smem:$0x3FAE] =	sst s10  }
0x38: {  	s10 =	sld [smem:$0x3FAF]  }
0x39: {  	_ = 	snop;
	(pc) =	sbr.ind lr, $3  }
0x3a: {  	_ = 	snop  }
0x3b: {  	_ = 	snop  }
0x3c: {  	p2 =	seq.s32 s10, $0x1;
	s10 =	sld [smem:$0x3FAE]  }
0x3d: {  	_ =	shalt  }
0x3e: {  	_ =	shalt  }
0x3f: {  	_ =	shalt  }
0x40: {  	_ =	shalt  }
0x41: {  	_ =	shalt  }
0x42: {  	_ =	shalt  }
0x43: {  	_ =	shalt  }
0x44: {  	_ =	shalt  }
0x45: {  	_ =	shalt  }
0x46: {  	_ =	shalt  }
0x47: {  	_ =	shalt  }
0x48: {  	_ =	shalt  }
0x49: {  	_ =	shalt  }
0x4a: {  	_ =	shalt  }
0x4b: {  	_ =	shalt  }
0x4c: {  	_ =	shalt  }
0x4d: {  	_ =	shalt  }
0x4e: {  	_ =	shalt  }
0x4f: {  	_ =	shalt  }
0x50: {  	_ =	shalt  }
0x51: {  	_ =	shalt  }
0x52: {  	_ =	shalt  }
0x53: {  	_ =	shalt  }
0x54: {  	_ =	shalt  }
0x55: {  	_ =	shalt  }
0x56: {  	_ =	shalt  }
0x57: {  	_ =	shalt  }
0x58: {  	_ =	shalt  }
0x59: {  	_ =	shalt  }
0x5a: {  	_ =	shalt  }
0x5b: {  	_ =	shalt  }
0x5c: {  	_ =	shalt  }
0x5d: {  	_ =	shalt  }
0x5e: {  	_ =	shalt  }
0x5f: {  	_ =	shalt  }
0x60: {  	_ =	shalt  }
0x61: {  	_ =	shalt  }
0x62: {  	_ =	shalt  }
0x63: {  	_ =	shalt  }
0x64: {  	_ =	shalt  }
0x65: {  	_ =	shalt  }
0x66: {  	_ =	shalt  }
0x67: {  	_ =	shalt  }
0x68: {  	_ =	shalt  }
0x69: {  	_ =	shalt  }
0x6a: {  	_ =	shalt  }
0x6b: {  	_ =	shalt  }
0x6c: {  	_ =	shalt  }
0x6d: {  	_ =	shalt  }
0x6e: {  	_ =	shalt  }
0x6f: {  	_ =	shalt  }
0x70: {  	_ =	shalt  }
0x71: {  	_ =	shalt  }
0x72: {  	_ =	shalt  }
0x73: {  	_ =	shalt  }
0x74: {  	_ =	shalt  }
0x75: {  	_ =	shalt  }
0x76: {  	_ =	shalt  }
0x77: {  	_ =	shalt  }
0x78: {  	_ =	shalt  }
0x79: {  	_ =	shalt  }
0x7a: {  	_ =	shalt  }
0x7b: {  	_ =	shalt  }
0x7c: {  	_ =	shalt  }
0x7d: {  	_ =	shalt  }
0x7e: {  	_ =	shalt  }
0x7f: {  	_ =	shalt  }
0x80: {  	_ =	shalt  }
0x81: {  	_ =	shalt  }
0x82: {  	_ =	shalt  }
0x83: {  	_ =	shalt  }
0x84: {  	_ =	shalt  }
0x85: {  	_ =	shalt  }
0x86: {  	_ =	shalt  }
0x87: {  	_ =	shalt  }
.Lfunc_end0:
.L_simem_size_0:
called_computation_lowered:
.L_overlay_start_0:
0x88: {  	s2 =	sld [smem:$0x3FD9]  }
0x89: {  	s3 =	sld [smem:$0x3FFE];
	_ =	sdelay $0x1  }
0x8a: {  	s1 =	srdreg.scid  }
0x8b: {  	s0 =	sand.u32 $0x1, s1  }
0x8c: {  	s14 =	sshll.u32 s0, $0xA;
	s2 =	sadd.s32 s3, s2  }
0x8d: {  	s2 =	sadd.s32 s2, s14  }
0x8e: {  	[smem:$0x3FBA] =	sst s2  }
0x8f: {  	_ = 	snop  }
0x90: {  	s2 =	sld [smem:$0x3FD0];
	_ =	sdelay $0x2  }
0x91: {  	s15 =	simm.s32 $0xA;
	s4 =	simm.s32 $0x10  }
0x92: {  	[smem:s4], [sflag:s15] =	dma.local [hbm:s2], $0x1  }
0x93: {  	_ =	swait.eq [sflag:s15], $0x1  }
0x94: {  	[sflag:s15] =	ssyncset.done $0x0  }
0x95: {  	[sflag:s15] =	ssyncadd.s32 $0xFFFFFFFF  }
0x96: {  	s16 =	sld [smem:$0x11];
	(tm) =	ssettm $0x1  }
0x97: {  	s17 =	sld [smem:$0x3FFB];
	_ =	sdelay $0x3  }
0x98: {  	_ =	strace s17  }
0x99: {  	s3 =	sld [smem:$0x3FFC];
	_ =	sdelay $0x3  }
0x9a: {  	_ =	strace s3  }
0x9b: {  	s3 =	sld [smem:$0x3FFD];
	_ =	sdelay $0x3  }
0x9c: {  	_ =	strace s3  }
0x9d: {  	_ =	strace $0x8FFFFFFF  }
0x9e: {  	s18 =	sld [smem:$0x3FDB];
	_ =	sdelay $0x1  }
0x9f: {  	s19 =	simm.s32 $_scs_section_size  }
0xa0: {  	s5 =	simm.s32 $_size__tile_overlayer_lowered;
	s6 =	simm.s32 $_tile_overlayer_lowered  }
0xa1: {  	s22 =	simm.s32 $0x1BFF;
	s21 =	sshll.u32 s6, $0x1;
	s3 =	sadd.s32 s19, s18  }
0xa2: {  	s7 =	simm.s32 $0x0;
	s20 =	sshll.u32 s5, $0x1;
	s5 =	sadd.s32 s21, s3  }
0xa3: {  	[timem:s7], [sflag:s22] =	dma.local [hbm:s5], s20  }
0xa4: {  	_ =	swait.ge [sflag:s22], s20  }
0xa5: {  	s4 =	ssub.s32 $0x0, s20;
	[sflag:s22] =	ssyncset.done $0x0  }
0xa6: {  	[sflag:s22] =	ssyncadd.s32 s4;
	_ =	sdelay $0x1  }
0xa7: {  	s23 =	simm.s32 $0x1B8B  }
0xa8: {  	_ =	swait.ge [sflag:s23], $0x1  }
0xa9: {  	[sflag:s23] =	ssyncset.done $0x0  }
0xaa: {  	s25 =	simm.s32 $0x1B8E;
	s24 =	sld [smem:$0x3FFE];
	[sflag:s23] =	ssyncadd.s32 $0xFFFFFFFF  }
0xab: {  	s26 =	simm.s32 $execute0_lowered;
	[smem:$0x3FD2] =	sst s25  }
0xac: {  	s5 =	sshll.u32 s26, $0x1;
	_ =	strace $0x80000046;
	[dreg:$0x1] =	wrdreg $0xFFFFFFFF  }
0xad: {  	s28 =	simm.s32 $_size_execute0_lowered;
	s3 =	sadd.s32 s3, s5;
	[dreg:$0x0] =	wrdreg $0x0  }
0xae: {  	s5 =	sshll.u32 s28, $0x1;
	[dreg:$0x2] =	wrdreg s3  }
0xaf: {  	[dreg:$0x3] =	wrdreg s5  }
0xb0: {  	[dreg:$0x4] =	wrdreg $0xC0  }
0xb1: {  	_ =	task [dreg:s7], $0x5FFFF  }
0xb2: {  	[dreg:$0x1] =	wrdreg $0xFFFFFFFF  }
0xb3: {  	[dreg:$0x0] =	wrdreg $0x60  }
0xb4: {  	[dreg:$0x2] =	wrdreg s24  }
0xb5: {  	[dreg:$0x3] =	wrdreg s16  }
0xb6: {  	[dreg:$0x4] =	wrdreg $0x9  }
0xb7: {  	_ =	task.clear_ibuf [dreg:s7], $0x5FFFF;
	_ =	strace $0x90000046  }
0xb8: {  	s29 =	simm.s32 $0x9;
	_ =	strace $0x80000048  }
0xb9: {  	_ =	swait.ge [sflag:s29], $0x1  }
0xba: {  	[sflag:s29] =	ssyncadd.s32 $0xFFFFFFFF  }
0xbb: {  	_ =	strace $0x90000048  }
0xbc: {  	_ =	sfence  }
0xbd: {  	s30 =	sld [smem:$0x0];
	_ =	sdelay $0x2  }
0xbe: {  	s31 =	sshll.u32 s1, $0xD;
	s1 =	sshrl.u32 s1, $0x2  }
0xbf: {  	s3 =	sand.u32 $0x4000, s31;
	s1 =	sadd.s32 s1, s30  }
0xc0: {  	s0 =	sor.u32 s3, s0;
	s1 =	sshll.u32 s1, $0x11  }
0xc1: {  	s0 =	sor.u32 s1, s0  }
0xc2: {  	s0 =	sadd.s32 $0x8F2B, s0  }
0xc3: {  	[sflag:s0] =	ssyncadd.remote.s32 $0x1  }
0xc4: {  	_ =	sfence.sel $0xFFFF  }
0xc5: {  	[dreg:$0x0] =	wrdreg $0xFFFFFFFF;
	(pc) =	sbr.abs _section_cstart, $3  }
0xc6: {  	[dreg:$0x1] =	wrdreg $0xFFFFFFFF  }
0xc7: {  	_ =	task.clear_ibuf [dreg:s7], $0x2FFFF;
	_ =	strace $0x9FFFFFFF  }
0xc8: {  	(tm) =	ssettm $0x7FFFFFFF  }
0xc9: {  	_ =	shalt  }
tec
execute0_lowered:
.L_overlay_start_1:
0x0: {  	(tag) =	ssettag $0x1  }
0x1: {  	s4 =	rddreg [dreg:$0x0]  }
0x2: {  	s6 =	rddreg [dreg:$0x1]  }
0x3: {  	s0 =	rddreg [dreg:$0x2];
	s2 =	simm.s32 $0x0;
	s1 =	stileid.u32  }
0x4: {  	s3 =	srdreg.scid;
	[smem:$0x7FF] =	sst s2  }
0x5: {  	s5 =	sshll.u32 s1, $0x14;
	s7 =	sand.u32 $0x1, s3;
	s3 =	sadd.s32 $0x205600, s4  }
0x6: {  	s9 =	sshll.u32 s1, $0x10;
	_ =	strace $0x80000047;
	s5 =	sadd.s32 s5, s4  }
0x7: {  	s29 =	ssub.s32 $0x2, s7;
	s10 =	sshll.u32 s7, $0xF;
	s7 =	sshll.u32 s7, $0x13  }
0x8: {  	s8 =	sshrl.u32 s29, $0x1;
	s30 =	sor.u32 s10, s9;
	s5 =	sadd.s32 s7, s5  }
0x9: {  	s7 =	simm.s32 $0x2;
	s9 =	simm.s32 $0x1;
	s10 =	simm.s32 $0x0  }
0xa: {  	s4 =	ssub.s32 s29, s8;
	s31 =	sshrl.u32 s30, $0x3;
	s5 =	sadd.s32 $0x305600, s5  }
0xb: {  	s8 =	simm.s32 $0x80;
	s4 =	smax.u32 s4, $0x1;
	s6 =	sadd.s32 s31, s6  }
.LBB2_1:
0xc: {  	s11 =	sadd.s32 $0x0, s6  }
0xd: {  	[tilespmem:s2], [sflag:$0x2] =	stream.linear.gather [hbm4b:s11+s2], $0x80, $0x38;
	[tilespmem:$0x4080] =	vst v63  }
0xe: {  	_ =	swait.ge [sflag:s7], $0x80  }
0xf: {  	[sflag:s7] =	ssyncset.done $0x0  }
0x10: {  	[sflag:s7] =	ssyncadd.s32 $0xFFFFFF80  }
0x11: {  	[tilespmem:s8], [sflag:$0x1] =	stream.indirect.gather [hbm4b:s3+s8], $0x80, s2, s8, $0xb8;
	[tilespmem:$0x4080] =	vst v63  }
0x12: {  	_ =	swait.ge [sflag:s9], $0x4000  }
0x13: {  	[sflag:s9] =	ssyncset.done $0x0  }
0x14: {  	[sflag:s9] =	ssyncadd.s32 $0xFFFFC000  }
0x15: {  	[hbm4b:s5+s2] =	stream.linear.scatter [tilespmem:s8], [sflag:$0x2], $0x4000, $0x38;
	[tilespmem:$0x4080] =	vst v63  }
0x16: {  	s12 =	simm.s32 $0x10;
	_ =	swait.ge [sflag:s7], $0x4000  }
0x17: {  	s13 =	simm.s32 $0x20;
	s11 =	sadd.s32 $0x800, s5;
	[sflag:s7] =	ssyncset.done $0x0  }
.LBB2_2:
0x18: {  	s14 =	sadd.s32 s12, s6  }
0x19: {  	[sflag:s7] =	ssyncadd.s32 $0xFFFFC000;
	s12 =	smov.u32 s13;
	s15 =	sadd.s32 $0x10, s13  }
0x1a: {  	[tilespmem:s2], [sflag:$0x2] =	stream.linear.gather [hbm4b:s14+s2], $0x80, $0x38;
	[tilespmem:$0x4080] =	vst v63  }
0x1b: {  	p0 =	sne.s32 s13, $0xFF0;
	_ =	swait.ge [sflag:s7], $0x80  }
0x1c: {  	[sflag:s7] =	ssyncset.done $0x0  }
0x1d: {  	[sflag:s7] =	ssyncadd.s32 $0xFFFFFF80  }
0x1e: {  	[tilespmem:s8], [sflag:$0x1] =	stream.indirect.gather [hbm4b:s3+s8], $0x80, s2, s8, $0xb8;
	[tilespmem:$0x4080] =	vst v63  }
0x1f: {  	_ =	swait.ge [sflag:s9], $0x4000  }
.Ltmp0:
0x20: {  	[sflag:s9] =	ssyncset.done $0x0;
	(pc) =	sbr.rel @p0 .LBB2_2-.Ltmp0, $4  }
0x21: {  	[sflag:s9] =	ssyncadd.s32 $0xFFFFC000  }
0x22: {  	[hbm4b:s11+s2] =	stream.linear.scatter [tilespmem:s8], [sflag:$0x2], $0x4000, $0x38;
	[tilespmem:$0x4080] =	vst v63  }
0x23: {  	_ =	swait.ge [sflag:s7], $0x4000  }
0x24: {  	s13 =	smov.u32 s15;
	s11 =	sadd.s32 $0x800, s11;
	[sflag:s7] =	ssyncset.done $0x0  }
0x25: {  	s12 =	sadd.s32 s12, s6;
	[sflag:s7] =	ssyncadd.s32 $0xFFFFC000  }
0x26: {  	[tilespmem:s2], [sflag:$0x2] =	stream.linear.gather [hbm4b:s12+s2], $0x80, $0x38;
	[tilespmem:$0x4080] =	vst v63  }
0x27: {  	_ =	swait.ge [sflag:s7], $0x80  }
0x28: {  	[sflag:s7] =	ssyncset.done $0x0  }
0x29: {  	[sflag:s7] =	ssyncadd.s32 $0xFFFFFF80  }
0x2a: {  	[tilespmem:s8], [sflag:$0x1] =	stream.indirect.gather [hbm4b:s3+s8], $0x80, s2, s8, $0xb8;
	[tilespmem:$0x4080] =	vst v63  }
0x2b: {  	s10 =	sadd.s32 $0x1, s10;
	_ =	swait.ge [sflag:s9], $0x4000  }
0x2c: {  	p0 =	sne.s32 s10, s4;
	[sflag:s9] =	ssyncset.done $0x0  }
.Ltmp1:
0x2d: {  	[sflag:s9] =	ssyncadd.s32 $0xFFFFC000;
	(pc) =	sbr.rel @p0 .LBB2_1-.Ltmp1, $4  }
0x2e: {  	[hbm4b:s11+s2] =	stream.linear.scatter [tilespmem:s8], [sflag:$0x2], $0x4000, $0x38;
	[tilespmem:$0x4080] =	vst v63  }
0x2f: {  	_ =	swait.ge [sflag:s7], $0x4000  }
0x30: {  	[sflag:s7] =	ssyncset.done $0x0  }
0x31: {  	[sflag:s7] =	ssyncadd.s32 $0xFFFFC000  }
0x32: {  	_ =	sfence.sel $0x180000  }
0x33: {  	[bflag:$0x0] =	sbarrier.arrive $0xFFFF  }
0x34: {  	p0 =	sne.s32 s1, $0x0;
	_ =	strace $0x90000047  }
0x35: {  	s0 =	sadd.s32 @!p0 $0x100000, s0;
	[bflag:$0x2] =	sbarrier.arrive $0xFFFF  }
0x36: {  	[sflag:s0] =	ssyncadd.tile.s32 @!p0 $0x1;
	_ =	shalt  }
.Lfunc_end2:
_tile_overlayer_lowered:
.L_overlay_start_2:
0x37: {  	(tag) =	ssettag $0x2  }
0x38: {  	s0 =	rddreg [dreg:$0x0];
	s2 =	stileid.u32  }
0x39: {  	s1 =	rddreg [dreg:$0x1];
	p0 =	sne.s32 s2, $0x0  }
0x3a: {  	s3 =	rddreg [dreg:$0x2];
	[bflag:$0x3] =	sbarrier.arrive $0xFFFF;
	s2 =	simm.s32 @!p0 $0x1C02  }
0x3b: {  	[timem:s3], [sflag:s2] =	dma.local @!p0 [hbm:s0], s1  }
0x3c: {  	s0 =	simm.s32 @!p0 $0x2  }
0x3d: {  	_ =	swait.ge @!p0 [sflag:s0], s1  }
0x3e: {  	s1 =	ssub.s32 @!p0 $0x0, s1;
	[sflag:s0] =	ssyncset.done @!p0 $0x0  }
0x3f: {  	[sflag:s0] =	ssyncadd.s32 @!p0 s1  }
0x40: {  	[bflag:$0x3] =	sbarrier.arrive $0xFFFF  }
0x41: {  	_ =	shalt  }

</sc_bundles>
